<compile_context>
chip_gen: v7x
topology: tpu7x:2x2x1
jax: 0.10.2.dev20260603
libtpu: 0.0.44.dev20260713+nightly
codegen_flags: <defaults>
</compile_context>

<pallas_src>
import functools

import jax
import jax.numpy as jnp
from jax import lax
from jax.experimental import pallas as pl
from jax.experimental.pallas import tpu as pltpu
from jax.experimental.pallas import tpu_sc as plsc

NC = 2
NS = 16
C = 80
G = 25
LANES = 16
ZR = 16


def _sc_partials(x, srcr, dstr, kr, n_pad, d_feat, nb):
    rows_per_tile = n_pad // NS
    assert rows_per_tile % ZR == 0

    mesh = plsc.VectorSubcoreMesh(core_axis_name="c", subcore_axis_name="s")

    @functools.partial(
        pl.kernel,
        out_type=jax.ShapeDtypeStruct((NC, n_pad, d_feat), jnp.float32),
        mesh=mesh,
        compiler_params=pltpu.CompilerParams(use_tc_tiling_on_sc=False),
        scratch_types=[
            pltpu.VMEM((G, C), jnp.int32),
            pltpu.VMEM((G, C), jnp.int32),
            pltpu.VMEM((G, C), jnp.float32),
            pltpu.VMEM((C, d_feat), jnp.float32),
            pltpu.VMEM((ZR, d_feat), jnp.float32),
            pltpu.VMEM_SHARED((n_pad, d_feat), jnp.float32),
            pltpu.SemaphoreType.DMA,
        ],
    )
    def sc_kernel(x_hbm, src_hbm, dst_hbm, k_hbm, part_hbm,
                  src_v, dst_v, k_v, rows_v, zbuf_v, acc_sh, sem):
        c = lax.axis_index("c")
        s = lax.axis_index("s")
        wid = s * NC + c

        zero16 = jnp.zeros((LANES,), jnp.float32)
        def zero_row(i, _):
            for t in range(d_feat // LANES):
                zbuf_v[i, pl.ds(t * LANES, LANES)] = zero16
            return 0
        lax.fori_loop(0, ZR, zero_row, 0)

        def zcopy(t, _):
            pltpu.sync_copy(zbuf_v,
                            acc_sh.at[pl.ds(s * rows_per_tile + t * ZR, ZR)])
            return 0
        lax.fori_loop(0, rows_per_tile // ZR, zcopy, 0)

        plsc.subcore_barrier()

        def block_body(jj, _):
            blk = wid * nb + jj
            pltpu.sync_copy(src_hbm.at[blk], src_v)
            pltpu.sync_copy(dst_hbm.at[blk], dst_v)
            pltpu.sync_copy(k_hbm.at[blk], k_v)

            def chunk_body(g, _):
                pltpu.async_copy(x_hbm.at[src_v.at[g]], rows_v, sem).wait()

                def scale_group(q, _):
                    kk = k_v[g, pl.ds(q * LANES, LANES)]
                    e0 = q * LANES
                    for i in range(LANES):
                        kv = kk[i]
                        for t in range(d_feat // LANES):
                            sl = pl.ds(t * LANES, LANES)
                            rows_v[e0 + i, sl] = rows_v[e0 + i, sl] * kv
                    return 0
                lax.fori_loop(0, C // LANES, scale_group, 0)

                pltpu.sync_copy(rows_v, acc_sh.at[dst_v.at[g]], add=True)
                return 0
            lax.fori_loop(0, G, chunk_body, 0)
            return 0
        lax.fori_loop(0, nb, block_body, 0)

        plsc.subcore_barrier()

        sl = pl.ds(s * rows_per_tile, rows_per_tile)
        pltpu.sync_copy(acc_sh.at[sl], part_hbm.at[c, sl])

    return sc_kernel(x, srcr, dstr, kr)


def _combine(p, b2, n_nodes, d_feat):
    blk = 400
    assert n_nodes % blk == 0

    def body(p_ref, b_ref, o_ref):
        o_ref[...] = p_ref[0] + p_ref[1] + b_ref[...]

    return pl.pallas_call(
        body,
        out_shape=jax.ShapeDtypeStruct((n_nodes, d_feat), jnp.float32),
        grid=(n_nodes // blk,),
        in_specs=[
            pl.BlockSpec((NC, blk, d_feat), lambda i: (0, i, 0)),
            pl.BlockSpec((blk, 1), lambda i: (i, 0)),
        ],
        out_specs=pl.BlockSpec((blk, d_feat), lambda i: (i, 0)),
    )(p, b2)


def kernel(x, edge_index, k, b):
    n_nodes, d_feat = x.shape
    n_edges = edge_index.shape[1]
    nw = NC * NS
    assert n_edges % (nw * G * C) == 0
    nb = n_edges // (nw * G * C)

    srcr = edge_index[0].reshape(nw * nb, G, C)
    dstr = edge_index[1].reshape(nw * nb, G, C)
    kr = k.reshape(nw * nb, G, C)

    n_pad = ((n_nodes + NS * ZR - 1) // (NS * ZR)) * NS * ZR
    p = _sc_partials(x, srcr, dstr, kr, n_pad, d_feat, nb)
    return _combine(p, b[:, None], n_nodes, d_feat)

# --- scband reference (transcript-rebuilt; emitter-appended) ---
"""Pipeline reference for scband-live-net-83923660963904 (READ-ONLY COPY).

The authoritative reference and input builder live on the scoring server;
editing this copy changes nothing except your own understanding.
"""

import jax, jax.numpy as jnp
import numpy as np
import math

N = 10000   # n_nodes (neurons)
E = 320000  # n_edges (synapses)
D = 128     # d_feat


def setup_inputs(seed: int = 0) -> dict:
    key = jax.random.key(seed)
    k1, k2, k3 = jax.random.split(key, 3)
    # node features (source neuron outputs)
    x = jax.random.normal(k1, (N, D), dtype=jnp.float32)
    # edges: row 0 = source neuron id, row 1 = destination neuron id
    edge_index = jax.random.randint(k2, (2, E), 0, N, dtype=jnp.int32)
    # Synapse.init_weight: k ~ U(-v, v) with v = sqrt(1/len(destination.dendrites));
    # average in-degree is E/N = 32
    v = math.sqrt(1.0 / (E / N))
    k = jax.random.uniform(k3, (E,), minval=-v, maxval=v, dtype=jnp.float32)
    # DestinationNeuron bias b: obtained as torch.tensor(0.0) per neuron
    b = jnp.zeros((N,), dtype=jnp.float32)
    return {"x": x, "edge_index": edge_index, "k": k, "b": b}


def reference(x, edge_index, k, b):
    # Synapse._compute_output: output = k * source.compute_output()
    # DestinationNeuron._compute_output: b + sum over dendrites, activation=identity
    src = edge_index[0]
    dst = edge_index[1]
    msgs = k[:, None] * jnp.take(x, src, axis=0)          # gather + per-synapse scale
    agg = jax.ops.segment_sum(msgs, dst, num_segments=N)  # scatter-add over destinations
    out = agg + b[:, None]                                # add per-destination bias
    return out

if __name__ == "__main__":
    import jax
    _d = setup_inputs()
    print(jax.jit(kernel)(*tuple(_d.values())))

</pallas_src>

<mosaic_0001>
#map = affine_map<(d0, d1) -> (0, 0)>
#map1 = affine_map<(d0, d1) -> (0, 0, 0)>
module attributes {stable_mosaic.version = 14 : i64} {
  func.func @sc_kernel(%arg0: i32, %arg1: i32, %arg2: memref<10000x128xf32, #tpu.memory_space<hbm>>, %arg3: memref<160x25x80xi32, #tpu.memory_space<hbm>>, %arg4: memref<160x25x80xi32, #tpu.memory_space<hbm>>, %arg5: memref<160x25x80xf32, #tpu.memory_space<hbm>>, %arg6: memref<2x10240x128xf32, #tpu.memory_space<hbm>>, %arg7: memref<25x80xi32, #tpu.memory_space<vmem>>, %arg8: memref<25x80xi32, #tpu.memory_space<vmem>>, %arg9: memref<25x80xf32, #tpu.memory_space<vmem>>, %arg10: memref<80x128xf32, #tpu.memory_space<vmem>>, %arg11: memref<16x128xf32, #tpu.memory_space<vmem>>, %arg12: memref<10240x128xf32, #tpu.memory_space<vmem_shared>>, %arg13: memref<!tpu.dma_semaphore, #tpu.memory_space<semaphore_mem>>) attributes {dimension_semantics = [#tpu.dimension_semantics<core_parallel>, #tpu.dimension_semantics<subcore_parallel>], iteration_bounds = array<i64: 2, 16>, scalar_prefetch = 0 : i64, scratch_operands = 7 : i64, tpu.core_type = #tpu.core_type<sc_vector_subcore>, window_params = [{transform_indices = #map}, {transform_indices = #map1}, {transform_indices = #map1}, {transform_indices = #map1}, {transform_indices = #map1}]} {
    %mul3A = arith.constant 2 : i32
    %mul3A_0 = arith.muli %arg1, %mul3A : i32
    %add3A = arith.addi %mul3A_0, %arg0 : i32
    %broadcast_in_dim3A = arith.constant 0.000000e+00 : f32
    %broadcast_in_dim3A_1 = vector.broadcast %broadcast_in_dim3A : f32 to vector<16xf32>
    %scan3A = arith.constant 0 : i32
    %scan3A_2 = arith.constant 0 : i32
    %scan3A_3 = arith.constant 16 : i32
    %scan3A_4 = arith.addi %scan3A_2, %scan3A_3 : i32
    %scan3A_5 = arith.constant 1 : i32
    %scan3A_6 = scf.for %scan3A_25 = %scan3A_2 to %scan3A_4 step %scan3A_5 iter_args(%scan3A_26 = %scan3A) -> (i32)  : i32 {
      %swap3A = arith.index_cast %scan3A_25 : i32 to index
      %swap3A_27 = arith.constant 0 : index
      %swap3A_28 = tpu.vector_load %arg11[%swap3A, %swap3A_27] {strides = array<i32>} : memref<16x128xf32, #tpu.memory_space<vmem>>, vector<1x16xf32>,
      %swap3A_29 = vector.shape_cast %swap3A_28 : vector<1x16xf32> to vector<16xf32>
      %swap3A_30 = vector.shape_cast %broadcast_in_dim3A_1 : vector<16xf32> to vector<1x16xf32>
      tpu.vector_store %arg11[%swap3A, %swap3A_27], %swap3A_30 {strides = array<i32>} : memref<16x128xf32, #tpu.memory_space<vmem>>, vector<1x16xf32>,
      %swap3A_31 = arith.index_cast %scan3A_25 : i32 to index
      %swap3A_32 = arith.constant 16 : index
      %swap3A_33 = tpu.vector_load %arg11[%swap3A_31, %swap3A_32] {strides = array<i32>} : memref<16x128xf32, #tpu.memory_space<vmem>>, vector<1x16xf32>,
      %swap3A_34 = vector.shape_cast %swap3A_33 : vector<1x16xf32> to vector<16xf32>
      %swap3A_35 = vector.shape_cast %broadcast_in_dim3A_1 : vector<16xf32> to vector<1x16xf32>
      tpu.vector_store %arg11[%swap3A_31, %swap3A_32], %swap3A_35 {strides = array<i32>} : memref<16x128xf32, #tpu.memory_space<vmem>>, vector<1x16xf32>,
      %swap3A_36 = arith.index_cast %scan3A_25 : i32 to index
      %swap3A_37 = arith.constant 32 : index
      %swap3A_38 = tpu.vector_load %arg11[%swap3A_36, %swap3A_37] {strides = array<i32>} : memref<16x128xf32, #tpu.memory_space<vmem>>, vector<1x16xf32>,
      %swap3A_39 = vector.shape_cast %swap3A_38 : vector<1x16xf32> to vector<16xf32>
      %swap3A_40 = vector.shape_cast %broadcast_in_dim3A_1 : vector<16xf32> to vector<1x16xf32>
      tpu.vector_store %arg11[%swap3A_36, %swap3A_37], %swap3A_40 {strides = array<i32>} : memref<16x128xf32, #tpu.memory_space<vmem>>, vector<1x16xf32>,
      %swap3A_41 = arith.index_cast %scan3A_25 : i32 to index
      %swap3A_42 = arith.constant 48 : index
      %swap3A_43 = tpu.vector_load %arg11[%swap3A_41, %swap3A_42] {strides = array<i32>} : memref<16x128xf32, #tpu.memory_space<vmem>>, vector<1x16xf32>,
      %swap3A_44 = vector.shape_cast %swap3A_43 : vector<1x16xf32> to vector<16xf32>
      %swap3A_45 = vector.shape_cast %broadcast_in_dim3A_1 : vector<16xf32> to vector<1x16xf32>
      tpu.vector_store %arg11[%swap3A_41, %swap3A_42], %swap3A_45 {strides = array<i32>} : memref<16x128xf32, #tpu.memory_space<vmem>>, vector<1x16xf32>,
      %swap3A_46 = arith.index_cast %scan3A_25 : i32 to index
      %swap3A_47 = arith.constant 64 : index
      %swap3A_48 = tpu.vector_load %arg11[%swap3A_46, %swap3A_47] {strides = array<i32>} : memref<16x128xf32, #tpu.memory_space<vmem>>, vector<1x16xf32>,
      %swap3A_49 = vector.shape_cast %swap3A_48 : vector<1x16xf32> to vector<16xf32>
      %swap3A_50 = vector.shape_cast %broadcast_in_dim3A_1 : vector<16xf32> to vector<1x16xf32>
      tpu.vector_store %arg11[%swap3A_46, %swap3A_47], %swap3A_50 {strides = array<i32>} : memref<16x128xf32, #tpu.memory_space<vmem>>, vector<1x16xf32>,
      %swap3A_51 = arith.index_cast %scan3A_25 : i32 to index
      %swap3A_52 = arith.constant 80 : index
      %swap3A_53 = tpu.vector_load %arg11[%swap3A_51, %swap3A_52] {strides = array<i32>} : memref<16x128xf32, #tpu.memory_space<vmem>>, vector<1x16xf32>,
      %swap3A_54 = vector.shape_cast %swap3A_53 : vector<1x16xf32> to vector<16xf32>
      %swap3A_55 = vector.shape_cast %broadcast_in_dim3A_1 : vector<16xf32> to vector<1x16xf32>
      tpu.vector_store %arg11[%swap3A_51, %swap3A_52], %swap3A_55 {strides = array<i32>} : memref<16x128xf32, #tpu.memory_space<vmem>>, vector<1x16xf32>,
      %swap3A_56 = arith.index_cast %scan3A_25 : i32 to index
      %swap3A_57 = arith.constant 96 : index
      %swap3A_58 = tpu.vector_load %arg11[%swap3A_56, %swap3A_57] {strides = array<i32>} : memref<16x128xf32, #tpu.memory_space<vmem>>, vector<1x16xf32>,
      %swap3A_59 = vector.shape_cast %swap3A_58 : vector<1x16xf32> to vector<16xf32>
      %swap3A_60 = vector.shape_cast %broadcast_in_dim3A_1 : vector<16xf32> to vector<1x16xf32>
      tpu.vector_store %arg11[%swap3A_56, %swap3A_57], %swap3A_60 {strides = array<i32>} : memref<16x128xf32, #tpu.memory_space<vmem>>, vector<1x16xf32>,
      %swap3A_61 = arith.index_cast %scan3A_25 : i32 to index
      %swap3A_62 = arith.constant 112 : index
      %swap3A_63 = tpu.vector_load %arg11[%swap3A_61, %swap3A_62] {strides = array<i32>} : memref<16x128xf32, #tpu.memory_space<vmem>>, vector<1x16xf32>,
      %swap3A_64 = vector.shape_cast %swap3A_63 : vector<1x16xf32> to vector<16xf32>
      %swap3A_65 = vector.shape_cast %broadcast_in_dim3A_1 : vector<16xf32> to vector<1x16xf32>
      tpu.vector_store %arg11[%swap3A_61, %swap3A_62], %swap3A_65 {strides = array<i32>} : memref<16x128xf32, #tpu.memory_space<vmem>>, vector<1x16xf32>,
      %scan3A_66 = arith.constant 0 : i32
      scf.yield %scan3A_66 : i32
    }
    %scan3A_7 = arith.constant 16 : i32
    %scan3A_8 = arith.constant 0 : i32
    %scan3A_9 = arith.constant 0 : i32
    %scan3A_10 = arith.constant 40 : i32
    %scan3A_11 = arith.addi %scan3A_9, %scan3A_10 : i32
    %scan3A_12 = arith.constant 1 : i32
    %scan3A_13 = scf.for %scan3A_25 = %scan3A_9 to %scan3A_11 step %scan3A_12 iter_args(%scan3A_26 = %scan3A_8) -> (i32)  : i32 {
      %mul3A_27 = arith.constant 640 : i32
      %mul3A_28 = arith.muli %arg1, %mul3A_27 : i32
      %mul3A_29 = arith.constant 16 : i32
      %mul3A_30 = arith.muli %scan3A_25, %mul3A_29 : i32
      %add3A_31 = arith.addi %mul3A_28, %mul3A_30 : i32
      "tpu.region"() ({
        %run_scoped3A = tpu.sem_alloc : memref<!tpu.dma_semaphore, #tpu.memory_space<semaphore_mem>>
        %dma_start3A = arith.constant 0 : i32
        %dma_start3A_33 = tpu.memref_slice %arg12[%add3A_31, %dma_start3A] : memref<10240x128xf32, #tpu.memory_space<vmem_shared>> -> memref<16x128xf32, #tpu.memory_space<vmem_shared>>
        %dma_start3A_34 = arith.constant 0 : i32
        %dma_start3A_35 = tpu.memref_slice %arg12[%add3A_31, %dma_start3A_34] : memref<10240x128xf32, #tpu.memory_space<vmem_shared>> -> memref<16x128xf32, #tpu.memory_space<vmem_shared>>
        tpu.enqueue_dma source(%arg11 : memref<16x128xf32, #tpu.memory_space<vmem>>) target(%dma_start3A_35 : memref<16x128xf32, #tpu.memory_space<vmem_shared>>) target_semaphore(%run_scoped3A : memref<!tpu.dma_semaphore, #tpu.memory_space<semaphore_mem>>)
        %dma_wait3A = arith.constant 0 : i32
        %dma_wait3A_36 = tpu.memref_slice %arg12[%add3A_31, %dma_wait3A] : memref<10240x128xf32, #tpu.memory_space<vmem_shared>> -> memref<16x128xf32, #tpu.memory_space<vmem_shared>>
        %dma_wait3A_37 = arith.constant 0 : i32
        %dma_wait3A_38 = tpu.memref_slice %arg12[%add3A_31, %dma_wait3A_37] : memref<10240x128xf32, #tpu.memory_space<vmem_shared>> -> memref<16x128xf32, #tpu.memory_space<vmem_shared>>
        tpu.wait_dma2 semaphore(%run_scoped3A : memref<!tpu.dma_semaphore, #tpu.memory_space<semaphore_mem>>) src(%arg11 : memref<16x128xf32, #tpu.memory_space<vmem>>) dst(%dma_wait3A_38 : memref<16x128xf32, #tpu.memory_space<vmem_shared>>)
        tpu.yield
      }) : () -> ()
      %scan3A_32 = arith.constant 0 : i32
      scf.yield %scan3A_32 : i32
    }
    %scan3A_14 = arith.constant 40 : i32
    %barrier3A = arith.constant 0 : index
    tpu.barrier barrier_id(%barrier3A)
    %scan3A_15 = arith.constant 0 : i32
    %scan3A_16 = arith.constant 0 : i32
    %scan3A_17 = arith.constant 5 : i32
    %scan3A_18 = arith.addi %scan3A_16, %scan3A_17 : i32
    %scan3A_19 = arith.constant 1 : i32
    %scan3A_20 = scf.for %scan3A_25 = %scan3A_16 to %scan3A_18 step %scan3A_19 iter_args(%scan3A_26 = %scan3A_15) -> (i32)  : i32 {
      %mul3A_27 = arith.constant 5 : i32
      %mul3A_28 = arith.muli %add3A, %mul3A_27 : i32
      %add3A_29 = arith.addi %mul3A_28, %scan3A_25 : i32
      "tpu.region"() ({
        %run_scoped3A = tpu.sem_alloc : memref<!tpu.dma_semaphore, #tpu.memory_space<semaphore_mem>>
        %dma_start3A = arith.constant 0 : i32
        %dma_start3A_38 = arith.constant 0 : i32
        %dma_start3A_39 = tpu.memref_slice %arg3[%add3A_29, %dma_start3A, %dma_start3A_38] : memref<160x25x80xi32, #tpu.memory_space<hbm>> -> memref<1x25x80xi32, #tpu.memory_space<hbm>>
        %dma_start3A_40 = tpu.memref_squeeze %dma_start3A_39 : memref<1x25x80xi32, #tpu.memory_space<hbm>> -> memref<25x80xi32, #tpu.memory_space<hbm>>
        %dma_start3A_41 = arith.constant 0 : i32
        %dma_start3A_42 = arith.constant 0 : i32
        %dma_start3A_43 = tpu.memref_slice %arg3[%add3A_29, %dma_start3A_41, %dma_start3A_42] : memref<160x25x80xi32, #tpu.memory_space<hbm>> -> memref<1x25x80xi32, #tpu.memory_space<hbm>>
        %dma_start3A_44 = tpu.memref_squeeze %dma_start3A_43 : memref<1x25x80xi32, #tpu.memory_space<hbm>> -> memref<25x80xi32, #tpu.memory_space<hbm>>
        tpu.enqueue_dma source(%dma_start3A_44 : memref<25x80xi32, #tpu.memory_space<hbm>>) target(%arg7 : memref<25x80xi32, #tpu.memory_space<vmem>>) target_semaphore(%run_scoped3A : memref<!tpu.dma_semaphore, #tpu.memory_space<semaphore_mem>>)
        %dma_wait3A = arith.constant 0 : i32
        %dma_wait3A_45 = arith.constant 0 : i32
        %dma_wait3A_46 = tpu.memref_slice %arg3[%add3A_29, %dma_wait3A, %dma_wait3A_45] : memref<160x25x80xi32, #tpu.memory_space<hbm>> -> memref<1x25x80xi32, #tpu.memory_space<hbm>>
        %dma_wait3A_47 = tpu.memref_squeeze %dma_wait3A_46 : memref<1x25x80xi32, #tpu.memory_space<hbm>> -> memref<25x80xi32, #tpu.memory_space<hbm>>
        %dma_wait3A_48 = arith.constant 0 : i32
        %dma_wait3A_49 = arith.constant 0 : i32
        %dma_wait3A_50 = tpu.memref_slice %arg3[%add3A_29, %dma_wait3A_48, %dma_wait3A_49] : memref<160x25x80xi32, #tpu.memory_space<hbm>> -> memref<1x25x80xi32, #tpu.memory_space<hbm>>
        %dma_wait3A_51 = tpu.memref_squeeze %dma_wait3A_50 : memref<1x25x80xi32, #tpu.memory_space<hbm>> -> memref<25x80xi32, #tpu.memory_space<hbm>>
        tpu.wait_dma2 semaphore(%run_scoped3A : memref<!tpu.dma_semaphore, #tpu.memory_space<semaphore_mem>>) src(%dma_wait3A_51 : memref<25x80xi32, #tpu.memory_space<hbm>>) dst(%arg7 : memref<25x80xi32, #tpu.memory_space<vmem>>)
        tpu.yield
      }) : () -> ()
      "tpu.region"() ({
        %run_scoped3A = tpu.sem_alloc : memref<!tpu.dma_semaphore, #tpu.memory_space<semaphore_mem>>
        %dma_start3A = arith.constant 0 : i32
        %dma_start3A_38 = arith.constant 0 : i32
        %dma_start3A_39 = tpu.memref_slice %arg4[%add3A_29, %dma_start3A, %dma_start3A_38] : memref<160x25x80xi32, #tpu.memory_space<hbm>> -> memref<1x25x80xi32, #tpu.memory_space<hbm>>
        %dma_start3A_40 = tpu.memref_squeeze %dma_start3A_39 : memref<1x25x80xi32, #tpu.memory_space<hbm>> -> memref<25x80xi32, #tpu.memory_space<hbm>>
        %dma_start3A_41 = arith.constant 0 : i32
        %dma_start3A_42 = arith.constant 0 : i32
        %dma_start3A_43 = tpu.memref_slice %arg4[%add3A_29, %dma_start3A_41, %dma_start3A_42] : memref<160x25x80xi32, #tpu.memory_space<hbm>> -> memref<1x25x80xi32, #tpu.memory_space<hbm>>
        %dma_start3A_44 = tpu.memref_squeeze %dma_start3A_43 : memref<1x25x80xi32, #tpu.memory_space<hbm>> -> memref<25x80xi32, #tpu.memory_space<hbm>>
        tpu.enqueue_dma source(%dma_start3A_44 : memref<25x80xi32, #tpu.memory_space<hbm>>) target(%arg8 : memref<25x80xi32, #tpu.memory_space<vmem>>) target_semaphore(%run_scoped3A : memref<!tpu.dma_semaphore, #tpu.memory_space<semaphore_mem>>)
        %dma_wait3A = arith.constant 0 : i32
        %dma_wait3A_45 = arith.constant 0 : i32
        %dma_wait3A_46 = tpu.memref_slice %arg4[%add3A_29, %dma_wait3A, %dma_wait3A_45] : memref<160x25x80xi32, #tpu.memory_space<hbm>> -> memref<1x25x80xi32, #tpu.memory_space<hbm>>
        %dma_wait3A_47 = tpu.memref_squeeze %dma_wait3A_46 : memref<1x25x80xi32, #tpu.memory_space<hbm>> -> memref<25x80xi32, #tpu.memory_space<hbm>>
        %dma_wait3A_48 = arith.constant 0 : i32
        %dma_wait3A_49 = arith.constant 0 : i32
        %dma_wait3A_50 = tpu.memref_slice %arg4[%add3A_29, %dma_wait3A_48, %dma_wait3A_49] : memref<160x25x80xi32, #tpu.memory_space<hbm>> -> memref<1x25x80xi32, #tpu.memory_space<hbm>>
        %dma_wait3A_51 = tpu.memref_squeeze %dma_wait3A_50 : memref<1x25x80xi32, #tpu.memory_space<hbm>> -> memref<25x80xi32, #tpu.memory_space<hbm>>
        tpu.wait_dma2 semaphore(%run_scoped3A : memref<!tpu.dma_semaphore, #tpu.memory_space<semaphore_mem>>) src(%dma_wait3A_51 : memref<25x80xi32, #tpu.memory_space<hbm>>) dst(%arg8 : memref<25x80xi32, #tpu.memory_space<vmem>>)
        tpu.yield
      }) : () -> ()
      "tpu.region"() ({
        %run_scoped3A = tpu.sem_alloc : memref<!tpu.dma_semaphore, #tpu.memory_space<semaphore_mem>>
        %dma_start3A = arith.constant 0 : i32
        %dma_start3A_38 = arith.constant 0 : i32
        %dma_start3A_39 = tpu.memref_slice %arg5[%add3A_29, %dma_start3A, %dma_start3A_38] : memref<160x25x80xf32, #tpu.memory_space<hbm>> -> memref<1x25x80xf32, #tpu.memory_space<hbm>>
        %dma_start3A_40 = tpu.memref_squeeze %dma_start3A_39 : memref<1x25x80xf32, #tpu.memory_space<hbm>> -> memref<25x80xf32, #tpu.memory_space<hbm>>
        %dma_start3A_41 = arith.constant 0 : i32
        %dma_start3A_42 = arith.constant 0 : i32
        %dma_start3A_43 = tpu.memref_slice %arg5[%add3A_29, %dma_start3A_41, %dma_start3A_42] : memref<160x25x80xf32, #tpu.memory_space<hbm>> -> memref<1x25x80xf32, #tpu.memory_space<hbm>>
        %dma_start3A_44 = tpu.memref_squeeze %dma_start3A_43 : memref<1x25x80xf32, #tpu.memory_space<hbm>> -> memref<25x80xf32, #tpu.memory_space<hbm>>
        tpu.enqueue_dma source(%dma_start3A_44 : memref<25x80xf32, #tpu.memory_space<hbm>>) target(%arg9 : memref<25x80xf32, #tpu.memory_space<vmem>>) target_semaphore(%run_scoped3A : memref<!tpu.dma_semaphore, #tpu.memory_space<semaphore_mem>>)
        %dma_wait3A = arith.constant 0 : i32
        %dma_wait3A_45 = arith.constant 0 : i32
        %dma_wait3A_46 = tpu.memref_slice %arg5[%add3A_29, %dma_wait3A, %dma_wait3A_45] : memref<160x25x80xf32, #tpu.memory_space<hbm>> -> memref<1x25x80xf32, #tpu.memory_space<hbm>>
        %dma_wait3A_47 = tpu.memref_squeeze %dma_wait3A_46 : memref<1x25x80xf32, #tpu.memory_space<hbm>> -> memref<25x80xf32, #tpu.memory_space<hbm>>
        %dma_wait3A_48 = arith.constant 0 : i32
        %dma_wait3A_49 = arith.constant 0 : i32
        %dma_wait3A_50 = tpu.memref_slice %arg5[%add3A_29, %dma_wait3A_48, %dma_wait3A_49] : memref<160x25x80xf32, #tpu.memory_space<hbm>> -> memref<1x25x80xf32, #tpu.memory_space<hbm>>
        %dma_wait3A_51 = tpu.memref_squeeze %dma_wait3A_50 : memref<1x25x80xf32, #tpu.memory_space<hbm>> -> memref<25x80xf32, #tpu.memory_space<hbm>>
        tpu.wait_dma2 semaphore(%run_scoped3A : memref<!tpu.dma_semaphore, #tpu.memory_space<semaphore_mem>>) src(%dma_wait3A_51 : memref<25x80xf32, #tpu.memory_space<hbm>>) dst(%arg9 : memref<25x80xf32, #tpu.memory_space<vmem>>)
        tpu.yield
      }) : () -> ()
      %scan3A_30 = arith.constant 0 : i32
      %scan3A_31 = arith.constant 0 : i32
      %scan3A_32 = arith.constant 25 : i32
      %scan3A_33 = arith.addi %scan3A_31, %scan3A_32 : i32
      %scan3A_34 = arith.constant 1 : i32
      %scan3A_35 = scf.for %scan3A_38 = %scan3A_31 to %scan3A_33 step %scan3A_34 iter_args(%scan3A_39 = %scan3A_30) -> (i32)  : i32 {
        %dma_start3A = arith.constant 0 : i32
        %dma_start3A_40 = tpu.memref_slice %arg7[%scan3A_38, %dma_start3A] : memref<25x80xi32, #tpu.memory_space<vmem>> -> memref<1x80xi32, #tpu.memory_space<vmem>>
        %dma_start3A_41 = tpu.memref_squeeze %dma_start3A_40 : memref<1x80xi32, #tpu.memory_space<vmem>> -> memref<80xi32, #tpu.memory_space<vmem>>
        %dma_start3A_42 = arith.constant 0 : i32
        %dma_start3A_43 = arith.constant 0 : i32
        %dma_start3A_44 = tpu.memref_slice %arg2[%dma_start3A_42, %dma_start3A_43] : memref<10000x128xf32, #tpu.memory_space<hbm>> -> memref<10000x128xf32, #tpu.memory_space<hbm>>
        tpu.enqueue_indirect_dma source(%dma_start3A_44 : memref<10000x128xf32, #tpu.memory_space<hbm>>) target(%arg10 : memref<80x128xf32, #tpu.memory_space<vmem>>) offsets(%dma_start3A_41 : memref<80xi32, #tpu.memory_space<vmem>>) semaphore(%arg13 : memref<!tpu.dma_semaphore, #tpu.memory_space<semaphore_mem>>)
        %dma_wait3A = arith.constant 0 : i32
        %dma_wait3A_45 = tpu.memref_slice %arg7[%scan3A_38, %dma_wait3A] : memref<25x80xi32, #tpu.memory_space<vmem>> -> memref<1x80xi32, #tpu.memory_space<vmem>>
        %dma_wait3A_46 = tpu.memref_squeeze %dma_wait3A_45 : memref<1x80xi32, #tpu.memory_space<vmem>> -> memref<80xi32, #tpu.memory_space<vmem>>
        %dma_wait3A_47 = arith.constant 0 : i32
        %dma_wait3A_48 = arith.constant 0 : i32
        %dma_wait3A_49 = tpu.memref_slice %arg2[%dma_wait3A_47, %dma_wait3A_48] : memref<10000x128xf32, #tpu.memory_space<hbm>> -> memref<10000x128xf32, #tpu.memory_space<hbm>>
        tpu.wait_indirect_dma semaphore(%arg13 : memref<!tpu.dma_semaphore, #tpu.memory_space<semaphore_mem>>) src(%dma_wait3A_49 : memref<10000x128xf32, #tpu.memory_space<hbm>>) dst(%arg10 : memref<80x128xf32, #tpu.memory_space<vmem>>)
        %scan3A_50 = arith.constant 0 : i32
        %scan3A_51 = arith.constant 0 : i32
        %scan3A_52 = arith.constant 5 : i32
        %scan3A_53 = arith.addi %scan3A_51, %scan3A_52 : i32
        %scan3A_54 = arith.constant 1 : i32
        %scan3A_55 = scf.for %scan3A_58 = %scan3A_51 to %scan3A_53 step %scan3A_54 iter_args(%scan3A_59 = %scan3A_50) -> (i32)  : i32 {
          %mul3A_60 = arith.constant 16 : i32
          %mul3A_61 = arith.muli %scan3A_58, %mul3A_60 : i32
          %get3A = arith.index_cast %scan3A_38 : i32 to index
          %get3A_62 = arith.index_cast %mul3A_61 : i32 to index
          %get3A_63 = tpu.vector_load %arg9[%get3A, %get3A_62] {strides = array<i32>} : memref<25x80xf32, #tpu.memory_space<vmem>>, vector<1x16xf32>,
          %get3A_64 = vector.shape_cast %get3A_63 : vector<1x16xf32> to vector<16xf32>
          %mul3A_65 = arith.constant 16 : i32
          %mul3A_66 = arith.muli %scan3A_58, %mul3A_65 : i32
          %slice3A = vector.extract_strided_slice %get3A_64 {offsets = [0], sizes = [1], strides = [1]} : vector<16xf32> to vector<1xf32>
          %squeeze3A = vector.extract %slice3A[0] : f32 from vector<1xf32>
          %add3A_67 = arith.constant 0 : i32
          %add3A_68 = arith.addi %mul3A_66, %add3A_67 : i32
          %get3A_69 = arith.index_cast %add3A_68 : i32 to index
          %get3A_70 = arith.constant 0 : index
          %get3A_71 = tpu.vector_load %arg10[%get3A_69, %get3A_70] {strides = array<i32>} : memref<80x128xf32, #tpu.memory_space<vmem>>, vector<1x16xf32>,
          %get3A_72 = vector.shape_cast %get3A_71 : vector<1x16xf32> to vector<16xf32>
          %mul3A_73 = vector.broadcast %squeeze3A : f32 to vector<16xf32>
          %mul3A_74 = arith.mulf %get3A_72, %mul3A_73 : vector<16xf32>
          %add3A_75 = arith.constant 0 : i32
          %add3A_76 = arith.addi %mul3A_66, %add3A_75 : i32
          %swap3A = arith.index_cast %add3A_76 : i32 to index
          %swap3A_77 = arith.constant 0 : index
          %swap3A_78 = tpu.vector_load %arg10[%swap3A, %swap3A_77] {strides = array<i32>} : memref<80x128xf32, #tpu.memory_space<vmem>>, vector<1x16xf32>,
          %swap3A_79 = vector.shape_cast %swap3A_78 : vector<1x16xf32> to vector<16xf32>
          %swap3A_80 = vector.shape_cast %mul3A_74 : vector<16xf32> to vector<1x16xf32>
          tpu.vector_store %arg10[%swap3A, %swap3A_77], %swap3A_80 {strides = array<i32>} : memref<80x128xf32, #tpu.memory_space<vmem>>, vector<1x16xf32>,
          %add3A_81 = arith.constant 0 : i32
          %add3A_82 = arith.addi %mul3A_66, %add3A_81 : i32
          %get3A_83 = arith.index_cast %add3A_82 : i32 to index
          %get3A_84 = arith.constant 16 : index
          %get3A_85 = tpu.vector_load %arg10[%get3A_83, %get3A_84] {strides = array<i32>} : memref<80x128xf32, #tpu.memory_space<vmem>>, vector<1x16xf32>,
          %get3A_86 = vector.shape_cast %get3A_85 : vector<1x16xf32> to vector<16xf32>
          %mul3A_87 = vector.broadcast %squeeze3A : f32 to vector<16xf32>
          %mul3A_88 = arith.mulf %get3A_86, %mul3A_87 : vector<16xf32>
          %add3A_89 = arith.constant 0 : i32
          %add3A_90 = arith.addi %mul3A_66, %add3A_89 : i32
          %swap3A_91 = arith.index_cast %add3A_90 : i32 to index
          %swap3A_92 = arith.constant 16 : index
          %swap3A_93 = tpu.vector_load %arg10[%swap3A_91, %swap3A_92] {strides = array<i32>} : memref<80x128xf32, #tpu.memory_space<vmem>>, vector<1x16xf32>,
          %swap3A_94 = vector.shape_cast %swap3A_93 : vector<1x16xf32> to vector<16xf32>
          %swap3A_95 = vector.shape_cast %mul3A_88 : vector<16xf32> to vector<1x16xf32>
          tpu.vector_store %arg10[%swap3A_91, %swap3A_92], %swap3A_95 {strides = array<i32>} : memref<80x128xf32, #tpu.memory_space<vmem>>, vector<1x16xf32>,
          %add3A_96 = arith.constant 0 : i32
          %add3A_97 = arith.addi %mul3A_66, %add3A_96 : i32
          %get3A_98 = arith.index_cast %add3A_97 : i32 to index
          %get3A_99 = arith.constant 32 : index
          %get3A_100 = tpu.vector_load %arg10[%get3A_98, %get3A_99] {strides = array<i32>} : memref<80x128xf32, #tpu.memory_space<vmem>>, vector<1x16xf32>,
          %get3A_101 = vector.shape_cast %get3A_100 : vector<1x16xf32> to vector<16xf32>
          %mul3A_102 = vector.broadcast %squeeze3A : f32 to vector<16xf32>
          %mul3A_103 = arith.mulf %get3A_101, %mul3A_102 : vector<16xf32>
          %add3A_104 = arith.constant 0 : i32
          %add3A_105 = arith.addi %mul3A_66, %add3A_104 : i32
          %swap3A_106 = arith.index_cast %add3A_105 : i32 to index
          %swap3A_107 = arith.constant 32 : index
          %swap3A_108 = tpu.vector_load %arg10[%swap3A_106, %swap3A_107] {strides = array<i32>} : memref<80x128xf32, #tpu.memory_space<vmem>>, vector<1x16xf32>,
          %swap3A_109 = vector.shape_cast %swap3A_108 : vector<1x16xf32> to vector<16xf32>
          %swap3A_110 = vector.shape_cast %mul3A_103 : vector<16xf32> to vector<1x16xf32>
          tpu.vector_store %arg10[%swap3A_106, %swap3A_107], %swap3A_110 {strides = array<i32>} : memref<80x128xf32, #tpu.memory_space<vmem>>, vector<1x16xf32>,
          %add3A_111 = arith.constant 0 : i32
          %add3A_112 = arith.addi %mul3A_66, %add3A_111 : i32
          %get3A_113 = arith.index_cast %add3A_112 : i32 to index
          %get3A_114 = arith.constant 48 : index
          %get3A_115 = tpu.vector_load %arg10[%get3A_113, %get3A_114] {strides = array<i32>} : memref<80x128xf32, #tpu.memory_space<vmem>>, vector<1x16xf32>,
          %get3A_116 = vector.shape_cast %get3A_115 : vector<1x16xf32> to vector<16xf32>
          %mul3A_117 = vector.broadcast %squeeze3A : f32 to vector<16xf32>
          %mul3A_118 = arith.mulf %get3A_116, %mul3A_117 : vector<16xf32>
          %add3A_119 = arith.constant 0 : i32
          %add3A_120 = arith.addi %mul3A_66, %add3A_119 : i32
          %swap3A_121 = arith.index_cast %add3A_120 : i32 to index
          %swap3A_122 = arith.constant 48 : index
          %swap3A_123 = tpu.vector_load %arg10[%swap3A_121, %swap3A_122] {strides = array<i32>} : memref<80x128xf32, #tpu.memory_space<vmem>>, vector<1x16xf32>,
          %swap3A_124 = vector.shape_cast %swap3A_123 : vector<1x16xf32> to vector<16xf32>
          %swap3A_125 = vector.shape_cast %mul3A_118 : vector<16xf32> to vector<1x16xf32>
          tpu.vector_store %arg10[%swap3A_121, %swap3A_122], %swap3A_125 {strides = array<i32>} : memref<80x128xf32, #tpu.memory_space<vmem>>, vector<1x16xf32>,
          %add3A_126 = arith.constant 0 : i32
          %add3A_127 = arith.addi %mul3A_66, %add3A_126 : i32
          %get3A_128 = arith.index_cast %add3A_127 : i32 to index
          %get3A_129 = arith.constant 64 : index
          %get3A_130 = tpu.vector_load %arg10[%get3A_128, %get3A_129] {strides = array<i32>} : memref<80x128xf32, #tpu.memory_space<vmem>>, vector<1x16xf32>,
          %get3A_131 = vector.shape_cast %get3A_130 : vector<1x16xf32> to vector<16xf32>
          %mul3A_132 = vector.broadcast %squeeze3A : f32 to vector<16xf32>
          %mul3A_133 = arith.mulf %get3A_131, %mul3A_132 : vector<16xf32>
          %add3A_134 = arith.constant 0 : i32
          %add3A_135 = arith.addi %mul3A_66, %add3A_134 : i32
          %swap3A_136 = arith.index_cast %add3A_135 : i32 to index
          %swap3A_137 = arith.constant 64 : index
          %swap3A_138 = tpu.vector_load %arg10[%swap3A_136, %swap3A_137] {strides = array<i32>} : memref<80x128xf32, #tpu.memory_space<vmem>>, vector<1x16xf32>,
          %swap3A_139 = vector.shape_cast %swap3A_138 : vector<1x16xf32> to vector<16xf32>
          %swap3A_140 = vector.shape_cast %mul3A_133 : vector<16xf32> to vector<1x16xf32>
          tpu.vector_store %arg10[%swap3A_136, %swap3A_137], %swap3A_140 {strides = array<i32>} : memref<80x128xf32, #tpu.memory_space<vmem>>, vector<1x16xf32>,
          %add3A_141 = arith.constant 0 : i32
          %add3A_142 = arith.addi %mul3A_66, %add3A_141 : i32
          %get3A_143 = arith.index_cast %add3A_142 : i32 to index
          %get3A_144 = arith.constant 80 : index
          %get3A_145 = tpu.vector_load %arg10[%get3A_143, %get3A_144] {strides = array<i32>} : memref<80x128xf32, #tpu.memory_space<vmem>>, vector<1x16xf32>,
          %get3A_146 = vector.shape_cast %get3A_145 : vector<1x16xf32> to vector<16xf32>
          %mul3A_147 = vector.broadcast %squeeze3A : f32 to vector<16xf32>
          %mul3A_148 = arith.mulf %get3A_146, %mul3A_147 : vector<16xf32>
          %add3A_149 = arith.constant 0 : i32
          %add3A_150 = arith.addi %mul3A_66, %add3A_149 : i32
          %swap3A_151 = arith.index_cast %add3A_150 : i32 to index
          %swap3A_152 = arith.constant 80 : index
          %swap3A_153 = tpu.vector_load %arg10[%swap3A_151, %swap3A_152] {strides = array<i32>} : memref<80x128xf32, #tpu.memory_space<vmem>>, vector<1x16xf32>,
          %swap3A_154 = vector.shape_cast %swap3A_153 : vector<1x16xf32> to vector<16xf32>
          %swap3A_155 = vector.shape_cast %mul3A_148 : vector<16xf32> to vector<1x16xf32>
          tpu.vector_store %arg10[%swap3A_151, %swap3A_152], %swap3A_155 {strides = array<i32>} : memref<80x128xf32, #tpu.memory_space<vmem>>, vector<1x16xf32>,
          %add3A_156 = arith.constant 0 : i32
          %add3A_157 = arith.addi %mul3A_66, %add3A_156 : i32
          %get3A_158 = arith.index_cast %add3A_157 : i32 to index
          %get3A_159 = arith.constant 96 : index
          %get3A_160 = tpu.vector_load %arg10[%get3A_158, %get3A_159] {strides = array<i32>} : memref<80x128xf32, #tpu.memory_space<vmem>>, vector<1x16xf32>,
          %get3A_161 = vector.shape_cast %get3A_160 : vector<1x16xf32> to vector<16xf32>
          %mul3A_162 = vector.broadcast %squeeze3A : f32 to vector<16xf32>
          %mul3A_163 = arith.mulf %get3A_161, %mul3A_162 : vector<16xf32>
          %add3A_164 = arith.constant 0 : i32
          %add3A_165 = arith.addi %mul3A_66, %add3A_164 : i32
          %swap3A_166 = arith.index_cast %add3A_165 : i32 to index
          %swap3A_167 = arith.constant 96 : index
          %swap3A_168 = tpu.vector_load %arg10[%swap3A_166, %swap3A_167] {strides = array<i32>} : memref<80x128xf32, #tpu.memory_space<vmem>>, vector<1x16xf32>,
          %swap3A_169 = vector.shape_cast %swap3A_168 : vector<1x16xf32> to vector<16xf32>
          %swap3A_170 = vector.shape_cast %mul3A_163 : vector<16xf32> to vector<1x16xf32>
          tpu.vector_store %arg10[%swap3A_166, %swap3A_167], %swap3A_170 {strides = array<i32>} : memref<80x128xf32, #tpu.memory_space<vmem>>, vector<1x16xf32>,
          %add3A_171 = arith.constant 0 : i32
          %add3A_172 = arith.addi %mul3A_66, %add3A_171 : i32
          %get3A_173 = arith.index_cast %add3A_172 : i32 to index
          %get3A_174 = arith.constant 112 : index
          %get3A_175 = tpu.vector_load %arg10[%get3A_173, %get3A_174] {strides = array<i32>} : memref<80x128xf32, #tpu.memory_space<vmem>>, vector<1x16xf32>,
          %get3A_176 = vector.shape_cast %get3A_175 : vector<1x16xf32> to vector<16xf32>
          %mul3A_177 = vector.broadcast %squeeze3A : f32 to vector<16xf32>
          %mul3A_178 = arith.mulf %get3A_176, %mul3A_177 : vector<16xf32>
          %add3A_179 = arith.constant 0 : i32
          %add3A_180 = arith.addi %mul3A_66, %add3A_179 : i32
          %swap3A_181 = arith.index_cast %add3A_180 : i32 to index
          %swap3A_182 = arith.constant 112 : index
          %swap3A_183 = tpu.vector_load %arg10[%swap3A_181, %swap3A_182] {strides = array<i32>} : memref<80x128xf32, #tpu.memory_space<vmem>>, vector<1x16xf32>,
          %swap3A_184 = vector.shape_cast %swap3A_183 : vector<1x16xf32> to vector<16xf32>
          %swap3A_185 = vector.shape_cast %mul3A_178 : vector<16xf32> to vector<1x16xf32>
          tpu.vector_store %arg10[%swap3A_181, %swap3A_182], %swap3A_185 {strides = array<i32>} : memref<80x128xf32, #tpu.memory_space<vmem>>, vector<1x16xf32>,
          %slice3A_186 = vector.extract_strided_slice %get3A_64 {offsets = [1], sizes = [1], strides = [1]} : vector<16xf32> to vector<1xf32>
          %squeeze3A_187 = vector.extract %slice3A_186[0] : f32 from vector<1xf32>
          %add3A_188 = arith.constant 1 : i32
          %add3A_189 = arith.addi %mul3A_66, %add3A_188 : i32
          %get3A_190 = arith.index_cast %add3A_189 : i32 to index
          %get3A_191 = arith.constant 0 : index
          %get3A_192 = tpu.vector_load %arg10[%get3A_190, %get3A_191] {strides = array<i32>} : memref<80x128xf32, #tpu.memory_space<vmem>>, vector<1x16xf32>,
          %get3A_193 = vector.shape_cast %get3A_192 : vector<1x16xf32> to vector<16xf32>
          %mul3A_194 = vector.broadcast %squeeze3A_187 : f32 to vector<16xf32>
          %mul3A_195 = arith.mulf %get3A_193, %mul3A_194 : vector<16xf32>
          %add3A_196 = arith.constant 1 : i32
          %add3A_197 = arith.addi %mul3A_66, %add3A_196 : i32
          %swap3A_198 = arith.index_cast %add3A_197 : i32 to index
          %swap3A_199 = arith.constant 0 : index
          %swap3A_200 = tpu.vector_load %arg10[%swap3A_198, %swap3A_199] {strides = array<i32>} : memref<80x128xf32, #tpu.memory_space<vmem>>, vector<1x16xf32>,
          %swap3A_201 = vector.shape_cast %swap3A_200 : vector<1x16xf32> to vector<16xf32>
          %swap3A_202 = vector.shape_cast %mul3A_195 : vector<16xf32> to vector<1x16xf32>
          tpu.vector_store %arg10[%swap3A_198, %swap3A_199], %swap3A_202 {strides = array<i32>} : memref<80x128xf32, #tpu.memory_space<vmem>>, vector<1x16xf32>,
          %add3A_203 = arith.constant 1 : i32
          %add3A_204 = arith.addi %mul3A_66, %add3A_203 : i32
          %get3A_205 = arith.index_cast %add3A_204 : i32 to index
          %get3A_206 = arith.constant 16 : index
          %get3A_207 = tpu.vector_load %arg10[%get3A_205, %get3A_206] {strides = array<i32>} : memref<80x128xf32, #tpu.memory_space<vmem>>, vector<1x16xf32>,
          %get3A_208 = vector.shape_cast %get3A_207 : vector<1x16xf32> to vector<16xf32>
          %mul3A_209 = vector.broadcast %squeeze3A_187 : f32 to vector<16xf32>
          %mul3A_210 = arith.mulf %get3A_208, %mul3A_209 : vector<16xf32>
          %add3A_211 = arith.constant 1 : i32
          %add3A_212 = arith.addi %mul3A_66, %add3A_211 : i32
          %swap3A_213 = arith.index_cast %add3A_212 : i32 to index
          %swap3A_214 = arith.constant 16 : index
          %swap3A_215 = tpu.vector_load %arg10[%swap3A_213, %swap3A_214] {strides = array<i32>} : memref<80x128xf32, #tpu.memory_space<vmem>>, vector<1x16xf32>,
          %swap3A_216 = vector.shape_cast %swap3A_215 : vector<1x16xf32> to vector<16xf32>
          %swap3A_217 = vector.shape_cast %mul3A_210 : vector<16xf32> to vector<1x16xf32>
          tpu.vector_store %arg10[%swap3A_213, %swap3A_214], %swap3A_217 {strides = array<i32>} : memref<80x128xf32, #tpu.memory_space<vmem>>, vector<1x16xf32>,
          %add3A_218 = arith.constant 1 : i32
          %add3A_219 = arith.addi %mul3A_66, %add3A_218 : i32
          %get3A_220 = arith.index_cast %add3A_219 : i32 to index
          %get3A_221 = arith.constant 32 : index
          %get3A_222 = tpu.vector_load %arg10[%get3A_220, %get3A_221] {strides = array<i32>} : memref<80x128xf32, #tpu.memory_space<vmem>>, vector<1x16xf32>,
          %get3A_223 = vector.shape_cast %get3A_222 : vector<1x16xf32> to vector<16xf32>
          %mul3A_224 = vector.broadcast %squeeze3A_187 : f32 to vector<16xf32>
          %mul3A_225 = arith.mulf %get3A_223, %mul3A_224 : vector<16xf32>
          %add3A_226 = arith.constant 1 : i32
          %add3A_227 = arith.addi %mul3A_66, %add3A_226 : i32
          %swap3A_228 = arith.index_cast %add3A_227 : i32 to index
          %swap3A_229 = arith.constant 32 : index
          %swap3A_230 = tpu.vector_load %arg10[%swap3A_228, %swap3A_229] {strides = array<i32>} : memref<80x128xf32, #tpu.memory_space<vmem>>, vector<1x16xf32>,
          %swap3A_231 = vector.shape_cast %swap3A_230 : vector<1x16xf32> to vector<16xf32>
          %swap3A_232 = vector.shape_cast %mul3A_225 : vector<16xf32> to vector<1x16xf32>
          tpu.vector_store %arg10[%swap3A_228, %swap3A_229], %swap3A_232 {strides = array<i32>} : memref<80x128xf32, #tpu.memory_space<vmem>>, vector<1x16xf32>,
          %add3A_233 = arith.constant 1 : i32
          %add3A_234 = arith.addi %mul3A_66, %add3A_233 : i32
          %get3A_235 = arith.index_cast %add3A_234 : i32 to index
          %get3A_236 = arith.constant 48 : index
          %get3A_237 = tpu.vector_load %arg10[%get3A_235, %get3A_236] {strides = array<i32>} : memref<80x128xf32, #tpu.memory_space<vmem>>, vector<1x16xf32>,
          %get3A_238 = vector.shape_cast %get3A_237 : vector<1x16xf32> to vector<16xf32>
          %mul3A_239 = vector.broadcast %squeeze3A_187 : f32 to vector<16xf32>
          %mul3A_240 = arith.mulf %get3A_238, %mul3A_239 : vector<16xf32>
          %add3A_241 = arith.constant 1 : i32
          %add3A_242 = arith.addi %mul3A_66, %add3A_241 : i32
          %swap3A_243 = arith.index_cast %add3A_242 : i32 to index
          %swap3A_244 = arith.constant 48 : index
          %swap3A_245 = tpu.vector_load %arg10[%swap3A_243, %swap3A_244] {strides = array<i32>} : memref<80x128xf32, #tpu.memory_space<vmem>>, vector<1x16xf32>,
          %swap3A_246 = vector.shape_cast %swap3A_245 : vector<1x16xf32> to vector<16xf32>
          %swap3A_247 = vector.shape_cast %mul3A_240 : vector<16xf32> to vector<1x16xf32>
          tpu.vector_store %arg10[%swap3A_243, %swap3A_244], %swap3A_247 {strides = array<i32>} : memref<80x128xf32, #tpu.memory_space<vmem>>, vector<1x16xf32>,
          %add3A_248 = arith.constant 1 : i32
          %add3A_249 = arith.addi %mul3A_66, %add3A_248 : i32
          %get3A_250 = arith.index_cast %add3A_249 : i32 to index
          %get3A_251 = arith.constant 64 : index
          %get3A_252 = tpu.vector_load %arg10[%get3A_250, %get3A_251] {strides = array<i32>} : memref<80x128xf32, #tpu.memory_space<vmem>>, vector<1x16xf32>,
          %get3A_253 = vector.shape_cast %get3A_252 : vector<1x16xf32> to vector<16xf32>
          %mul3A_254 = vector.broadcast %squeeze3A_187 : f32 to vector<16xf32>
          %mul3A_255 = arith.mulf %get3A_253, %mul3A_254 : vector<16xf32>
          %add3A_256 = arith.constant 1 : i32
          %add3A_257 = arith.addi %mul3A_66, %add3A_256 : i32
          %swap3A_258 = arith.index_cast %add3A_257 : i32 to index
          %swap3A_259 = arith.constant 64 : index
          %swap3A_260 = tpu.vector_load %arg10[%swap3A_258, %swap3A_259] {strides = array<i32>} : memref<80x128xf32, #tpu.memory_space<vmem>>, vector<1x16xf32>,
          %swap3A_261 = vector.shape_cast %swap3A_260 : vector<1x16xf32> to vector<16xf32>
          %swap3A_262 = vector.shape_cast %mul3A_255 : vector<16xf32> to vector<1x16xf32>
          tpu.vector_store %arg10[%swap3A_258, %swap3A_259], %swap3A_262 {strides = array<i32>} : memref<80x128xf32, #tpu.memory_space<vmem>>, vector<1x16xf32>,
          %add3A_263 = arith.constant 1 : i32
          %add3A_264 = arith.addi %mul3A_66, %add3A_263 : i32
          %get3A_265 = arith.index_cast %add3A_264 : i32 to index
          %get3A_266 = arith.constant 80 : index
          %get3A_267 = tpu.vector_load %arg10[%get3A_265, %get3A_266] {strides = array<i32>} : memref<80x128xf32, #tpu.memory_space<vmem>>, vector<1x16xf32>,
          %get3A_268 = vector.shape_cast %get3A_267 : vector<1x16xf32> to vector<16xf32>
          %mul3A_269 = vector.broadcast %squeeze3A_187 : f32 to vector<16xf32>
          %mul3A_270 = arith.mulf %get3A_268, %mul3A_269 : vector<16xf32>
          %add3A_271 = arith.constant 1 : i32
          %add3A_272 = arith.addi %mul3A_66, %add3A_271 : i32
          %swap3A_273 = arith.index_cast %add3A_272 : i32 to index
          %swap3A_274 = arith.constant 80 : index
          %swap3A_275 = tpu.vector_load %arg10[%swap3A_273, %swap3A_274] {strides = array<i32>} : memref<80x128xf32, #tpu.memory_space<vmem>>, vector<1x16xf32>,
          %swap3A_276 = vector.shape_cast %swap3A_275 : vector<1x16xf32> to vector<16xf32>
          %swap3A_277 = vector.shape_cast %mul3A_270 : vector<16xf32> to vector<1x16xf32>
          tpu.vector_store %arg10[%swap3A_273, %swap3A_274], %swap3A_277 {strides = array<i32>} : memref<80x128xf32, #tpu.memory_space<vmem>>, vector<1x16xf32>,
          %add3A_278 = arith.constant 1 : i32
          %add3A_279 = arith.addi %mul3A_66, %add3A_278 : i32
          %get3A_280 = arith.index_cast %add3A_279 : i32 to index
          %get3A_281 = arith.constant 96 : index
          %get3A_282 = tpu.vector_load %arg10[%get3A_280, %get3A_281] {strides = array<i32>} : memref<80x128xf32, #tpu.memory_space<vmem>>, vector<1x16xf32>,
          %get3A_283 = vector.shape_cast %get3A_282 : vector<1x16xf32> to vector<16xf32>
          %mul3A_284 = vector.broadcast %squeeze3A_187 : f32 to vector<16xf32>
          %mul3A_285 = arith.mulf %get3A_283, %mul3A_284 : vector<16xf32>
          %add3A_286 = arith.constant 1 : i32
          %add3A_287 = arith.addi %mul3A_66, %add3A_286 : i32
          %swap3A_288 = arith.index_cast %add3A_287 : i32 to index
          %swap3A_289 = arith.constant 96 : index
          %swap3A_290 = tpu.vector_load %arg10[%swap3A_288, %swap3A_289] {strides = array<i32>} : memref<80x128xf32, #tpu.memory_space<vmem>>, vector<1x16xf32>,
          %swap3A_291 = vector.shape_cast %swap3A_290 : vector<1x16xf32> to vector<16xf32>
          %swap3A_292 = vector.shape_cast %mul3A_285 : vector<16xf32> to vector<1x16xf32>
          tpu.vector_store %arg10[%swap3A_288, %swap3A_289], %swap3A_292 {strides = array<i32>} : memref<80x128xf32, #tpu.memory_space<vmem>>, vector<1x16xf32>,
          %add3A_293 = arith.constant 1 : i32
          %add3A_294 = arith.addi %mul3A_66, %add3A_293 : i32
          %get3A_295 = arith.index_cast %add3A_294 : i32 to index
          %get3A_296 = arith.constant 112 : index
          %get3A_297 = tpu.vector_load %arg10[%get3A_295, %get3A_296] {strides = array<i32>} : memref<80x128xf32, #tpu.memory_space<vmem>>, vector<1x16xf32>,
          %get3A_298 = vector.shape_cast %get3A_297 : vector<1x16xf32> to vector<16xf32>
          %mul3A_299 = vector.broadcast %squeeze3A_187 : f32 to vector<16xf32>
          %mul3A_300 = arith.mulf %get3A_298, %mul3A_299 : vector<16xf32>
          %add3A_301 = arith.constant 1 : i32
          %add3A_302 = arith.addi %mul3A_66, %add3A_301 : i32
          %swap3A_303 = arith.index_cast %add3A_302 : i32 to index
          %swap3A_304 = arith.constant 112 : index
          %swap3A_305 = tpu.vector_load %arg10[%swap3A_303, %swap3A_304] {strides = array<i32>} : memref<80x128xf32, #tpu.memory_space<vmem>>, vector<1x16xf32>,
          %swap3A_306 = vector.shape_cast %swap3A_305 : vector<1x16xf32> to vector<16xf32>
          %swap3A_307 = vector.shape_cast %mul3A_300 : vector<16xf32> to vector<1x16xf32>
          tpu.vector_store %arg10[%swap3A_303, %swap3A_304], %swap3A_307 {strides = array<i32>} : memref<80x128xf32, #tpu.memory_space<vmem>>, vector<1x16xf32>,
          %slice3A_308 = vector.extract_strided_slice %get3A_64 {offsets = [2], sizes = [1], strides = [1]} : vector<16xf32> to vector<1xf32>
          %squeeze3A_309 = vector.extract %slice3A_308[0] : f32 from vector<1xf32>
          %add3A_310 = arith.constant 2 : i32
          %add3A_311 = arith.addi %mul3A_66, %add3A_310 : i32
          %get3A_312 = arith.index_cast %add3A_311 : i32 to index
          %get3A_313 = arith.constant 0 : index
          %get3A_314 = tpu.vector_load %arg10[%get3A_312, %get3A_313] {strides = array<i32>} : memref<80x128xf32, #tpu.memory_space<vmem>>, vector<1x16xf32>,
          %get3A_315 = vector.shape_cast %get3A_314 : vector<1x16xf32> to vector<16xf32>
          %mul3A_316 = vector.broadcast %squeeze3A_309 : f32 to vector<16xf32>
          %mul3A_317 = arith.mulf %get3A_315, %mul3A_316 : vector<16xf32>
          %add3A_318 = arith.constant 2 : i32
          %add3A_319 = arith.addi %mul3A_66, %add3A_318 : i32
          %swap3A_320 = arith.index_cast %add3A_319 : i32 to index
          %swap3A_321 = arith.constant 0 : index
          %swap3A_322 = tpu.vector_load %arg10[%swap3A_320, %swap3A_321] {strides = array<i32>} : memref<80x128xf32, #tpu.memory_space<vmem>>, vector<1x16xf32>,
          %swap3A_323 = vector.shape_cast %swap3A_322 : vector<1x16xf32> to vector<16xf32>
          %swap3A_324 = vector.shape_cast %mul3A_317 : vector<16xf32> to vector<1x16xf32>
          tpu.vector_store %arg10[%swap3A_320, %swap3A_321], %swap3A_324 {strides = array<i32>} : memref<80x128xf32, #tpu.memory_space<vmem>>, vector<1x16xf32>,
          %add3A_325 = arith.constant 2 : i32
          %add3A_326 = arith.addi %mul3A_66, %add3A_325 : i32
          %get3A_327 = arith.index_cast %add3A_326 : i32 to index
          %get3A_328 = arith.constant 16 : index
          %get3A_329 = tpu.vector_load %arg10[%get3A_327, %get3A_328] {strides = array<i32>} : memref<80x128xf32, #tpu.memory_space<vmem>>, vector<1x16xf32>,
          %get3A_330 = vector.shape_cast %get3A_329 : vector<1x16xf32> to vector<16xf32>
          %mul3A_331 = vector.broadcast %squeeze3A_309 : f32 to vector<16xf32>
          %mul3A_332 = arith.mulf %get3A_330, %mul3A_331 : vector<16xf32>
          %add3A_333 = arith.constant 2 : i32
          %add3A_334 = arith.addi %mul3A_66, %add3A_333 : i32
          %swap3A_335 = arith.index_cast %add3A_334 : i32 to index
          %swap3A_336 = arith.constant 16 : index
          %swap3A_337 = tpu.vector_load %arg10[%swap3A_335, %swap3A_336] {strides = array<i32>} : memref<80x128xf32, #tpu.memory_space<vmem>>, vector<1x16xf32>,
          %swap3A_338 = vector.shape_cast %swap3A_337 : vector<1x16xf32> to vector<16xf32>
          %swap3A_339 = vector.shape_cast %mul3A_332 : vector<16xf32> to vector<1x16xf32>
          tpu.vector_store %arg10[%swap3A_335, %swap3A_336], %swap3A_339 {strides = array<i32>} : memref<80x128xf32, #tpu.memory_space<vmem>>, vector<1x16xf32>,
          %add3A_340 = arith.constant 2 : i32
          %add3A_341 = arith.addi %mul3A_66, %add3A_340 : i32
          %get3A_342 = arith.index_cast %add3A_341 : i32 to index
          %get3A_343 = arith.constant 32 : index
          %get3A_344 = tpu.vector_load %arg10[%get3A_342, %get3A_343] {strides = array<i32>} : memref<80x128xf32, #tpu.memory_space<vmem>>, vector<1x16xf32>,
          %get3A_345 = vector.shape_cast %get3A_344 : vector<1x16xf32> to vector<16xf32>
          %mul3A_346 = vector.broadcast %squeeze3A_309 : f32 to vector<16xf32>
          %mul3A_347 = arith.mulf %get3A_345, %mul3A_346 : vector<16xf32>
          %add3A_348 = arith.constant 2 : i32
          %add3A_349 = arith.addi %mul3A_66, %add3A_348 : i32
          %swap3A_350 = arith.index_cast %add3A_349 : i32 to index
          %swap3A_351 = arith.constant 32 : index
          %swap3A_352 = tpu.vector_load %arg10[%swap3A_350, %swap3A_351] {strides = array<i32>} : memref<80x128xf32, #tpu.memory_space<vmem>>, vector<1x16xf32>,
          %swap3A_353 = vector.shape_cast %swap3A_352 : vector<1x16xf32> to vector<16xf32>
          %swap3A_354 = vector.shape_cast %mul3A_347 : vector<16xf32> to vector<1x16xf32>
          tpu.vector_store %arg10[%swap3A_350, %swap3A_351], %swap3A_354 {strides = array<i32>} : memref<80x128xf32, #tpu.memory_space<vmem>>, vector<1x16xf32>,
          %add3A_355 = arith.constant 2 : i32
          %add3A_356 = arith.addi %mul3A_66, %add3A_355 : i32
          %get3A_357 = arith.index_cast %add3A_356 : i32 to index
          %get3A_358 = arith.constant 48 : index
          %get3A_359 = tpu.vector_load %arg10[%get3A_357, %get3A_358] {strides = array<i32>} : memref<80x128xf32, #tpu.memory_space<vmem>>, vector<1x16xf32>,
          %get3A_360 = vector.shape_cast %get3A_359 : vector<1x16xf32> to vector<16xf32>
          %mul3A_361 = vector.broadcast %squeeze3A_309 : f32 to vector<16xf32>
          %mul3A_362 = arith.mulf %get3A_360, %mul3A_361 : vector<16xf32>
          %add3A_363 = arith.constant 2 : i32
          %add3A_364 = arith.addi %mul3A_66, %add3A_363 : i32
          %swap3A_365 = arith.index_cast %add3A_364 : i32 to index
          %swap3A_366 = arith.constant 48 : index
          %swap3A_367 = tpu.vector_load %arg10[%swap3A_365, %swap3A_366] {strides = array<i32>} : memref<80x128xf32, #tpu.memory_space<vmem>>, vector<1x16xf32>,
          %swap3A_368 = vector.shape_cast %swap3A_367 : vector<1x16xf32> to vector<16xf32>
          %swap3A_369 = vector.shape_cast %mul3A_362 : vector<16xf32> to vector<1x16xf32>
          tpu.vector_store %arg10[%swap3A_365, %swap3A_366], %swap3A_369 {strides = array<i32>} : memref<80x128xf32, #tpu.memory_space<vmem>>, vector<1x16xf32>,
          %add3A_370 = arith.constant 2 : i32
          %add3A_371 = arith.addi %mul3A_66, %add3A_370 : i32
          %get3A_372 = arith.index_cast %add3A_371 : i32 to index
          %get3A_373 = arith.constant 64 : index
          %get3A_374 = tpu.vector_load %arg10[%get3A_372, %get3A_373] {strides = array<i32>} : memref<80x128xf32, #tpu.memory_space<vmem>>, vector<1x16xf32>,
          %get3A_375 = vector.shape_cast %get3A_374 : vector<1x16xf32> to vector<16xf32>
          %mul3A_376 = vector.broadcast %squeeze3A_309 : f32 to vector<16xf32>
          %mul3A_377 = arith.mulf %get3A_375, %mul3A_376 : vector<16xf32>
          %add3A_378 = arith.constant 2 : i32
          %add3A_379 = arith.addi %mul3A_66, %add3A_378 : i32
          %swap3A_380 = arith.index_cast %add3A_379 : i32 to index
          %swap3A_381 = arith.constant 64 : index
          %swap3A_382 = tpu.vector_load %arg10[%swap3A_380, %swap3A_381] {strides = array<i32>} : memref<80x128xf32, #tpu.memory_space<vmem>>, vector<1x16xf32>,
          %swap3A_383 = vector.shape_cast %swap3A_382 : vector<1x16xf32> to vector<16xf32>
          %swap3A_384 = vector.shape_cast %mul3A_377 : vector<16xf32> to vector<1x16xf32>
          tpu.vector_store %arg10[%swap3A_380, %swap3A_381], %swap3A_384 {strides = array<i32>} : memref<80x128xf32, #tpu.memory_space<vmem>>, vector<1x16xf32>,
          %add3A_385 = arith.constant 2 : i32
          %add3A_386 = arith.addi %mul3A_66, %add3A_385 : i32
          %get3A_387 = arith.index_cast %add3A_386 : i32 to index
          %get3A_388 = arith.constant 80 : index
          %get3A_389 = tpu.vector_load %arg10[%get3A_387, %get3A_388] {strides = array<i32>} : memref<80x128xf32, #tpu.memory_space<vmem>>, vector<1x16xf32>,
          %get3A_390 = vector.shape_cast %get3A_389 : vector<1x16xf32> to vector<16xf32>
          %mul3A_391 = vector.broadcast %squeeze3A_309 : f32 to vector<16xf32>
          %mul3A_392 = arith.mulf %get3A_390, %mul3A_391 : vector<16xf32>
          %add3A_393 = arith.constant 2 : i32
          %add3A_394 = arith.addi %mul3A_66, %add3A_393 : i32
          %swap3A_395 = arith.index_cast %add3A_394 : i32 to index
          %swap3A_396 = arith.constant 80 : index
          %swap3A_397 = tpu.vector_load %arg10[%swap3A_395, %swap3A_396] {strides = array<i32>} : memref<80x128xf32, #tpu.memory_space<vmem>>, vector<1x16xf32>,
          %swap3A_398 = vector.shape_cast %swap3A_397 : vector<1x16xf32> to vector<16xf32>
          %swap3A_399 = vector.shape_cast %mul3A_392 : vector<16xf32> to vector<1x16xf32>
          tpu.vector_store %arg10[%swap3A_395, %swap3A_396], %swap3A_399 {strides = array<i32>} : memref<80x128xf32, #tpu.memory_space<vmem>>, vector<1x16xf32>,
          %add3A_400 = arith.constant 2 : i32
          %add3A_401 = arith.addi %mul3A_66, %add3A_400 : i32
          %get3A_402 = arith.index_cast %add3A_401 : i32 to index
          %get3A_403 = arith.constant 96 : index
          %get3A_404 = tpu.vector_load %arg10[%get3A_402, %get3A_403] {strides = array<i32>} : memref<80x128xf32, #tpu.memory_space<vmem>>, vector<1x16xf32>,
          %get3A_405 = vector.shape_cast %get3A_404 : vector<1x16xf32> to vector<16xf32>
          %mul3A_406 = vector.broadcast %squeeze3A_309 : f32 to vector<16xf32>
          %mul3A_407 = arith.mulf %get3A_405, %mul3A_406 : vector<16xf32>
          %add3A_408 = arith.constant 2 : i32
          %add3A_409 = arith.addi %mul3A_66, %add3A_408 : i32
          %swap3A_410 = arith.index_cast %add3A_409 : i32 to index
          %swap3A_411 = arith.constant 96 : index
          %swap3A_412 = tpu.vector_load %arg10[%swap3A_410, %swap3A_411] {strides = array<i32>} : memref<80x128xf32, #tpu.memory_space<vmem>>, vector<1x16xf32>,
          %swap3A_413 = vector.shape_cast %swap3A_412 : vector<1x16xf32> to vector<16xf32>
          %swap3A_414 = vector.shape_cast %mul3A_407 : vector<16xf32> to vector<1x16xf32>
          tpu.vector_store %arg10[%swap3A_410, %swap3A_411], %swap3A_414 {strides = array<i32>} : memref<80x128xf32, #tpu.memory_space<vmem>>, vector<1x16xf32>,
          %add3A_415 = arith.constant 2 : i32
          %add3A_416 = arith.addi %mul3A_66, %add3A_415 : i32
          %get3A_417 = arith.index_cast %add3A_416 : i32 to index
          %get3A_418 = arith.constant 112 : index
          %get3A_419 = tpu.vector_load %arg10[%get3A_417, %get3A_418] {strides = array<i32>} : memref<80x128xf32, #tpu.memory_space<vmem>>, vector<1x16xf32>,
          %get3A_420 = vector.shape_cast %get3A_419 : vector<1x16xf32> to vector<16xf32>
          %mul3A_421 = vector.broadcast %squeeze3A_309 : f32 to vector<16xf32>
          %mul3A_422 = arith.mulf %get3A_420, %mul3A_421 : vector<16xf32>
          %add3A_423 = arith.constant 2 : i32
          %add3A_424 = arith.addi %mul3A_66, %add3A_423 : i32
          %swap3A_425 = arith.index_cast %add3A_424 : i32 to index
          %swap3A_426 = arith.constant 112 : index
          %swap3A_427 = tpu.vector_load %arg10[%swap3A_425, %swap3A_426] {strides = array<i32>} : memref<80x128xf32, #tpu.memory_space<vmem>>, vector<1x16xf32>,
          %swap3A_428 = vector.shape_cast %swap3A_427 : vector<1x16xf32> to vector<16xf32>
          %swap3A_429 = vector.shape_cast %mul3A_422 : vector<16xf32> to vector<1x16xf32>
          tpu.vector_store %arg10[%swap3A_425, %swap3A_426], %swap3A_429 {strides = array<i32>} : memref<80x128xf32, #tpu.memory_space<vmem>>, vector<1x16xf32>,
          %slice3A_430 = vector.extract_strided_slice %get3A_64 {offsets = [3], sizes = [1], strides = [1]} : vector<16xf32> to vector<1xf32>
          %squeeze3A_431 = vector.extract %slice3A_430[0] : f32 from vector<1xf32>
          %add3A_432 = arith.constant 3 : i32
          %add3A_433 = arith.addi %mul3A_66, %add3A_432 : i32
          %get3A_434 = arith.index_cast %add3A_433 : i32 to index
          %get3A_435 = arith.constant 0 : index
          %get3A_436 = tpu.vector_load %arg10[%get3A_434, %get3A_435] {strides = array<i32>} : memref<80x128xf32, #tpu.memory_space<vmem>>, vector<1x16xf32>,
          %get3A_437 = vector.shape_cast %get3A_436 : vector<1x16xf32> to vector<16xf32>
          %mul3A_438 = vector.broadcast %squeeze3A_431 : f32 to vector<16xf32>
          %mul3A_439 = arith.mulf %get3A_437, %mul3A_438 : vector<16xf32>
          %add3A_440 = arith.constant 3 : i32
          %add3A_441 = arith.addi %mul3A_66, %add3A_440 : i32
          %swap3A_442 = arith.index_cast %add3A_441 : i32 to index
          %swap3A_443 = arith.constant 0 : index
          %swap3A_444 = tpu.vector_load %arg10[%swap3A_442, %swap3A_443] {strides = array<i32>} : memref<80x128xf32, #tpu.memory_space<vmem>>, vector<1x16xf32>,
          %swap3A_445 = vector.shape_cast %swap3A_444 : vector<1x16xf32> to vector<16xf32>
          %swap3A_446 = vector.shape_cast %mul3A_439 : vector<16xf32> to vector<1x16xf32>
          tpu.vector_store %arg10[%swap3A_442, %swap3A_443], %swap3A_446 {strides = array<i32>} : memref<80x128xf32, #tpu.memory_space<vmem>>, vector<1x16xf32>,
          %add3A_447 = arith.constant 3 : i32
          %add3A_448 = arith.addi %mul3A_66, %add3A_447 : i32
          %get3A_449 = arith.index_cast %add3A_448 : i32 to index
          %get3A_450 = arith.constant 16 : index
          %get3A_451 = tpu.vector_load %arg10[%get3A_449, %get3A_450] {strides = array<i32>} : memref<80x128xf32, #tpu.memory_space<vmem>>, vector<1x16xf32>,
          %get3A_452 = vector.shape_cast %get3A_451 : vector<1x16xf32> to vector<16xf32>
          %mul3A_453 = vector.broadcast %squeeze3A_431 : f32 to vector<16xf32>
          %mul3A_454 = arith.mulf %get3A_452, %mul3A_453 : vector<16xf32>
          %add3A_455 = arith.constant 3 : i32
          %add3A_456 = arith.addi %mul3A_66, %add3A_455 : i32
          %swap3A_457 = arith.index_cast %add3A_456 : i32 to index
          %swap3A_458 = arith.constant 16 : index
          %swap3A_459 = tpu.vector_load %arg10[%swap3A_457, %swap3A_458] {strides = array<i32>} : memref<80x128xf32, #tpu.memory_space<vmem>>, vector<1x16xf32>,
          %swap3A_460 = vector.shape_cast %swap3A_459 : vector<1x16xf32> to vector<16xf32>
          %swap3A_461 = vector.shape_cast %mul3A_454 : vector<16xf32> to vector<1x16xf32>
          tpu.vector_store %arg10[%swap3A_457, %swap3A_458], %swap3A_461 {strides = array<i32>} : memref<80x128xf32, #tpu.memory_space<vmem>>, vector<1x16xf32>,
          %add3A_462 = arith.constant 3 : i32
          %add3A_463 = arith.addi %mul3A_66, %add3A_462 : i32
          %get3A_464 = arith.index_cast %add3A_463 : i32 to index
          %get3A_465 = arith.constant 32 : index
          %get3A_466 = tpu.vector_load %arg10[%get3A_464, %get3A_465] {strides = array<i32>} : memref<80x128xf32, #tpu.memory_space<vmem>>, vector<1x16xf32>,
          %get3A_467 = vector.shape_cast %get3A_466 : vector<1x16xf32> to vector<16xf32>
          %mul3A_468 = vector.broadcast %squeeze3A_431 : f32 to vector<16xf32>
          %mul3A_469 = arith.mulf %get3A_467, %mul3A_468 : vector<16xf32>
          %add3A_470 = arith.constant 3 : i32
          %add3A_471 = arith.addi %mul3A_66, %add3A_470 : i32
          %swap3A_472 = arith.index_cast %add3A_471 : i32 to index
          %swap3A_473 = arith.constant 32 : index
          %swap3A_474 = tpu.vector_load %arg10[%swap3A_472, %swap3A_473] {strides = array<i32>} : memref<80x128xf32, #tpu.memory_space<vmem>>, vector<1x16xf32>,
          %swap3A_475 = vector.shape_cast %swap3A_474 : vector<1x16xf32> to vector<16xf32>
          %swap3A_476 = vector.shape_cast %mul3A_469 : vector<16xf32> to vector<1x16xf32>
          tpu.vector_store %arg10[%swap3A_472, %swap3A_473], %swap3A_476 {strides = array<i32>} : memref<80x128xf32, #tpu.memory_space<vmem>>, vector<1x16xf32>,
          %add3A_477 = arith.constant 3 : i32
          %add3A_478 = arith.addi %mul3A_66, %add3A_477 : i32
          %get3A_479 = arith.index_cast %add3A_478 : i32 to index
          %get3A_480 = arith.constant 48 : index
          %get3A_481 = tpu.vector_load %arg10[%get3A_479, %get3A_480] {strides = array<i32>} : memref<80x128xf32, #tpu.memory_space<vmem>>, vector<1x16xf32>,
          %get3A_482 = vector.shape_cast %get3A_481 : vector<1x16xf32> to vector<16xf32>
          %mul3A_483 = vector.broadcast %squeeze3A_431 : f32 to vector<16xf32>
          %mul3A_484 = arith.mulf %get3A_482, %mul3A_483 : vector<16xf32>
          %add3A_485 = arith.constant 3 : i32
          %add3A_486 = arith.addi %mul3A_66, %add3A_485 : i32
          %swap3A_487 = arith.index_cast %add3A_486 : i32 to index
          %swap3A_488 = arith.constant 48 : index
          %swap3A_489 = tpu.vector_load %arg10[%swap3A_487, %swap3A_488] {strides = array<i32>} : memref<80x128xf32, #tpu.memory_space<vmem>>, vector<1x16xf32>,
          %swap3A_490 = vector.shape_cast %swap3A_489 : vector<1x16xf32> to vector<16xf32>
          %swap3A_491 = vector.shape_cast %mul3A_484 : vector<16xf32> to vector<1x16xf32>
          tpu.vector_store %arg10[%swap3A_487, %swap3A_488], %swap3A_491 {strides = array<i32>} : memref<80x128xf32, #tpu.memory_space<vmem>>, vector<1x16xf32>,
          %add3A_492 = arith.constant 3 : i32
          %add3A_493 = arith.addi %mul3A_66, %add3A_492 : i32
          %get3A_494 = arith.index_cast %add3A_493 : i32 to index
          %get3A_495 = arith.constant 64 : index
          %get3A_496 = tpu.vector_load %arg10[%get3A_494, %get3A_495] {strides = array<i32>} : memref<80x128xf32, #tpu.memory_space<vmem>>, vector<1x16xf32>,
          %get3A_497 = vector.shape_cast %get3A_496 : vector<1x16xf32> to vector<16xf32>
          %mul3A_498 = vector.broadcast %squeeze3A_431 : f32 to vector<16xf32>
          %mul3A_499 = arith.mulf %get3A_497, %mul3A_498 : vector<16xf32>
          %add3A_500 = arith.constant 3 : i32
          %add3A_501 = arith.addi %mul3A_66, %add3A_500 : i32
          %swap3A_502 = arith.index_cast %add3A_501 : i32 to index
          %swap3A_503 = arith.constant 64 : index
          %swap3A_504 = tpu.vector_load %arg10[%swap3A_502, %swap3A_503] {strides = array<i32>} : memref<80x128xf32, #tpu.memory_space<vmem>>, vector<1x16xf32>,
          %swap3A_505 = vector.shape_cast %swap3A_504 : vector<1x16xf32> to vector<16xf32>
          %swap3A_506 = vector.shape_cast %mul3A_499 : vector<16xf32> to vector<1x16xf32>
          tpu.vector_store %arg10[%swap3A_502, %swap3A_503], %swap3A_506 {strides = array<i32>} : memref<80x128xf32, #tpu.memory_space<vmem>>, vector<1x16xf32>,
          %add3A_507 = arith.constant 3 : i32
          %add3A_508 = arith.addi %mul3A_66, %add3A_507 : i32
          %get3A_509 = arith.index_cast %add3A_508 : i32 to index
          %get3A_510 = arith.constant 80 : index
          %get3A_511 = tpu.vector_load %arg10[%get3A_509, %get3A_510] {strides = array<i32>} : memref<80x128xf32, #tpu.memory_space<vmem>>, vector<1x16xf32>,
          %get3A_512 = vector.shape_cast %get3A_511 : vector<1x16xf32> to vector<16xf32>
          %mul3A_513 = vector.broadcast %squeeze3A_431 : f32 to vector<16xf32>
          %mul3A_514 = arith.mulf %get3A_512, %mul3A_513 : vector<16xf32>
          %add3A_515 = arith.constant 3 : i32
          %add3A_516 = arith.addi %mul3A_66, %add3A_515 : i32
          %swap3A_517 = arith.index_cast %add3A_516 : i32 to index
          %swap3A_518 = arith.constant 80 : index
          %swap3A_519 = tpu.vector_load %arg10[%swap3A_517, %swap3A_518] {strides = array<i32>} : memref<80x128xf32, #tpu.memory_space<vmem>>, vector<1x16xf32>,
          %swap3A_520 = vector.shape_cast %swap3A_519 : vector<1x16xf32> to vector<16xf32>
          %swap3A_521 = vector.shape_cast %mul3A_514 : vector<16xf32> to vector<1x16xf32>
          tpu.vector_store %arg10[%swap3A_517, %swap3A_518], %swap3A_521 {strides = array<i32>} : memref<80x128xf32, #tpu.memory_space<vmem>>, vector<1x16xf32>,
          %add3A_522 = arith.constant 3 : i32
          %add3A_523 = arith.addi %mul3A_66, %add3A_522 : i32
          %get3A_524 = arith.index_cast %add3A_523 : i32 to index
          %get3A_525 = arith.constant 96 : index
          %get3A_526 = tpu.vector_load %arg10[%get3A_524, %get3A_525] {strides = array<i32>} : memref<80x128xf32, #tpu.memory_space<vmem>>, vector<1x16xf32>,
          %get3A_527 = vector.shape_cast %get3A_526 : vector<1x16xf32> to vector<16xf32>
          %mul3A_528 = vector.broadcast %squeeze3A_431 : f32 to vector<16xf32>
          %mul3A_529 = arith.mulf %get3A_527, %mul3A_528 : vector<16xf32>
          %add3A_530 = arith.constant 3 : i32
          %add3A_531 = arith.addi %mul3A_66, %add3A_530 : i32
          %swap3A_532 = arith.index_cast %add3A_531 : i32 to index
          %swap3A_533 = arith.constant 96 : index
          %swap3A_534 = tpu.vector_load %arg10[%swap3A_532, %swap3A_533] {strides = array<i32>} : memref<80x128xf32, #tpu.memory_space<vmem>>, vector<1x16xf32>,
          %swap3A_535 = vector.shape_cast %swap3A_534 : vector<1x16xf32> to vector<16xf32>
          %swap3A_536 = vector.shape_cast %mul3A_529 : vector<16xf32> to vector<1x16xf32>
          tpu.vector_store %arg10[%swap3A_532, %swap3A_533], %swap3A_536 {strides = array<i32>} : memref<80x128xf32, #tpu.memory_space<vmem>>, vector<1x16xf32>,
          %add3A_537 = arith.constant 3 : i32
          %add3A_538 = arith.addi %mul3A_66, %add3A_537 : i32
          %get3A_539 = arith.index_cast %add3A_538 : i32 to index
          %get3A_540 = arith.constant 112 : index
          %get3A_541 = tpu.vector_load %arg10[%get3A_539, %get3A_540] {strides = array<i32>} : memref<80x128xf32, #tpu.memory_space<vmem>>, vector<1x16xf32>,
          %get3A_542 = vector.shape_cast %get3A_541 : vector<1x16xf32> to vector<16xf32>
          %mul3A_543 = vector.broadcast %squeeze3A_431 : f32 to vector<16xf32>
          %mul3A_544 = arith.mulf %get3A_542, %mul3A_543 : vector<16xf32>
          %add3A_545 = arith.constant 3 : i32
          %add3A_546 = arith.addi %mul3A_66, %add3A_545 : i32
          %swap3A_547 = arith.index_cast %add3A_546 : i32 to index
          %swap3A_548 = arith.constant 112 : index
          %swap3A_549 = tpu.vector_load %arg10[%swap3A_547, %swap3A_548] {strides = array<i32>} : memref<80x128xf32, #tpu.memory_space<vmem>>, vector<1x16xf32>,
          %swap3A_550 = vector.shape_cast %swap3A_549 : vector<1x16xf32> to vector<16xf32>
          %swap3A_551 = vector.shape_cast %mul3A_544 : vector<16xf32> to vector<1x16xf32>
          tpu.vector_store %arg10[%swap3A_547, %swap3A_548], %swap3A_551 {strides = array<i32>} : memref<80x128xf32, #tpu.memory_space<vmem>>, vector<1x16xf32>,
          %slice3A_552 = vector.extract_strided_slice %get3A_64 {offsets = [4], sizes = [1], strides = [1]} : vector<16xf32> to vector<1xf32>
          %squeeze3A_553 = vector.extract %slice3A_552[0] : f32 from vector<1xf32>
          %add3A_554 = arith.constant 4 : i32
          %add3A_555 = arith.addi %mul3A_66, %add3A_554 : i32
          %get3A_556 = arith.index_cast %add3A_555 : i32 to index
          %get3A_557 = arith.constant 0 : index
          %get3A_558 = tpu.vector_load %arg10[%get3A_556, %get3A_557] {strides = array<i32>} : memref<80x128xf32, #tpu.memory_space<vmem>>, vector<1x16xf32>,
          %get3A_559 = vector.shape_cast %get3A_558 : vector<1x16xf32> to vector<16xf32>
          %mul3A_560 = vector.broadcast %squeeze3A_553 : f32 to vector<16xf32>
          %mul3A_561 = arith.mulf %get3A_559, %mul3A_560 : vector<16xf32>
          %add3A_562 = arith.constant 4 : i32
          %add3A_563 = arith.addi %mul3A_66, %add3A_562 : i32
          %swap3A_564 = arith.index_cast %add3A_563 : i32 to index
          %swap3A_565 = arith.constant 0 : index
          %swap3A_566 = tpu.vector_load %arg10[%swap3A_564, %swap3A_565] {strides = array<i32>} : memref<80x128xf32, #tpu.memory_space<vmem>>, vector<1x16xf32>,
          %swap3A_567 = vector.shape_cast %swap3A_566 : vector<1x16xf32> to vector<16xf32>
          %swap3A_568 = vector.shape_cast %mul3A_561 : vector<16xf32> to vector<1x16xf32>
          tpu.vector_store %arg10[%swap3A_564, %swap3A_565], %swap3A_568 {strides = array<i32>} : memref<80x128xf32, #tpu.memory_space<vmem>>, vector<1x16xf32>,
          %add3A_569 = arith.constant 4 : i32
          %add3A_570 = arith.addi %mul3A_66, %add3A_569 : i32
          %get3A_571 = arith.index_cast %add3A_570 : i32 to index
          %get3A_572 = arith.constant 16 : index
          %get3A_573 = tpu.vector_load %arg10[%get3A_571, %get3A_572] {strides = array<i32>} : memref<80x128xf32, #tpu.memory_space<vmem>>, vector<1x16xf32>,
          %get3A_574 = vector.shape_cast %get3A_573 : vector<1x16xf32> to vector<16xf32>
          %mul3A_575 = vector.broadcast %squeeze3A_553 : f32 to vector<16xf32>
          %mul3A_576 = arith.mulf %get3A_574, %mul3A_575 : vector<16xf32>
          %add3A_577 = arith.constant 4 : i32
          %add3A_578 = arith.addi %mul3A_66, %add3A_577 : i32
          %swap3A_579 = arith.index_cast %add3A_578 : i32 to index
          %swap3A_580 = arith.constant 16 : index
          %swap3A_581 = tpu.vector_load %arg10[%swap3A_579, %swap3A_580] {strides = array<i32>} : memref<80x128xf32, #tpu.memory_space<vmem>>, vector<1x16xf32>,
          %swap3A_582 = vector.shape_cast %swap3A_581 : vector<1x16xf32> to vector<16xf32>
          %swap3A_583 = vector.shape_cast %mul3A_576 : vector<16xf32> to vector<1x16xf32>
          tpu.vector_store %arg10[%swap3A_579, %swap3A_580], %swap3A_583 {strides = array<i32>} : memref<80x128xf32, #tpu.memory_space<vmem>>, vector<1x16xf32>,
          %add3A_584 = arith.constant 4 : i32
          %add3A_585 = arith.addi %mul3A_66, %add3A_584 : i32
          %get3A_586 = arith.index_cast %add3A_585 : i32 to index
          %get3A_587 = arith.constant 32 : index
          %get3A_588 = tpu.vector_load %arg10[%get3A_586, %get3A_587] {strides = array<i32>} : memref<80x128xf32, #tpu.memory_space<vmem>>, vector<1x16xf32>,
          %get3A_589 = vector.shape_cast %get3A_588 : vector<1x16xf32> to vector<16xf32>
          %mul3A_590 = vector.broadcast %squeeze3A_553 : f32 to vector<16xf32>
          %mul3A_591 = arith.mulf %get3A_589, %mul3A_590 : vector<16xf32>
          %add3A_592 = arith.constant 4 : i32
          %add3A_593 = arith.addi %mul3A_66, %add3A_592 : i32
          %swap3A_594 = arith.index_cast %add3A_593 : i32 to index
          %swap3A_595 = arith.constant 32 : index
          %swap3A_596 = tpu.vector_load %arg10[%swap3A_594, %swap3A_595] {strides = array<i32>} : memref<80x128xf32, #tpu.memory_space<vmem>>, vector<1x16xf32>,
          %swap3A_597 = vector.shape_cast %swap3A_596 : vector<1x16xf32> to vector<16xf32>
          %swap3A_598 = vector.shape_cast %mul3A_591 : vector<16xf32> to vector<1x16xf32>
          tpu.vector_store %arg10[%swap3A_594, %swap3A_595], %swap3A_598 {strides = array<i32>} : memref<80x128xf32, #tpu.memory_space<vmem>>, vector<1x16xf32>,
          %add3A_599 = arith.constant 4 : i32
          %add3A_600 = arith.addi %mul3A_66, %add3A_599 : i32
          %get3A_601 = arith.index_cast %add3A_600 : i32 to index
          %get3A_602 = arith.constant 48 : index
          %get3A_603 = tpu.vector_load %arg10[%get3A_601, %get3A_602] {strides = array<i32>} : memref<80x128xf32, #tpu.memory_space<vmem>>, vector<1x16xf32>,
          %get3A_604 = vector.shape_cast %get3A_603 : vector<1x16xf32> to vector<16xf32>
          %mul3A_605 = vector.broadcast %squeeze3A_553 : f32 to vector<16xf32>
          %mul3A_606 = arith.mulf %get3A_604, %mul3A_605 : vector<16xf32>
          %add3A_607 = arith.constant 4 : i32
          %add3A_608 = arith.addi %mul3A_66, %add3A_607 : i32
          %swap3A_609 = arith.index_cast %add3A_608 : i32 to index
          %swap3A_610 = arith.constant 48 : index
          %swap3A_611 = tpu.vector_load %arg10[%swap3A_609, %swap3A_610] {strides = array<i32>} : memref<80x128xf32, #tpu.memory_space<vmem>>, vector<1x16xf32>,
          %swap3A_612 = vector.shape_cast %swap3A_611 : vector<1x16xf32> to vector<16xf32>
          %swap3A_613 = vector.shape_cast %mul3A_606 : vector<16xf32> to vector<1x16xf32>
          tpu.vector_store %arg10[%swap3A_609, %swap3A_610], %swap3A_613 {strides = array<i32>} : memref<80x128xf32, #tpu.memory_space<vmem>>, vector<1x16xf32>,
          %add3A_614 = arith.constant 4 : i32
          %add3A_615 = arith.addi %mul3A_66, %add3A_614 : i32
          %get3A_616 = arith.index_cast %add3A_615 : i32 to index
          %get3A_617 = arith.constant 64 : index
          %get3A_618 = tpu.vector_load %arg10[%get3A_616, %get3A_617] {strides = array<i32>} : memref<80x128xf32, #tpu.memory_space<vmem>>, vector<1x16xf32>,
          %get3A_619 = vector.shape_cast %get3A_618 : vector<1x16xf32> to vector<16xf32>
          %mul3A_620 = vector.broadcast %squeeze3A_553 : f32 to vector<16xf32>
          %mul3A_621 = arith.mulf %get3A_619, %mul3A_620 : vector<16xf32>
          %add3A_622 = arith.constant 4 : i32
          %add3A_623 = arith.addi %mul3A_66, %add3A_622 : i32
          %swap3A_624 = arith.index_cast %add3A_623 : i32 to index
          %swap3A_625 = arith.constant 64 : index
          %swap3A_626 = tpu.vector_load %arg10[%swap3A_624, %swap3A_625] {strides = array<i32>} : memref<80x128xf32, #tpu.memory_space<vmem>>, vector<1x16xf32>,
          %swap3A_627 = vector.shape_cast %swap3A_626 : vector<1x16xf32> to vector<16xf32>
          %swap3A_628 = vector.shape_cast %mul3A_621 : vector<16xf32> to vector<1x16xf32>
          tpu.vector_store %arg10[%swap3A_624, %swap3A_625], %swap3A_628 {strides = array<i32>} : memref<80x128xf32, #tpu.memory_space<vmem>>, vector<1x16xf32>,
          %add3A_629 = arith.constant 4 : i32
          %add3A_630 = arith.addi %mul3A_66, %add3A_629 : i32
          %get3A_631 = arith.index_cast %add3A_630 : i32 to index
          %get3A_632 = arith.constant 80 : index
          %get3A_633 = tpu.vector_load %arg10[%get3A_631, %get3A_632] {strides = array<i32>} : memref<80x128xf32, #tpu.memory_space<vmem>>, vector<1x16xf32>,
          %get3A_634 = vector.shape_cast %get3A_633 : vector<1x16xf32> to vector<16xf32>
          %mul3A_635 = vector.broadcast %squeeze3A_553 : f32 to vector<16xf32>
          %mul3A_636 = arith.mulf %get3A_634, %mul3A_635 : vector<16xf32>
          %add3A_637 = arith.constant 4 : i32
          %add3A_638 = arith.addi %mul3A_66, %add3A_637 : i32
          %swap3A_639 = arith.index_cast %add3A_638 : i32 to index
          %swap3A_640 = arith.constant 80 : index
          %swap3A_641 = tpu.vector_load %arg10[%swap3A_639, %swap3A_640] {strides = array<i32>} : memref<80x128xf32, #tpu.memory_space<vmem>>, vector<1x16xf32>,
          %swap3A_642 = vector.shape_cast %swap3A_641 : vector<1x16xf32> to vector<16xf32>
          %swap3A_643 = vector.shape_cast %mul3A_636 : vector<16xf32> to vector<1x16xf32>
          tpu.vector_store %arg10[%swap3A_639, %swap3A_640], %swap3A_643 {strides = array<i32>} : memref<80x128xf32, #tpu.memory_space<vmem>>, vector<1x16xf32>,
          %add3A_644 = arith.constant 4 : i32
          %add3A_645 = arith.addi %mul3A_66, %add3A_644 : i32
          %get3A_646 = arith.index_cast %add3A_645 : i32 to index
          %get3A_647 = arith.constant 96 : index
          %get3A_648 = tpu.vector_load %arg10[%get3A_646, %get3A_647] {strides = array<i32>} : memref<80x128xf32, #tpu.memory_space<vmem>>, vector<1x16xf32>,
          %get3A_649 = vector.shape_cast %get3A_648 : vector<1x16xf32> to vector<16xf32>
          %mul3A_650 = vector.broadcast %squeeze3A_553 : f32 to vector<16xf32>
          %mul3A_651 = arith.mulf %get3A_649, %mul3A_650 : vector<16xf32>
          %add3A_652 = arith.constant 4 : i32
          %add3A_653 = arith.addi %mul3A_66, %add3A_652 : i32
          %swap3A_654 = arith.index_cast %add3A_653 : i32 to index
          %swap3A_655 = arith.constant 96 : index
          %swap3A_656 = tpu.vector_load %arg10[%swap3A_654, %swap3A_655] {strides = array<i32>} : memref<80x128xf32, #tpu.memory_space<vmem>>, vector<1x16xf32>,
          %swap3A_657 = vector.shape_cast %swap3A_656 : vector<1x16xf32> to vector<16xf32>
          %swap3A_658 = vector.shape_cast %mul3A_651 : vector<16xf32> to vector<1x16xf32>
          tpu.vector_store %arg10[%swap3A_654, %swap3A_655], %swap3A_658 {strides = array<i32>} : memref<80x128xf32, #tpu.memory_space<vmem>>, vector<1x16xf32>,
          %add3A_659 = arith.constant 4 : i32
          %add3A_660 = arith.addi %mul3A_66, %add3A_659 : i32
          %get3A_661 = arith.index_cast %add3A_660 : i32 to index
          %get3A_662 = arith.constant 112 : index
          %get3A_663 = tpu.vector_load %arg10[%get3A_661, %get3A_662] {strides = array<i32>} : memref<80x128xf32, #tpu.memory_space<vmem>>, vector<1x16xf32>,
          %get3A_664 = vector.shape_cast %get3A_663 : vector<1x16xf32> to vector<16xf32>
          %mul3A_665 = vector.broadcast %squeeze3A_553 : f32 to vector<16xf32>
          %mul3A_666 = arith.mulf %get3A_664, %mul3A_665 : vector<16xf32>
          %add3A_667 = arith.constant 4 : i32
          %add3A_668 = arith.addi %mul3A_66, %add3A_667 : i32
          %swap3A_669 = arith.index_cast %add3A_668 : i32 to index
          %swap3A_670 = arith.constant 112 : index
          %swap3A_671 = tpu.vector_load %arg10[%swap3A_669, %swap3A_670] {strides = array<i32>} : memref<80x128xf32, #tpu.memory_space<vmem>>, vector<1x16xf32>,
          %swap3A_672 = vector.shape_cast %swap3A_671 : vector<1x16xf32> to vector<16xf32>
          %swap3A_673 = vector.shape_cast %mul3A_666 : vector<16xf32> to vector<1x16xf32>
          tpu.vector_store %arg10[%swap3A_669, %swap3A_670], %swap3A_673 {strides = array<i32>} : memref<80x128xf32, #tpu.memory_space<vmem>>, vector<1x16xf32>,
          %slice3A_674 = vector.extract_strided_slice %get3A_64 {offsets = [5], sizes = [1], strides = [1]} : vector<16xf32> to vector<1xf32>
          %squeeze3A_675 = vector.extract %slice3A_674[0] : f32 from vector<1xf32>
          %add3A_676 = arith.constant 5 : i32
          %add3A_677 = arith.addi %mul3A_66, %add3A_676 : i32
          %get3A_678 = arith.index_cast %add3A_677 : i32 to index
          %get3A_679 = arith.constant 0 : index
          %get3A_680 = tpu.vector_load %arg10[%get3A_678, %get3A_679] {strides = array<i32>} : memref<80x128xf32, #tpu.memory_space<vmem>>, vector<1x16xf32>,
          %get3A_681 = vector.shape_cast %get3A_680 : vector<1x16xf32> to vector<16xf32>
          %mul3A_682 = vector.broadcast %squeeze3A_675 : f32 to vector<16xf32>
          %mul3A_683 = arith.mulf %get3A_681, %mul3A_682 : vector<16xf32>
          %add3A_684 = arith.constant 5 : i32
          %add3A_685 = arith.addi %mul3A_66, %add3A_684 : i32
          %swap3A_686 = arith.index_cast %add3A_685 : i32 to index
          %swap3A_687 = arith.constant 0 : index
          %swap3A_688 = tpu.vector_load %arg10[%swap3A_686, %swap3A_687] {strides = array<i32>} : memref<80x128xf32, #tpu.memory_space<vmem>>, vector<1x16xf32>,
          %swap3A_689 = vector.shape_cast %swap3A_688 : vector<1x16xf32> to vector<16xf32>
          %swap3A_690 = vector.shape_cast %mul3A_683 : vector<16xf32> to vector<1x16xf32>
          tpu.vector_store %arg10[%swap3A_686, %swap3A_687], %swap3A_690 {strides = array<i32>} : memref<80x128xf32, #tpu.memory_space<vmem>>, vector<1x16xf32>,
          %add3A_691 = arith.constant 5 : i32
          %add3A_692 = arith.addi %mul3A_66, %add3A_691 : i32
          %get3A_693 = arith.index_cast %add3A_692 : i32 to index
          %get3A_694 = arith.constant 16 : index
          %get3A_695 = tpu.vector_load %arg10[%get3A_693, %get3A_694] {strides = array<i32>} : memref<80x128xf32, #tpu.memory_space<vmem>>, vector<1x16xf32>,
          %get3A_696 = vector.shape_cast %get3A_695 : vector<1x16xf32> to vector<16xf32>
          %mul3A_697 = vector.broadcast %squeeze3A_675 : f32 to vector<16xf32>
          %mul3A_698 = arith.mulf %get3A_696, %mul3A_697 : vector<16xf32>
          %add3A_699 = arith.constant 5 : i32
          %add3A_700 = arith.addi %mul3A_66, %add3A_699 : i32
          %swap3A_701 = arith.index_cast %add3A_700 : i32 to index
          %swap3A_702 = arith.constant 16 : index
          %swap3A_703 = tpu.vector_load %arg10[%swap3A_701, %swap3A_702] {strides = array<i32>} : memref<80x128xf32, #tpu.memory_space<vmem>>, vector<1x16xf32>,
          %swap3A_704 = vector.shape_cast %swap3A_703 : vector<1x16xf32> to vector<16xf32>
          %swap3A_705 = vector.shape_cast %mul3A_698 : vector<16xf32> to vector<1x16xf32>
          tpu.vector_store %arg10[%swap3A_701, %swap3A_702], %swap3A_705 {strides = array<i32>} : memref<80x128xf32, #tpu.memory_space<vmem>>, vector<1x16xf32>,
          %add3A_706 = arith.constant 5 : i32
          %add3A_707 = arith.addi %mul3A_66, %add3A_706 : i32
          %get3A_708 = arith.index_cast %add3A_707 : i32 to index
          %get3A_709 = arith.constant 32 : index
          %get3A_710 = tpu.vector_load %arg10[%get3A_708, %get3A_709] {strides = array<i32>} : memref<80x128xf32, #tpu.memory_space<vmem>>, vector<1x16xf32>,
          %get3A_711 = vector.shape_cast %get3A_710 : vector<1x16xf32> to vector<16xf32>
          %mul3A_712 = vector.broadcast %squeeze3A_675 : f32 to vector<16xf32>
          %mul3A_713 = arith.mulf %get3A_711, %mul3A_712 : vector<16xf32>
          %add3A_714 = arith.constant 5 : i32
          %add3A_715 = arith.addi %mul3A_66, %add3A_714 : i32
          %swap3A_716 = arith.index_cast %add3A_715 : i32 to index
          %swap3A_717 = arith.constant 32 : index
          %swap3A_718 = tpu.vector_load %arg10[%swap3A_716, %swap3A_717] {strides = array<i32>} : memref<80x128xf32, #tpu.memory_space<vmem>>, vector<1x16xf32>,
          %swap3A_719 = vector.shape_cast %swap3A_718 : vector<1x16xf32> to vector<16xf32>
          %swap3A_720 = vector.shape_cast %mul3A_713 : vector<16xf32> to vector<1x16xf32>
          tpu.vector_store %arg10[%swap3A_716, %swap3A_717], %swap3A_720 {strides = array<i32>} : memref<80x128xf32, #tpu.memory_space<vmem>>, vector<1x16xf32>,
          %add3A_721 = arith.constant 5 : i32
          %add3A_722 = arith.addi %mul3A_66, %add3A_721 : i32
          %get3A_723 = arith.index_cast %add3A_722 : i32 to index
          %get3A_724 = arith.constant 48 : index
          %get3A_725 = tpu.vector_load %arg10[%get3A_723, %get3A_724] {strides = array<i32>} : memref<80x128xf32, #tpu.memory_space<vmem>>, vector<1x16xf32>,
          %get3A_726 = vector.shape_cast %get3A_725 : vector<1x16xf32> to vector<16xf32>
          %mul3A_727 = vector.broadcast %squeeze3A_675 : f32 to vector<16xf32>
          %mul3A_728 = arith.mulf %get3A_726, %mul3A_727 : vector<16xf32>
          %add3A_729 = arith.constant 5 : i32
          %add3A_730 = arith.addi %mul3A_66, %add3A_729 : i32
          %swap3A_731 = arith.index_cast %add3A_730 : i32 to index
          %swap3A_732 = arith.constant 48 : index
          %swap3A_733 = tpu.vector_load %arg10[%swap3A_731, %swap3A_732] {strides = array<i32>} : memref<80x128xf32, #tpu.memory_space<vmem>>, vector<1x16xf32>,
          %swap3A_734 = vector.shape_cast %swap3A_733 : vector<1x16xf32> to vector<16xf32>
          %swap3A_735 = vector.shape_cast %mul3A_728 : vector<16xf32> to vector<1x16xf32>
          tpu.vector_store %arg10[%swap3A_731, %swap3A_732], %swap3A_735 {strides = array<i32>} : memref<80x128xf32, #tpu.memory_space<vmem>>, vector<1x16xf32>,
          %add3A_736 = arith.constant 5 : i32
          %add3A_737 = arith.addi %mul3A_66, %add3A_736 : i32
          %get3A_738 = arith.index_cast %add3A_737 : i32 to index
          %get3A_739 = arith.constant 64 : index
          %get3A_740 = tpu.vector_load %arg10[%get3A_738, %get3A_739] {strides = array<i32>} : memref<80x128xf32, #tpu.memory_space<vmem>>, vector<1x16xf32>,
          %get3A_741 = vector.shape_cast %get3A_740 : vector<1x16xf32> to vector<16xf32>
          %mul3A_742 = vector.broadcast %squeeze3A_675 : f32 to vector<16xf32>
          %mul3A_743 = arith.mulf %get3A_741, %mul3A_742 : vector<16xf32>
          %add3A_744 = arith.constant 5 : i32
          %add3A_745 = arith.addi %mul3A_66, %add3A_744 : i32
          %swap3A_746 = arith.index_cast %add3A_745 : i32 to index
          %swap3A_747 = arith.constant 64 : index
          %swap3A_748 = tpu.vector_load %arg10[%swap3A_746, %swap3A_747] {strides = array<i32>} : memref<80x128xf32, #tpu.memory_space<vmem>>, vector<1x16xf32>,
          %swap3A_749 = vector.shape_cast %swap3A_748 : vector<1x16xf32> to vector<16xf32>
          %swap3A_750 = vector.shape_cast %mul3A_743 : vector<16xf32> to vector<1x16xf32>
          tpu.vector_store %arg10[%swap3A_746, %swap3A_747], %swap3A_750 {strides = array<i32>} : memref<80x128xf32, #tpu.memory_space<vmem>>, vector<1x16xf32>,
          %add3A_751 = arith.constant 5 : i32
          %add3A_752 = arith.addi %mul3A_66, %add3A_751 : i32
          %get3A_753 = arith.index_cast %add3A_752 : i32 to index
          %get3A_754 = arith.constant 80 : index
          %get3A_755 = tpu.vector_load %arg10[%get3A_753, %get3A_754] {strides = array<i32>} : memref<80x128xf32, #tpu.memory_space<vmem>>, vector<1x16xf32>,
          %get3A_756 = vector.shape_cast %get3A_755 : vector<1x16xf32> to vector<16xf32>
          %mul3A_757 = vector.broadcast %squeeze3A_675 : f32 to vector<16xf32>
          %mul3A_758 = arith.mulf %get3A_756, %mul3A_757 : vector<16xf32>
          %add3A_759 = arith.constant 5 : i32
          %add3A_760 = arith.addi %mul3A_66, %add3A_759 : i32
          %swap3A_761 = arith.index_cast %add3A_760 : i32 to index
          %swap3A_762 = arith.constant 80 : index
          %swap3A_763 = tpu.vector_load %arg10[%swap3A_761, %swap3A_762] {strides = array<i32>} : memref<80x128xf32, #tpu.memory_space<vmem>>, vector<1x16xf32>,
          %swap3A_764 = vector.shape_cast %swap3A_763 : vector<1x16xf32> to vector<16xf32>
          %swap3A_765 = vector.shape_cast %mul3A_758 : vector<16xf32> to vector<1x16xf32>
          tpu.vector_store %arg10[%swap3A_761, %swap3A_762], %swap3A_765 {strides = array<i32>} : memref<80x128xf32, #tpu.memory_space<vmem>>, vector<1x16xf32>,
          %add3A_766 = arith.constant 5 : i32
          %add3A_767 = arith.addi %mul3A_66, %add3A_766 : i32
          %get3A_768 = arith.index_cast %add3A_767 : i32 to index
          %get3A_769 = arith.constant 96 : index
          %get3A_770 = tpu.vector_load %arg10[%get3A_768, %get3A_769] {strides = array<i32>} : memref<80x128xf32, #tpu.memory_space<vmem>>, vector<1x16xf32>,
          %get3A_771 = vector.shape_cast %get3A_770 : vector<1x16xf32> to vector<16xf32>
          %mul3A_772 = vector.broadcast %squeeze3A_675 : f32 to vector<16xf32>
          %mul3A_773 = arith.mulf %get3A_771, %mul3A_772 : vector<16xf32>
          %add3A_774 = arith.constant 5 : i32
          %add3A_775 = arith.addi %mul3A_66, %add3A_774 : i32
          %swap3A_776 = arith.index_cast %add3A_775 : i32 to index
          %swap3A_777 = arith.constant 96 : index
          %swap3A_778 = tpu.vector_load %arg10[%swap3A_776, %swap3A_777] {strides = array<i32>} : memref<80x128xf32, #tpu.memory_space<vmem>>, vector<1x16xf32>,
          %swap3A_779 = vector.shape_cast %swap3A_778 : vector<1x16xf32> to vector<16xf32>
          %swap3A_780 = vector.shape_cast %mul3A_773 : vector<16xf32> to vector<1x16xf32>
          tpu.vector_store %arg10[%swap3A_776, %swap3A_777], %swap3A_780 {strides = array<i32>} : memref<80x128xf32, #tpu.memory_space<vmem>>, vector<1x16xf32>,
          %add3A_781 = arith.constant 5 : i32
          %add3A_782 = arith.addi %mul3A_66, %add3A_781 : i32
          %get3A_783 = arith.index_cast %add3A_782 : i32 to index
          %get3A_784 = arith.constant 112 : index
          %get3A_785 = tpu.vector_load %arg10[%get3A_783, %get3A_784] {strides = array<i32>} : memref<80x128xf32, #tpu.memory_space<vmem>>, vector<1x16xf32>,
          %get3A_786 = vector.shape_cast %get3A_785 : vector<1x16xf32> to vector<16xf32>
          %mul3A_787 = vector.broadcast %squeeze3A_675 : f32 to vector<16xf32>
          %mul3A_788 = arith.mulf %get3A_786, %mul3A_787 : vector<16xf32>
          %add3A_789 = arith.constant 5 : i32
          %add3A_790 = arith.addi %mul3A_66, %add3A_789 : i32
          %swap3A_791 = arith.index_cast %add3A_790 : i32 to index
          %swap3A_792 = arith.constant 112 : index
          %swap3A_793 = tpu.vector_load %arg10[%swap3A_791, %swap3A_792] {strides = array<i32>} : memref<80x128xf32, #tpu.memory_space<vmem>>, vector<1x16xf32>,
          %swap3A_794 = vector.shape_cast %swap3A_793 : vector<1x16xf32> to vector<16xf32>
          %swap3A_795 = vector.shape_cast %mul3A_788 : vector<16xf32> to vector<1x16xf32>
          tpu.vector_store %arg10[%swap3A_791, %swap3A_792], %swap3A_795 {strides = array<i32>} : memref<80x128xf32, #tpu.memory_space<vmem>>, vector<1x16xf32>,
          %slice3A_796 = vector.extract_strided_slice %get3A_64 {offsets = [6], sizes = [1], strides = [1]} : vector<16xf32> to vector<1xf32>
          %squeeze3A_797 = vector.extract %slice3A_796[0] : f32 from vector<1xf32>
          %add3A_798 = arith.constant 6 : i32
          %add3A_799 = arith.addi %mul3A_66, %add3A_798 : i32
          %get3A_800 = arith.index_cast %add3A_799 : i32 to index
          %get3A_801 = arith.constant 0 : index
          %get3A_802 = tpu.vector_load %arg10[%get3A_800, %get3A_801] {strides = array<i32>} : memref<80x128xf32, #tpu.memory_space<vmem>>, vector<1x16xf32>,
          %get3A_803 = vector.shape_cast %get3A_802 : vector<1x16xf32> to vector<16xf32>
          %mul3A_804 = vector.broadcast %squeeze3A_797 : f32 to vector<16xf32>
          %mul3A_805 = arith.mulf %get3A_803, %mul3A_804 : vector<16xf32>
          %add3A_806 = arith.constant 6 : i32
          %add3A_807 = arith.addi %mul3A_66, %add3A_806 : i32
          %swap3A_808 = arith.index_cast %add3A_807 : i32 to index
          %swap3A_809 = arith.constant 0 : index
          %swap3A_810 = tpu.vector_load %arg10[%swap3A_808, %swap3A_809] {strides = array<i32>} : memref<80x128xf32, #tpu.memory_space<vmem>>, vector<1x16xf32>,
          %swap3A_811 = vector.shape_cast %swap3A_810 : vector<1x16xf32> to vector<16xf32>
          %swap3A_812 = vector.shape_cast %mul3A_805 : vector<16xf32> to vector<1x16xf32>
          tpu.vector_store %arg10[%swap3A_808, %swap3A_809], %swap3A_812 {strides = array<i32>} : memref<80x128xf32, #tpu.memory_space<vmem>>, vector<1x16xf32>,
          %add3A_813 = arith.constant 6 : i32
          %add3A_814 = arith.addi %mul3A_66, %add3A_813 : i32
          %get3A_815 = arith.index_cast %add3A_814 : i32 to index
          %get3A_816 = arith.constant 16 : index
          %get3A_817 = tpu.vector_load %arg10[%get3A_815, %get3A_816] {strides = array<i32>} : memref<80x128xf32, #tpu.memory_space<vmem>>, vector<1x16xf32>,
          %get3A_818 = vector.shape_cast %get3A_817 : vector<1x16xf32> to vector<16xf32>
          %mul3A_819 = vector.broadcast %squeeze3A_797 : f32 to vector<16xf32>
          %mul3A_820 = arith.mulf %get3A_818, %mul3A_819 : vector<16xf32>
          %add3A_821 = arith.constant 6 : i32
          %add3A_822 = arith.addi %mul3A_66, %add3A_821 : i32
          %swap3A_823 = arith.index_cast %add3A_822 : i32 to index
          %swap3A_824 = arith.constant 16 : index
          %swap3A_825 = tpu.vector_load %arg10[%swap3A_823, %swap3A_824] {strides = array<i32>} : memref<80x128xf32, #tpu.memory_space<vmem>>, vector<1x16xf32>,
          %swap3A_826 = vector.shape_cast %swap3A_825 : vector<1x16xf32> to vector<16xf32>
          %swap3A_827 = vector.shape_cast %mul3A_820 : vector<16xf32> to vector<1x16xf32>
          tpu.vector_store %arg10[%swap3A_823, %swap3A_824], %swap3A_827 {strides = array<i32>} : memref<80x128xf32, #tpu.memory_space<vmem>>, vector<1x16xf32>,
          %add3A_828 = arith.constant 6 : i32
          %add3A_829 = arith.addi %mul3A_66, %add3A_828 : i32
          %get3A_830 = arith.index_cast %add3A_829 : i32 to index
          %get3A_831 = arith.constant 32 : index
          %get3A_832 = tpu.vector_load %arg10[%get3A_830, %get3A_831] {strides = array<i32>} : memref<80x128xf32, #tpu.memory_space<vmem>>, vector<1x16xf32>,
          %get3A_833 = vector.shape_cast %get3A_832 : vector<1x16xf32> to vector<16xf32>
          %mul3A_834 = vector.broadcast %squeeze3A_797 : f32 to vector<16xf32>
          %mul3A_835 = arith.mulf %get3A_833, %mul3A_834 : vector<16xf32>
          %add3A_836 = arith.constant 6 : i32
          %add3A_837 = arith.addi %mul3A_66, %add3A_836 : i32
          %swap3A_838 = arith.index_cast %add3A_837 : i32 to index
          %swap3A_839 = arith.constant 32 : index
          %swap3A_840 = tpu.vector_load %arg10[%swap3A_838, %swap3A_839] {strides = array<i32>} : memref<80x128xf32, #tpu.memory_space<vmem>>, vector<1x16xf32>,
          %swap3A_841 = vector.shape_cast %swap3A_840 : vector<1x16xf32> to vector<16xf32>
          %swap3A_842 = vector.shape_cast %mul3A_835 : vector<16xf32> to vector<1x16xf32>
          tpu.vector_store %arg10[%swap3A_838, %swap3A_839], %swap3A_842 {strides = array<i32>} : memref<80x128xf32, #tpu.memory_space<vmem>>, vector<1x16xf32>,
          %add3A_843 = arith.constant 6 : i32
          %add3A_844 = arith.addi %mul3A_66, %add3A_843 : i32
          %get3A_845 = arith.index_cast %add3A_844 : i32 to index
          %get3A_846 = arith.constant 48 : index
          %get3A_847 = tpu.vector_load %arg10[%get3A_845, %get3A_846] {strides = array<i32>} : memref<80x128xf32, #tpu.memory_space<vmem>>, vector<1x16xf32>,
          %get3A_848 = vector.shape_cast %get3A_847 : vector<1x16xf32> to vector<16xf32>
          %mul3A_849 = vector.broadcast %squeeze3A_797 : f32 to vector<16xf32>
          %mul3A_850 = arith.mulf %get3A_848, %mul3A_849 : vector<16xf32>
          %add3A_851 = arith.constant 6 : i32
          %add3A_852 = arith.addi %mul3A_66, %add3A_851 : i32
          %swap3A_853 = arith.index_cast %add3A_852 : i32 to index
          %swap3A_854 = arith.constant 48 : index
          %swap3A_855 = tpu.vector_load %arg10[%swap3A_853, %swap3A_854] {strides = array<i32>} : memref<80x128xf32, #tpu.memory_space<vmem>>, vector<1x16xf32>,
          %swap3A_856 = vector.shape_cast %swap3A_855 : vector<1x16xf32> to vector<16xf32>
          %swap3A_857 = vector.shape_cast %mul3A_850 : vector<16xf32> to vector<1x16xf32>
          tpu.vector_store %arg10[%swap3A_853, %swap3A_854], %swap3A_857 {strides = array<i32>} : memref<80x128xf32, #tpu.memory_space<vmem>>, vector<1x16xf32>,
          %add3A_858 = arith.constant 6 : i32
          %add3A_859 = arith.addi %mul3A_66, %add3A_858 : i32
          %get3A_860 = arith.index_cast %add3A_859 : i32 to index
          %get3A_861 = arith.constant 64 : index
          %get3A_862 = tpu.vector_load %arg10[%get3A_860, %get3A_861] {strides = array<i32>} : memref<80x128xf32, #tpu.memory_space<vmem>>, vector<1x16xf32>,
          %get3A_863 = vector.shape_cast %get3A_862 : vector<1x16xf32> to vector<16xf32>
          %mul3A_864 = vector.broadcast %squeeze3A_797 : f32 to vector<16xf32>
          %mul3A_865 = arith.mulf %get3A_863, %mul3A_864 : vector<16xf32>
          %add3A_866 = arith.constant 6 : i32
          %add3A_867 = arith.addi %mul3A_66, %add3A_866 : i32
          %swap3A_868 = arith.index_cast %add3A_867 : i32 to index
          %swap3A_869 = arith.constant 64 : index
          %swap3A_870 = tpu.vector_load %arg10[%swap3A_868, %swap3A_869] {strides = array<i32>} : memref<80x128xf32, #tpu.memory_space<vmem>>, vector<1x16xf32>,
          %swap3A_871 = vector.shape_cast %swap3A_870 : vector<1x16xf32> to vector<16xf32>
          %swap3A_872 = vector.shape_cast %mul3A_865 : vector<16xf32> to vector<1x16xf32>
          tpu.vector_store %arg10[%swap3A_868, %swap3A_869], %swap3A_872 {strides = array<i32>} : memref<80x128xf32, #tpu.memory_space<vmem>>, vector<1x16xf32>,
          %add3A_873 = arith.constant 6 : i32
          %add3A_874 = arith.addi %mul3A_66, %add3A_873 : i32
          %get3A_875 = arith.index_cast %add3A_874 : i32 to index
          %get3A_876 = arith.constant 80 : index
          %get3A_877 = tpu.vector_load %arg10[%get3A_875, %get3A_876] {strides = array<i32>} : memref<80x128xf32, #tpu.memory_space<vmem>>, vector<1x16xf32>,
          %get3A_878 = vector.shape_cast %get3A_877 : vector<1x16xf32> to vector<16xf32>
          %mul3A_879 = vector.broadcast %squeeze3A_797 : f32 to vector<16xf32>
          %mul3A_880 = arith.mulf %get3A_878, %mul3A_879 : vector<16xf32>
          %add3A_881 = arith.constant 6 : i32
          %add3A_882 = arith.addi %mul3A_66, %add3A_881 : i32
          %swap3A_883 = arith.index_cast %add3A_882 : i32 to index
          %swap3A_884 = arith.constant 80 : index
          %swap3A_885 = tpu.vector_load %arg10[%swap3A_883, %swap3A_884] {strides = array<i32>} : memref<80x128xf32, #tpu.memory_space<vmem>>, vector<1x16xf32>,
          %swap3A_886 = vector.shape_cast %swap3A_885 : vector<1x16xf32> to vector<16xf32>
          %swap3A_887 = vector.shape_cast %mul3A_880 : vector<16xf32> to vector<1x16xf32>
          tpu.vector_store %arg10[%swap3A_883, %swap3A_884], %swap3A_887 {strides = array<i32>} : memref<80x128xf32, #tpu.memory_space<vmem>>, vector<1x16xf32>,
          %add3A_888 = arith.constant 6 : i32
          %add3A_889 = arith.addi %mul3A_66, %add3A_888 : i32
          %get3A_890 = arith.index_cast %add3A_889 : i32 to index
          %get3A_891 = arith.constant 96 : index
          %get3A_892 = tpu.vector_load %arg10[%get3A_890, %get3A_891] {strides = array<i32>} : memref<80x128xf32, #tpu.memory_space<vmem>>, vector<1x16xf32>,
          %get3A_893 = vector.shape_cast %get3A_892 : vector<1x16xf32> to vector<16xf32>
          %mul3A_894 = vector.broadcast %squeeze3A_797 : f32 to vector<16xf32>
          %mul3A_895 = arith.mulf %get3A_893, %mul3A_894 : vector<16xf32>
          %add3A_896 = arith.constant 6 : i32
          %add3A_897 = arith.addi %mul3A_66, %add3A_896 : i32
          %swap3A_898 = arith.index_cast %add3A_897 : i32 to index
          %swap3A_899 = arith.constant 96 : index
          %swap3A_900 = tpu.vector_load %arg10[%swap3A_898, %swap3A_899] {strides = array<i32>} : memref<80x128xf32, #tpu.memory_space<vmem>>, vector<1x16xf32>,
          %swap3A_901 = vector.shape_cast %swap3A_900 : vector<1x16xf32> to vector<16xf32>
          %swap3A_902 = vector.shape_cast %mul3A_895 : vector<16xf32> to vector<1x16xf32>
          tpu.vector_store %arg10[%swap3A_898, %swap3A_899], %swap3A_902 {strides = array<i32>} : memref<80x128xf32, #tpu.memory_space<vmem>>, vector<1x16xf32>,
          %add3A_903 = arith.constant 6 : i32
          %add3A_904 = arith.addi %mul3A_66, %add3A_903 : i32
          %get3A_905 = arith.index_cast %add3A_904 : i32 to index
          %get3A_906 = arith.constant 112 : index
          %get3A_907 = tpu.vector_load %arg10[%get3A_905, %get3A_906] {strides = array<i32>} : memref<80x128xf32, #tpu.memory_space<vmem>>, vector<1x16xf32>,
          %get3A_908 = vector.shape_cast %get3A_907 : vector<1x16xf32> to vector<16xf32>
          %mul3A_909 = vector.broadcast %squeeze3A_797 : f32 to vector<16xf32>
          %mul3A_910 = arith.mulf %get3A_908, %mul3A_909 : vector<16xf32>
          %add3A_911 = arith.constant 6 : i32
          %add3A_912 = arith.addi %mul3A_66, %add3A_911 : i32
          %swap3A_913 = arith.index_cast %add3A_912 : i32 to index
          %swap3A_914 = arith.constant 112 : index
          %swap3A_915 = tpu.vector_load %arg10[%swap3A_913, %swap3A_914] {strides = array<i32>} : memref<80x128xf32, #tpu.memory_space<vmem>>, vector<1x16xf32>,
          %swap3A_916 = vector.shape_cast %swap3A_915 : vector<1x16xf32> to vector<16xf32>
          %swap3A_917 = vector.shape_cast %mul3A_910 : vector<16xf32> to vector<1x16xf32>
          tpu.vector_store %arg10[%swap3A_913, %swap3A_914], %swap3A_917 {strides = array<i32>} : memref<80x128xf32, #tpu.memory_space<vmem>>, vector<1x16xf32>,
          %slice3A_918 = vector.extract_strided_slice %get3A_64 {offsets = [7], sizes = [1], strides = [1]} : vector<16xf32> to vector<1xf32>
          %squeeze3A_919 = vector.extract %slice3A_918[0] : f32 from vector<1xf32>
          %add3A_920 = arith.constant 7 : i32
          %add3A_921 = arith.addi %mul3A_66, %add3A_920 : i32
          %get3A_922 = arith.index_cast %add3A_921 : i32 to index
          %get3A_923 = arith.constant 0 : index
          %get3A_924 = tpu.vector_load %arg10[%get3A_922, %get3A_923] {strides = array<i32>} : memref<80x128xf32, #tpu.memory_space<vmem>>, vector<1x16xf32>,
          %get3A_925 = vector.shape_cast %get3A_924 : vector<1x16xf32> to vector<16xf32>
          %mul3A_926 = vector.broadcast %squeeze3A_919 : f32 to vector<16xf32>
          %mul3A_927 = arith.mulf %get3A_925, %mul3A_926 : vector<16xf32>
          %add3A_928 = arith.constant 7 : i32
          %add3A_929 = arith.addi %mul3A_66, %add3A_928 : i32
          %swap3A_930 = arith.index_cast %add3A_929 : i32 to index
          %swap3A_931 = arith.constant 0 : index
          %swap3A_932 = tpu.vector_load %arg10[%swap3A_930, %swap3A_931] {strides = array<i32>} : memref<80x128xf32, #tpu.memory_space<vmem>>, vector<1x16xf32>,
          %swap3A_933 = vector.shape_cast %swap3A_932 : vector<1x16xf32> to vector<16xf32>
          %swap3A_934 = vector.shape_cast %mul3A_927 : vector<16xf32> to vector<1x16xf32>
          tpu.vector_store %arg10[%swap3A_930, %swap3A_931], %swap3A_934 {strides = array<i32>} : memref<80x128xf32, #tpu.memory_space<vmem>>, vector<1x16xf32>,
          %add3A_935 = arith.constant 7 : i32
          %add3A_936 = arith.addi %mul3A_66, %add3A_935 : i32
          %get3A_937 = arith.index_cast %add3A_936 : i32 to index
          %get3A_938 = arith.constant 16 : index
          %get3A_939 = tpu.vector_load %arg10[%get3A_937, %get3A_938] {strides = array<i32>} : memref<80x128xf32, #tpu.memory_space<vmem>>, vector<1x16xf32>,
          %get3A_940 = vector.shape_cast %get3A_939 : vector<1x16xf32> to vector<16xf32>
          %mul3A_941 = vector.broadcast %squeeze3A_919 : f32 to vector<16xf32>
          %mul3A_942 = arith.mulf %get3A_940, %mul3A_941 : vector<16xf32>
          %add3A_943 = arith.constant 7 : i32
          %add3A_944 = arith.addi %mul3A_66, %add3A_943 : i32
          %swap3A_945 = arith.index_cast %add3A_944 : i32 to index
          %swap3A_946 = arith.constant 16 : index
          %swap3A_947 = tpu.vector_load %arg10[%swap3A_945, %swap3A_946] {strides = array<i32>} : memref<80x128xf32, #tpu.memory_space<vmem>>, vector<1x16xf32>,
          %swap3A_948 = vector.shape_cast %swap3A_947 : vector<1x16xf32> to vector<16xf32>
          %swap3A_949 = vector.shape_cast %mul3A_942 : vector<16xf32> to vector<1x16xf32>
          tpu.vector_store %arg10[%swap3A_945, %swap3A_946], %swap3A_949 {strides = array<i32>} : memref<80x128xf32, #tpu.memory_space<vmem>>, vector<1x16xf32>,
          %add3A_950 = arith.constant 7 : i32
          %add3A_951 = arith.addi %mul3A_66, %add3A_950 : i32
          %get3A_952 = arith.index_cast %add3A_951 : i32 to index
          %get3A_953 = arith.constant 32 : index
          %get3A_954 = tpu.vector_load %arg10[%get3A_952, %get3A_953] {strides = array<i32>} : memref<80x128xf32, #tpu.memory_space<vmem>>, vector<1x16xf32>,
          %get3A_955 = vector.shape_cast %get3A_954 : vector<1x16xf32> to vector<16xf32>
          %mul3A_956 = vector.broadcast %squeeze3A_919 : f32 to vector<16xf32>
          %mul3A_957 = arith.mulf %get3A_955, %mul3A_956 : vector<16xf32>
          %add3A_958 = arith.constant 7 : i32
          %add3A_959 = arith.addi %mul3A_66, %add3A_958 : i32
          %swap3A_960 = arith.index_cast %add3A_959 : i32 to index
          %swap3A_961 = arith.constant 32 : index
          %swap3A_962 = tpu.vector_load %arg10[%swap3A_960, %swap3A_961] {strides = array<i32>} : memref<80x128xf32, #tpu.memory_space<vmem>>, vector<1x16xf32>,
          %swap3A_963 = vector.shape_cast %swap3A_962 : vector<1x16xf32> to vector<16xf32>
          %swap3A_964 = vector.shape_cast %mul3A_957 : vector<16xf32> to vector<1x16xf32>
          tpu.vector_store %arg10[%swap3A_960, %swap3A_961], %swap3A_964 {strides = array<i32>} : memref<80x128xf32, #tpu.memory_space<vmem>>, vector<1x16xf32>,
          %add3A_965 = arith.constant 7 : i32
          %add3A_966 = arith.addi %mul3A_66, %add3A_965 : i32
          %get3A_967 = arith.index_cast %add3A_966 : i32 to index
          %get3A_968 = arith.constant 48 : index
          %get3A_969 = tpu.vector_load %arg10[%get3A_967, %get3A_968] {strides = array<i32>} : memref<80x128xf32, #tpu.memory_space<vmem>>, vector<1x16xf32>,
          %get3A_970 = vector.shape_cast %get3A_969 : vector<1x16xf32> to vector<16xf32>
          %mul3A_971 = vector.broadcast %squeeze3A_919 : f32 to vector<16xf32>
          %mul3A_972 = arith.mulf %get3A_970, %mul3A_971 : vector<16xf32>
          %add3A_973 = arith.constant 7 : i32
          %add3A_974 = arith.addi %mul3A_66, %add3A_973 : i32
          %swap3A_975 = arith.index_cast %add3A_974 : i32 to index
          %swap3A_976 = arith.constant 48 : index
          %swap3A_977 = tpu.vector_load %arg10[%swap3A_975, %swap3A_976] {strides = array<i32>} : memref<80x128xf32, #tpu.memory_space<vmem>>, vector<1x16xf32>,
          %swap3A_978 = vector.shape_cast %swap3A_977 : vector<1x16xf32> to vector<16xf32>
          %swap3A_979 = vector.shape_cast %mul3A_972 : vector<16xf32> to vector<1x16xf32>
          tpu.vector_store %arg10[%swap3A_975, %swap3A_976], %swap3A_979 {strides = array<i32>} : memref<80x128xf32, #tpu.memory_space<vmem>>, vector<1x16xf32>,
          %add3A_980 = arith.constant 7 : i32
          %add3A_981 = arith.addi %mul3A_66, %add3A_980 : i32
          %get3A_982 = arith.index_cast %add3A_981 : i32 to index
          %get3A_983 = arith.constant 64 : index
          %get3A_984 = tpu.vector_load %arg10[%get3A_982, %get3A_983] {strides = array<i32>} : memref<80x128xf32, #tpu.memory_space<vmem>>, vector<1x16xf32>,
          %get3A_985 = vector.shape_cast %get3A_984 : vector<1x16xf32> to vector<16xf32>
          %mul3A_986 = vector.broadcast %squeeze3A_919 : f32 to vector<16xf32>
          %mul3A_987 = arith.mulf %get3A_985, %mul3A_986 : vector<16xf32>
          %add3A_988 = arith.constant 7 : i32
          %add3A_989 = arith.addi %mul3A_66, %add3A_988 : i32
          %swap3A_990 = arith.index_cast %add3A_989 : i32 to index
          %swap3A_991 = arith.constant 64 : index
          %swap3A_992 = tpu.vector_load %arg10[%swap3A_990, %swap3A_991] {strides = array<i32>} : memref<80x128xf32, #tpu.memory_space<vmem>>, vector<1x16xf32>,
          %swap3A_993 = vector.shape_cast %swap3A_992 : vector<1x16xf32> to vector<16xf32>
          %swap3A_994 = vector.shape_cast %mul3A_987 : vector<16xf32> to vector<1x16xf32>
          tpu.vector_store %arg10[%swap3A_990, %swap3A_991], %swap3A_994 {strides = array<i32>} : memref<80x128xf32, #tpu.memory_space<vmem>>, vector<1x16xf32>,
          %add3A_995 = arith.constant 7 : i32
          %add3A_996 = arith.addi %mul3A_66, %add3A_995 : i32
          %get3A_997 = arith.index_cast %add3A_996 : i32 to index
          %get3A_998 = arith.constant 80 : index
          %get3A_999 = tpu.vector_load %arg10[%get3A_997, %get3A_998] {strides = array<i32>} : memref<80x128xf32, #tpu.memory_space<vmem>>, vector<1x16xf32>,
          %get3A_1000 = vector.shape_cast %get3A_999 : vector<1x16xf32> to vector<16xf32>
          %mul3A_1001 = vector.broadcast %squeeze3A_919 : f32 to vector<16xf32>
          %mul3A_1002 = arith.mulf %get3A_1000, %mul3A_1001 : vector<16xf32>
          %add3A_1003 = arith.constant 7 : i32
          %add3A_1004 = arith.addi %mul3A_66, %add3A_1003 : i32
          %swap3A_1005 = arith.index_cast %add3A_1004 : i32 to index
          %swap3A_1006 = arith.constant 80 : index
          %swap3A_1007 = tpu.vector_load %arg10[%swap3A_1005, %swap3A_1006] {strides = array<i32>} : memref<80x128xf32, #tpu.memory_space<vmem>>, vector<1x16xf32>,
          %swap3A_1008 = vector.shape_cast %swap3A_1007 : vector<1x16xf32> to vector<16xf32>
          %swap3A_1009 = vector.shape_cast %mul3A_1002 : vector<16xf32> to vector<1x16xf32>
          tpu.vector_store %arg10[%swap3A_1005, %swap3A_1006], %swap3A_1009 {strides = array<i32>} : memref<80x128xf32, #tpu.memory_space<vmem>>, vector<1x16xf32>,
          %add3A_1010 = arith.constant 7 : i32
          %add3A_1011 = arith.addi %mul3A_66, %add3A_1010 : i32
          %get3A_1012 = arith.index_cast %add3A_1011 : i32 to index
          %get3A_1013 = arith.constant 96 : index
          %get3A_1014 = tpu.vector_load %arg10[%get3A_1012, %get3A_1013] {strides = array<i32>} : memref<80x128xf32, #tpu.memory_space<vmem>>, vector<1x16xf32>,
          %get3A_1015 = vector.shape_cast %get3A_1014 : vector<1x16xf32> to vector<16xf32>
          %mul3A_1016 = vector.broadcast %squeeze3A_919 : f32 to vector<16xf32>
          %mul3A_1017 = arith.mulf %get3A_1015, %mul3A_1016 : vector<16xf32>
          %add3A_1018 = arith.constant 7 : i32
          %add3A_1019 = arith.addi %mul3A_66, %add3A_1018 : i32
          %swap3A_1020 = arith.index_cast %add3A_1019 : i32 to index
          %swap3A_1021 = arith.constant 96 : index
          %swap3A_1022 = tpu.vector_load %arg10[%swap3A_1020, %swap3A_1021] {strides = array<i32>} : memref<80x128xf32, #tpu.memory_space<vmem>>, vector<1x16xf32>,
          %swap3A_1023 = vector.shape_cast %swap3A_1022 : vector<1x16xf32> to vector<16xf32>
          %swap3A_1024 = vector.shape_cast %mul3A_1017 : vector<16xf32> to vector<1x16xf32>
          tpu.vector_store %arg10[%swap3A_1020, %swap3A_1021], %swap3A_1024 {strides = array<i32>} : memref<80x128xf32, #tpu.memory_space<vmem>>, vector<1x16xf32>,
          %add3A_1025 = arith.constant 7 : i32
          %add3A_1026 = arith.addi %mul3A_66, %add3A_1025 : i32
          %get3A_1027 = arith.index_cast %add3A_1026 : i32 to index
          %get3A_1028 = arith.constant 112 : index
          %get3A_1029 = tpu.vector_load %arg10[%get3A_1027, %get3A_1028] {strides = array<i32>} : memref<80x128xf32, #tpu.memory_space<vmem>>, vector<1x16xf32>,
          %get3A_1030 = vector.shape_cast %get3A_1029 : vector<1x16xf32> to vector<16xf32>
          %mul3A_1031 = vector.broadcast %squeeze3A_919 : f32 to vector<16xf32>
          %mul3A_1032 = arith.mulf %get3A_1030, %mul3A_1031 : vector<16xf32>
          %add3A_1033 = arith.constant 7 : i32
          %add3A_1034 = arith.addi %mul3A_66, %add3A_1033 : i32
          %swap3A_1035 = arith.index_cast %add3A_1034 : i32 to index
          %swap3A_1036 = arith.constant 112 : index
          %swap3A_1037 = tpu.vector_load %arg10[%swap3A_1035, %swap3A_1036] {strides = array<i32>} : memref<80x128xf32, #tpu.memory_space<vmem>>, vector<1x16xf32>,
          %swap3A_1038 = vector.shape_cast %swap3A_1037 : vector<1x16xf32> to vector<16xf32>
          %swap3A_1039 = vector.shape_cast %mul3A_1032 : vector<16xf32> to vector<1x16xf32>
          tpu.vector_store %arg10[%swap3A_1035, %swap3A_1036], %swap3A_1039 {strides = array<i32>} : memref<80x128xf32, #tpu.memory_space<vmem>>, vector<1x16xf32>,
          %slice3A_1040 = vector.extract_strided_slice %get3A_64 {offsets = [8], sizes = [1], strides = [1]} : vector<16xf32> to vector<1xf32>
          %squeeze3A_1041 = vector.extract %slice3A_1040[0] : f32 from vector<1xf32>
          %add3A_1042 = arith.constant 8 : i32
          %add3A_1043 = arith.addi %mul3A_66, %add3A_1042 : i32
          %get3A_1044 = arith.index_cast %add3A_1043 : i32 to index
          %get3A_1045 = arith.constant 0 : index
          %get3A_1046 = tpu.vector_load %arg10[%get3A_1044, %get3A_1045] {strides = array<i32>} : memref<80x128xf32, #tpu.memory_space<vmem>>, vector<1x16xf32>,
          %get3A_1047 = vector.shape_cast %get3A_1046 : vector<1x16xf32> to vector<16xf32>
          %mul3A_1048 = vector.broadcast %squeeze3A_1041 : f32 to vector<16xf32>
          %mul3A_1049 = arith.mulf %get3A_1047, %mul3A_1048 : vector<16xf32>
          %add3A_1050 = arith.constant 8 : i32
          %add3A_1051 = arith.addi %mul3A_66, %add3A_1050 : i32
          %swap3A_1052 = arith.index_cast %add3A_1051 : i32 to index
          %swap3A_1053 = arith.constant 0 : index
          %swap3A_1054 = tpu.vector_load %arg10[%swap3A_1052, %swap3A_1053] {strides = array<i32>} : memref<80x128xf32, #tpu.memory_space<vmem>>, vector<1x16xf32>,
          %swap3A_1055 = vector.shape_cast %swap3A_1054 : vector<1x16xf32> to vector<16xf32>
          %swap3A_1056 = vector.shape_cast %mul3A_1049 : vector<16xf32> to vector<1x16xf32>
          tpu.vector_store %arg10[%swap3A_1052, %swap3A_1053], %swap3A_1056 {strides = array<i32>} : memref<80x128xf32, #tpu.memory_space<vmem>>, vector<1x16xf32>,
          %add3A_1057 = arith.constant 8 : i32
          %add3A_1058 = arith.addi %mul3A_66, %add3A_1057 : i32
          %get3A_1059 = arith.index_cast %add3A_1058 : i32 to index
          %get3A_1060 = arith.constant 16 : index
          %get3A_1061 = tpu.vector_load %arg10[%get3A_1059, %get3A_1060] {strides = array<i32>} : memref<80x128xf32, #tpu.memory_space<vmem>>, vector<1x16xf32>,
          %get3A_1062 = vector.shape_cast %get3A_1061 : vector<1x16xf32> to vector<16xf32>
          %mul3A_1063 = vector.broadcast %squeeze3A_1041 : f32 to vector<16xf32>
          %mul3A_1064 = arith.mulf %get3A_1062, %mul3A_1063 : vector<16xf32>
          %add3A_1065 = arith.constant 8 : i32
          %add3A_1066 = arith.addi %mul3A_66, %add3A_1065 : i32
          %swap3A_1067 = arith.index_cast %add3A_1066 : i32 to index
          %swap3A_1068 = arith.constant 16 : index
          %swap3A_1069 = tpu.vector_load %arg10[%swap3A_1067, %swap3A_1068] {strides = array<i32>} : memref<80x128xf32, #tpu.memory_space<vmem>>, vector<1x16xf32>,
          %swap3A_1070 = vector.shape_cast %swap3A_1069 : vector<1x16xf32> to vector<16xf32>
          %swap3A_1071 = vector.shape_cast %mul3A_1064 : vector<16xf32> to vector<1x16xf32>
          tpu.vector_store %arg10[%swap3A_1067, %swap3A_1068], %swap3A_1071 {strides = array<i32>} : memref<80x128xf32, #tpu.memory_space<vmem>>, vector<1x16xf32>,
          %add3A_1072 = arith.constant 8 : i32
          %add3A_1073 = arith.addi %mul3A_66, %add3A_1072 : i32
          %get3A_1074 = arith.index_cast %add3A_1073 : i32 to index
          %get3A_1075 = arith.constant 32 : index
          %get3A_1076 = tpu.vector_load %arg10[%get3A_1074, %get3A_1075] {strides = array<i32>} : memref<80x128xf32, #tpu.memory_space<vmem>>, vector<1x16xf32>,
          %get3A_1077 = vector.shape_cast %get3A_1076 : vector<1x16xf32> to vector<16xf32>
          %mul3A_1078 = vector.broadcast %squeeze3A_1041 : f32 to vector<16xf32>
          %mul3A_1079 = arith.mulf %get3A_1077, %mul3A_1078 : vector<16xf32>
          %add3A_1080 = arith.constant 8 : i32
          %add3A_1081 = arith.addi %mul3A_66, %add3A_1080 : i32
          %swap3A_1082 = arith.index_cast %add3A_1081 : i32 to index
          %swap3A_1083 = arith.constant 32 : index
          %swap3A_1084 = tpu.vector_load %arg10[%swap3A_1082, %swap3A_1083] {strides = array<i32>} : memref<80x128xf32, #tpu.memory_space<vmem>>, vector<1x16xf32>,
          %swap3A_1085 = vector.shape_cast %swap3A_1084 : vector<1x16xf32> to vector<16xf32>
          %swap3A_1086 = vector.shape_cast %mul3A_1079 : vector<16xf32> to vector<1x16xf32>
          tpu.vector_store %arg10[%swap3A_1082, %swap3A_1083], %swap3A_1086 {strides = array<i32>} : memref<80x128xf32, #tpu.memory_space<vmem>>, vector<1x16xf32>,
          %add3A_1087 = arith.constant 8 : i32
          %add3A_1088 = arith.addi %mul3A_66, %add3A_1087 : i32
          %get3A_1089 = arith.index_cast %add3A_1088 : i32 to index
          %get3A_1090 = arith.constant 48 : index
          %get3A_1091 = tpu.vector_load %arg10[%get3A_1089, %get3A_1090] {strides = array<i32>} : memref<80x128xf32, #tpu.memory_space<vmem>>, vector<1x16xf32>,
          %get3A_1092 = vector.shape_cast %get3A_1091 : vector<1x16xf32> to vector<16xf32>
          %mul3A_1093 = vector.broadcast %squeeze3A_1041 : f32 to vector<16xf32>
          %mul3A_1094 = arith.mulf %get3A_1092, %mul3A_1093 : vector<16xf32>
          %add3A_1095 = arith.constant 8 : i32
          %add3A_1096 = arith.addi %mul3A_66, %add3A_1095 : i32
          %swap3A_1097 = arith.index_cast %add3A_1096 : i32 to index
          %swap3A_1098 = arith.constant 48 : index
          %swap3A_1099 = tpu.vector_load %arg10[%swap3A_1097, %swap3A_1098] {strides = array<i32>} : memref<80x128xf32, #tpu.memory_space<vmem>>, vector<1x16xf32>,
          %swap3A_1100 = vector.shape_cast %swap3A_1099 : vector<1x16xf32> to vector<16xf32>
          %swap3A_1101 = vector.shape_cast %mul3A_1094 : vector<16xf32> to vector<1x16xf32>
          tpu.vector_store %arg10[%swap3A_1097, %swap3A_1098], %swap3A_1101 {strides = array<i32>} : memref<80x128xf32, #tpu.memory_space<vmem>>, vector<1x16xf32>,
          %add3A_1102 = arith.constant 8 : i32
          %add3A_1103 = arith.addi %mul3A_66, %add3A_1102 : i32
          %get3A_1104 = arith.index_cast %add3A_1103 : i32 to index
          %get3A_1105 = arith.constant 64 : index
          %get3A_1106 = tpu.vector_load %arg10[%get3A_1104, %get3A_1105] {strides = array<i32>} : memref<80x128xf32, #tpu.memory_space<vmem>>, vector<1x16xf32>,
          %get3A_1107 = vector.shape_cast %get3A_1106 : vector<1x16xf32> to vector<16xf32>
          %mul3A_1108 = vector.broadcast %squeeze3A_1041 : f32 to vector<16xf32>
          %mul3A_1109 = arith.mulf %get3A_1107, %mul3A_1108 : vector<16xf32>
          %add3A_1110 = arith.constant 8 : i32
          %add3A_1111 = arith.addi %mul3A_66, %add3A_1110 : i32
          %swap3A_1112 = arith.index_cast %add3A_1111 : i32 to index
          %swap3A_1113 = arith.constant 64 : index
          %swap3A_1114 = tpu.vector_load %arg10[%swap3A_1112, %swap3A_1113] {strides = array<i32>} : memref<80x128xf32, #tpu.memory_space<vmem>>, vector<1x16xf32>,
          %swap3A_1115 = vector.shape_cast %swap3A_1114 : vector<1x16xf32> to vector<16xf32>
          %swap3A_1116 = vector.shape_cast %mul3A_1109 : vector<16xf32> to vector<1x16xf32>
          tpu.vector_store %arg10[%swap3A_1112, %swap3A_1113], %swap3A_1116 {strides = array<i32>} : memref<80x128xf32, #tpu.memory_space<vmem>>, vector<1x16xf32>,
          %add3A_1117 = arith.constant 8 : i32
          %add3A_1118 = arith.addi %mul3A_66, %add3A_1117 : i32
          %get3A_1119 = arith.index_cast %add3A_1118 : i32 to index
          %get3A_1120 = arith.constant 80 : index
          %get3A_1121 = tpu.vector_load %arg10[%get3A_1119, %get3A_1120] {strides = array<i32>} : memref<80x128xf32, #tpu.memory_space<vmem>>, vector<1x16xf32>,
          %get3A_1122 = vector.shape_cast %get3A_1121 : vector<1x16xf32> to vector<16xf32>
          %mul3A_1123 = vector.broadcast %squeeze3A_1041 : f32 to vector<16xf32>
          %mul3A_1124 = arith.mulf %get3A_1122, %mul3A_1123 : vector<16xf32>
          %add3A_1125 = arith.constant 8 : i32
          %add3A_1126 = arith.addi %mul3A_66, %add3A_1125 : i32
          %swap3A_1127 = arith.index_cast %add3A_1126 : i32 to index
          %swap3A_1128 = arith.constant 80 : index
          %swap3A_1129 = tpu.vector_load %arg10[%swap3A_1127, %swap3A_1128] {strides = array<i32>} : memref<80x128xf32, #tpu.memory_space<vmem>>, vector<1x16xf32>,
          %swap3A_1130 = vector.shape_cast %swap3A_1129 : vector<1x16xf32> to vector<16xf32>
          %swap3A_1131 = vector.shape_cast %mul3A_1124 : vector<16xf32> to vector<1x16xf32>
          tpu.vector_store %arg10[%swap3A_1127, %swap3A_1128], %swap3A_1131 {strides = array<i32>} : memref<80x128xf32, #tpu.memory_space<vmem>>, vector<1x16xf32>,
          %add3A_1132 = arith.constant 8 : i32
          %add3A_1133 = arith.addi %mul3A_66, %add3A_1132 : i32
          %get3A_1134 = arith.index_cast %add3A_1133 : i32 to index
          %get3A_1135 = arith.constant 96 : index
          %get3A_1136 = tpu.vector_load %arg10[%get3A_1134, %get3A_1135] {strides = array<i32>} : memref<80x128xf32, #tpu.memory_space<vmem>>, vector<1x16xf32>,
          %get3A_1137 = vector.shape_cast %get3A_1136 : vector<1x16xf32> to vector<16xf32>
          %mul3A_1138 = vector.broadcast %squeeze3A_1041 : f32 to vector<16xf32>
          %mul3A_1139 = arith.mulf %get3A_1137, %mul3A_1138 : vector<16xf32>
          %add3A_1140 = arith.constant 8 : i32
          %add3A_1141 = arith.addi %mul3A_66, %add3A_1140 : i32
          %swap3A_1142 = arith.index_cast %add3A_1141 : i32 to index
          %swap3A_1143 = arith.constant 96 : index
          %swap3A_1144 = tpu.vector_load %arg10[%swap3A_1142, %swap3A_1143] {strides = array<i32>} : memref<80x128xf32, #tpu.memory_space<vmem>>, vector<1x16xf32>,
          %swap3A_1145 = vector.shape_cast %swap3A_1144 : vector<1x16xf32> to vector<16xf32>
          %swap3A_1146 = vector.shape_cast %mul3A_1139 : vector<16xf32> to vector<1x16xf32>
          tpu.vector_store %arg10[%swap3A_1142, %swap3A_1143], %swap3A_1146 {strides = array<i32>} : memref<80x128xf32, #tpu.memory_space<vmem>>, vector<1x16xf32>,
          %add3A_1147 = arith.constant 8 : i32
          %add3A_1148 = arith.addi %mul3A_66, %add3A_1147 : i32
          %get3A_1149 = arith.index_cast %add3A_1148 : i32 to index
          %get3A_1150 = arith.constant 112 : index
          %get3A_1151 = tpu.vector_load %arg10[%get3A_1149, %get3A_1150] {strides = array<i32>} : memref<80x128xf32, #tpu.memory_space<vmem>>, vector<1x16xf32>,
          %get3A_1152 = vector.shape_cast %get3A_1151 : vector<1x16xf32> to vector<16xf32>
          %mul3A_1153 = vector.broadcast %squeeze3A_1041 : f32 to vector<16xf32>
          %mul3A_1154 = arith.mulf %get3A_1152, %mul3A_1153 : vector<16xf32>
          %add3A_1155 = arith.constant 8 : i32
          %add3A_1156 = arith.addi %mul3A_66, %add3A_1155 : i32
          %swap3A_1157 = arith.index_cast %add3A_1156 : i32 to index
          %swap3A_1158 = arith.constant 112 : index
          %swap3A_1159 = tpu.vector_load %arg10[%swap3A_1157, %swap3A_1158] {strides = array<i32>} : memref<80x128xf32, #tpu.memory_space<vmem>>, vector<1x16xf32>,
          %swap3A_1160 = vector.shape_cast %swap3A_1159 : vector<1x16xf32> to vector<16xf32>
          %swap3A_1161 = vector.shape_cast %mul3A_1154 : vector<16xf32> to vector<1x16xf32>
          tpu.vector_store %arg10[%swap3A_1157, %swap3A_1158], %swap3A_1161 {strides = array<i32>} : memref<80x128xf32, #tpu.memory_space<vmem>>, vector<1x16xf32>,
          %slice3A_1162 = vector.extract_strided_slice %get3A_64 {offsets = [9], sizes = [1], strides = [1]} : vector<16xf32> to vector<1xf32>
          %squeeze3A_1163 = vector.extract %slice3A_1162[0] : f32 from vector<1xf32>
          %add3A_1164 = arith.constant 9 : i32
          %add3A_1165 = arith.addi %mul3A_66, %add3A_1164 : i32
          %get3A_1166 = arith.index_cast %add3A_1165 : i32 to index
          %get3A_1167 = arith.constant 0 : index
          %get3A_1168 = tpu.vector_load %arg10[%get3A_1166, %get3A_1167] {strides = array<i32>} : memref<80x128xf32, #tpu.memory_space<vmem>>, vector<1x16xf32>,
          %get3A_1169 = vector.shape_cast %get3A_1168 : vector<1x16xf32> to vector<16xf32>
          %mul3A_1170 = vector.broadcast %squeeze3A_1163 : f32 to vector<16xf32>
          %mul3A_1171 = arith.mulf %get3A_1169, %mul3A_1170 : vector<16xf32>
          %add3A_1172 = arith.constant 9 : i32
          %add3A_1173 = arith.addi %mul3A_66, %add3A_1172 : i32
          %swap3A_1174 = arith.index_cast %add3A_1173 : i32 to index
          %swap3A_1175 = arith.constant 0 : index
          %swap3A_1176 = tpu.vector_load %arg10[%swap3A_1174, %swap3A_1175] {strides = array<i32>} : memref<80x128xf32, #tpu.memory_space<vmem>>, vector<1x16xf32>,
          %swap3A_1177 = vector.shape_cast %swap3A_1176 : vector<1x16xf32> to vector<16xf32>
          %swap3A_1178 = vector.shape_cast %mul3A_1171 : vector<16xf32> to vector<1x16xf32>
          tpu.vector_store %arg10[%swap3A_1174, %swap3A_1175], %swap3A_1178 {strides = array<i32>} : memref<80x128xf32, #tpu.memory_space<vmem>>, vector<1x16xf32>,
          %add3A_1179 = arith.constant 9 : i32
          %add3A_1180 = arith.addi %mul3A_66, %add3A_1179 : i32
          %get3A_1181 = arith.index_cast %add3A_1180 : i32 to index
          %get3A_1182 = arith.constant 16 : index
          %get3A_1183 = tpu.vector_load %arg10[%get3A_1181, %get3A_1182] {strides = array<i32>} : memref<80x128xf32, #tpu.memory_space<vmem>>, vector<1x16xf32>,
          %get3A_1184 = vector.shape_cast %get3A_1183 : vector<1x16xf32> to vector<16xf32>
          %mul3A_1185 = vector.broadcast %squeeze3A_1163 : f32 to vector<16xf32>
          %mul3A_1186 = arith.mulf %get3A_1184, %mul3A_1185 : vector<16xf32>
          %add3A_1187 = arith.constant 9 : i32
          %add3A_1188 = arith.addi %mul3A_66, %add3A_1187 : i32
          %swap3A_1189 = arith.index_cast %add3A_1188 : i32 to index
          %swap3A_1190 = arith.constant 16 : index
          %swap3A_1191 = tpu.vector_load %arg10[%swap3A_1189, %swap3A_1190] {strides = array<i32>} : memref<80x128xf32, #tpu.memory_space<vmem>>, vector<1x16xf32>,
          %swap3A_1192 = vector.shape_cast %swap3A_1191 : vector<1x16xf32> to vector<16xf32>
          %swap3A_1193 = vector.shape_cast %mul3A_1186 : vector<16xf32> to vector<1x16xf32>
          tpu.vector_store %arg10[%swap3A_1189, %swap3A_1190], %swap3A_1193 {strides = array<i32>} : memref<80x128xf32, #tpu.memory_space<vmem>>, vector<1x16xf32>,
          %add3A_1194 = arith.constant 9 : i32
          %add3A_1195 = arith.addi %mul3A_66, %add3A_1194 : i32
          %get3A_1196 = arith.index_cast %add3A_1195 : i32 to index
          %get3A_1197 = arith.constant 32 : index
          %get3A_1198 = tpu.vector_load %arg10[%get3A_1196, %get3A_1197] {strides = array<i32>} : memref<80x128xf32, #tpu.memory_space<vmem>>, vector<1x16xf32>,
          %get3A_1199 = vector.shape_cast %get3A_1198 : vector<1x16xf32> to vector<16xf32>
          %mul3A_1200 = vector.broadcast %squeeze3A_1163 : f32 to vector<16xf32>
          %mul3A_1201 = arith.mulf %get3A_1199, %mul3A_1200 : vector<16xf32>
          %add3A_1202 = arith.constant 9 : i32
          %add3A_1203 = arith.addi %mul3A_66, %add3A_1202 : i32
          %swap3A_1204 = arith.index_cast %add3A_1203 : i32 to index
          %swap3A_1205 = arith.constant 32 : index
          %swap3A_1206 = tpu.vector_load %arg10[%swap3A_1204, %swap3A_1205] {strides = array<i32>} : memref<80x128xf32, #tpu.memory_space<vmem>>, vector<1x16xf32>,
          %swap3A_1207 = vector.shape_cast %swap3A_1206 : vector<1x16xf32> to vector<16xf32>
          %swap3A_1208 = vector.shape_cast %mul3A_1201 : vector<16xf32> to vector<1x16xf32>
          tpu.vector_store %arg10[%swap3A_1204, %swap3A_1205], %swap3A_1208 {strides = array<i32>} : memref<80x128xf32, #tpu.memory_space<vmem>>, vector<1x16xf32>,
          %add3A_1209 = arith.constant 9 : i32
          %add3A_1210 = arith.addi %mul3A_66, %add3A_1209 : i32
          %get3A_1211 = arith.index_cast %add3A_1210 : i32 to index
          %get3A_1212 = arith.constant 48 : index
          %get3A_1213 = tpu.vector_load %arg10[%get3A_1211, %get3A_1212] {strides = array<i32>} : memref<80x128xf32, #tpu.memory_space<vmem>>, vector<1x16xf32>,
          %get3A_1214 = vector.shape_cast %get3A_1213 : vector<1x16xf32> to vector<16xf32>
          %mul3A_1215 = vector.broadcast %squeeze3A_1163 : f32 to vector<16xf32>
          %mul3A_1216 = arith.mulf %get3A_1214, %mul3A_1215 : vector<16xf32>
          %add3A_1217 = arith.constant 9 : i32
          %add3A_1218 = arith.addi %mul3A_66, %add3A_1217 : i32
          %swap3A_1219 = arith.index_cast %add3A_1218 : i32 to index
          %swap3A_1220 = arith.constant 48 : index
          %swap3A_1221 = tpu.vector_load %arg10[%swap3A_1219, %swap3A_1220] {strides = array<i32>} : memref<80x128xf32, #tpu.memory_space<vmem>>, vector<1x16xf32>,
          %swap3A_1222 = vector.shape_cast %swap3A_1221 : vector<1x16xf32> to vector<16xf32>
          %swap3A_1223 = vector.shape_cast %mul3A_1216 : vector<16xf32> to vector<1x16xf32>
          tpu.vector_store %arg10[%swap3A_1219, %swap3A_1220], %swap3A_1223 {strides = array<i32>} : memref<80x128xf32, #tpu.memory_space<vmem>>, vector<1x16xf32>,
          %add3A_1224 = arith.constant 9 : i32
          %add3A_1225 = arith.addi %mul3A_66, %add3A_1224 : i32
          %get3A_1226 = arith.index_cast %add3A_1225 : i32 to index
          %get3A_1227 = arith.constant 64 : index
          %get3A_1228 = tpu.vector_load %arg10[%get3A_1226, %get3A_1227] {strides = array<i32>} : memref<80x128xf32, #tpu.memory_space<vmem>>, vector<1x16xf32>,
          %get3A_1229 = vector.shape_cast %get3A_1228 : vector<1x16xf32> to vector<16xf32>
          %mul3A_1230 = vector.broadcast %squeeze3A_1163 : f32 to vector<16xf32>
          %mul3A_1231 = arith.mulf %get3A_1229, %mul3A_1230 : vector<16xf32>
          %add3A_1232 = arith.constant 9 : i32
          %add3A_1233 = arith.addi %mul3A_66, %add3A_1232 : i32
          %swap3A_1234 = arith.index_cast %add3A_1233 : i32 to index
          %swap3A_1235 = arith.constant 64 : index
          %swap3A_1236 = tpu.vector_load %arg10[%swap3A_1234, %swap3A_1235] {strides = array<i32>} : memref<80x128xf32, #tpu.memory_space<vmem>>, vector<1x16xf32>,
          %swap3A_1237 = vector.shape_cast %swap3A_1236 : vector<1x16xf32> to vector<16xf32>
          %swap3A_1238 = vector.shape_cast %mul3A_1231 : vector<16xf32> to vector<1x16xf32>
          tpu.vector_store %arg10[%swap3A_1234, %swap3A_1235], %swap3A_1238 {strides = array<i32>} : memref<80x128xf32, #tpu.memory_space<vmem>>, vector<1x16xf32>,
          %add3A_1239 = arith.constant 9 : i32
          %add3A_1240 = arith.addi %mul3A_66, %add3A_1239 : i32
          %get3A_1241 = arith.index_cast %add3A_1240 : i32 to index
          %get3A_1242 = arith.constant 80 : index
          %get3A_1243 = tpu.vector_load %arg10[%get3A_1241, %get3A_1242] {strides = array<i32>} : memref<80x128xf32, #tpu.memory_space<vmem>>, vector<1x16xf32>,
          %get3A_1244 = vector.shape_cast %get3A_1243 : vector<1x16xf32> to vector<16xf32>
          %mul3A_1245 = vector.broadcast %squeeze3A_1163 : f32 to vector<16xf32>
          %mul3A_1246 = arith.mulf %get3A_1244, %mul3A_1245 : vector<16xf32>
          %add3A_1247 = arith.constant 9 : i32
          %add3A_1248 = arith.addi %mul3A_66, %add3A_1247 : i32
          %swap3A_1249 = arith.index_cast %add3A_1248 : i32 to index
          %swap3A_1250 = arith.constant 80 : index
          %swap3A_1251 = tpu.vector_load %arg10[%swap3A_1249, %swap3A_1250] {strides = array<i32>} : memref<80x128xf32, #tpu.memory_space<vmem>>, vector<1x16xf32>,
          %swap3A_1252 = vector.shape_cast %swap3A_1251 : vector<1x16xf32> to vector<16xf32>
          %swap3A_1253 = vector.shape_cast %mul3A_1246 : vector<16xf32> to vector<1x16xf32>
          tpu.vector_store %arg10[%swap3A_1249, %swap3A_1250], %swap3A_1253 {strides = array<i32>} : memref<80x128xf32, #tpu.memory_space<vmem>>, vector<1x16xf32>,
          %add3A_1254 = arith.constant 9 : i32
          %add3A_1255 = arith.addi %mul3A_66, %add3A_1254 : i32
          %get3A_1256 = arith.index_cast %add3A_1255 : i32 to index
          %get3A_1257 = arith.constant 96 : index
          %get3A_1258 = tpu.vector_load %arg10[%get3A_1256, %get3A_1257] {strides = array<i32>} : memref<80x128xf32, #tpu.memory_space<vmem>>, vector<1x16xf32>,
          %get3A_1259 = vector.shape_cast %get3A_1258 : vector<1x16xf32> to vector<16xf32>
          %mul3A_1260 = vector.broadcast %squeeze3A_1163 : f32 to vector<16xf32>
          %mul3A_1261 = arith.mulf %get3A_1259, %mul3A_1260 : vector<16xf32>
          %add3A_1262 = arith.constant 9 : i32
          %add3A_1263 = arith.addi %mul3A_66, %add3A_1262 : i32
          %swap3A_1264 = arith.index_cast %add3A_1263 : i32 to index
          %swap3A_1265 = arith.constant 96 : index
          %swap3A_1266 = tpu.vector_load %arg10[%swap3A_1264, %swap3A_1265] {strides = array<i32>} : memref<80x128xf32, #tpu.memory_space<vmem>>, vector<1x16xf32>,
          %swap3A_1267 = vector.shape_cast %swap3A_1266 : vector<1x16xf32> to vector<16xf32>
          %swap3A_1268 = vector.shape_cast %mul3A_1261 : vector<16xf32> to vector<1x16xf32>
          tpu.vector_store %arg10[%swap3A_1264, %swap3A_1265], %swap3A_1268 {strides = array<i32>} : memref<80x128xf32, #tpu.memory_space<vmem>>, vector<1x16xf32>,
          %add3A_1269 = arith.constant 9 : i32
          %add3A_1270 = arith.addi %mul3A_66, %add3A_1269 : i32
          %get3A_1271 = arith.index_cast %add3A_1270 : i32 to index
          %get3A_1272 = arith.constant 112 : index
          %get3A_1273 = tpu.vector_load %arg10[%get3A_1271, %get3A_1272] {strides = array<i32>} : memref<80x128xf32, #tpu.memory_space<vmem>>, vector<1x16xf32>,
          %get3A_1274 = vector.shape_cast %get3A_1273 : vector<1x16xf32> to vector<16xf32>
          %mul3A_1275 = vector.broadcast %squeeze3A_1163 : f32 to vector<16xf32>
          %mul3A_1276 = arith.mulf %get3A_1274, %mul3A_1275 : vector<16xf32>
          %add3A_1277 = arith.constant 9 : i32
          %add3A_1278 = arith.addi %mul3A_66, %add3A_1277 : i32
          %swap3A_1279 = arith.index_cast %add3A_1278 : i32 to index
          %swap3A_1280 = arith.constant 112 : index
          %swap3A_1281 = tpu.vector_load %arg10[%swap3A_1279, %swap3A_1280] {strides = array<i32>} : memref<80x128xf32, #tpu.memory_space<vmem>>, vector<1x16xf32>,
          %swap3A_1282 = vector.shape_cast %swap3A_1281 : vector<1x16xf32> to vector<16xf32>
          %swap3A_1283 = vector.shape_cast %mul3A_1276 : vector<16xf32> to vector<1x16xf32>
          tpu.vector_store %arg10[%swap3A_1279, %swap3A_1280], %swap3A_1283 {strides = array<i32>} : memref<80x128xf32, #tpu.memory_space<vmem>>, vector<1x16xf32>,
          %slice3A_1284 = vector.extract_strided_slice %get3A_64 {offsets = [10], sizes = [1], strides = [1]} : vector<16xf32> to vector<1xf32>
          %squeeze3A_1285 = vector.extract %slice3A_1284[0] : f32 from vector<1xf32>
          %add3A_1286 = arith.constant 10 : i32
          %add3A_1287 = arith.addi %mul3A_66, %add3A_1286 : i32
          %get3A_1288 = arith.index_cast %add3A_1287 : i32 to index
          %get3A_1289 = arith.constant 0 : index
          %get3A_1290 = tpu.vector_load %arg10[%get3A_1288, %get3A_1289] {strides = array<i32>} : memref<80x128xf32, #tpu.memory_space<vmem>>, vector<1x16xf32>,
          %get3A_1291 = vector.shape_cast %get3A_1290 : vector<1x16xf32> to vector<16xf32>
          %mul3A_1292 = vector.broadcast %squeeze3A_1285 : f32 to vector<16xf32>
          %mul3A_1293 = arith.mulf %get3A_1291, %mul3A_1292 : vector<16xf32>
          %add3A_1294 = arith.constant 10 : i32
          %add3A_1295 = arith.addi %mul3A_66, %add3A_1294 : i32
          %swap3A_1296 = arith.index_cast %add3A_1295 : i32 to index
          %swap3A_1297 = arith.constant 0 : index
          %swap3A_1298 = tpu.vector_load %arg10[%swap3A_1296, %swap3A_1297] {strides = array<i32>} : memref<80x128xf32, #tpu.memory_space<vmem>>, vector<1x16xf32>,
          %swap3A_1299 = vector.shape_cast %swap3A_1298 : vector<1x16xf32> to vector<16xf32>
          %swap3A_1300 = vector.shape_cast %mul3A_1293 : vector<16xf32> to vector<1x16xf32>
          tpu.vector_store %arg10[%swap3A_1296, %swap3A_1297], %swap3A_1300 {strides = array<i32>} : memref<80x128xf32, #tpu.memory_space<vmem>>, vector<1x16xf32>,
          %add3A_1301 = arith.constant 10 : i32
          %add3A_1302 = arith.addi %mul3A_66, %add3A_1301 : i32
          %get3A_1303 = arith.index_cast %add3A_1302 : i32 to index
          %get3A_1304 = arith.constant 16 : index
          %get3A_1305 = tpu.vector_load %arg10[%get3A_1303, %get3A_1304] {strides = array<i32>} : memref<80x128xf32, #tpu.memory_space<vmem>>, vector<1x16xf32>,
          %get3A_1306 = vector.shape_cast %get3A_1305 : vector<1x16xf32> to vector<16xf32>
          %mul3A_1307 = vector.broadcast %squeeze3A_1285 : f32 to vector<16xf32>
          %mul3A_1308 = arith.mulf %get3A_1306, %mul3A_1307 : vector<16xf32>
          %add3A_1309 = arith.constant 10 : i32
          %add3A_1310 = arith.addi %mul3A_66, %add3A_1309 : i32
          %swap3A_1311 = arith.index_cast %add3A_1310 : i32 to index
          %swap3A_1312 = arith.constant 16 : index
          %swap3A_1313 = tpu.vector_load %arg10[%swap3A_1311, %swap3A_1312] {strides = array<i32>} : memref<80x128xf32, #tpu.memory_space<vmem>>, vector<1x16xf32>,
          %swap3A_1314 = vector.shape_cast %swap3A_1313 : vector<1x16xf32> to vector<16xf32>
          %swap3A_1315 = vector.shape_cast %mul3A_1308 : vector<16xf32> to vector<1x16xf32>
          tpu.vector_store %arg10[%swap3A_1311, %swap3A_1312], %swap3A_1315 {strides = array<i32>} : memref<80x128xf32, #tpu.memory_space<vmem>>, vector<1x16xf32>,
          %add3A_1316 = arith.constant 10 : i32
          %add3A_1317 = arith.addi %mul3A_66, %add3A_1316 : i32
          %get3A_1318 = arith.index_cast %add3A_1317 : i32 to index
          %get3A_1319 = arith.constant 32 : index
          %get3A_1320 = tpu.vector_load %arg10[%get3A_1318, %get3A_1319] {strides = array<i32>} : memref<80x128xf32, #tpu.memory_space<vmem>>, vector<1x16xf32>,
          %get3A_1321 = vector.shape_cast %get3A_1320 : vector<1x16xf32> to vector<16xf32>
          %mul3A_1322 = vector.broadcast %squeeze3A_1285 : f32 to vector<16xf32>
          %mul3A_1323 = arith.mulf %get3A_1321, %mul3A_1322 : vector<16xf32>
          %add3A_1324 = arith.constant 10 : i32
          %add3A_1325 = arith.addi %mul3A_66, %add3A_1324 : i32
          %swap3A_1326 = arith.index_cast %add3A_1325 : i32 to index
          %swap3A_1327 = arith.constant 32 : index
          %swap3A_1328 = tpu.vector_load %arg10[%swap3A_1326, %swap3A_1327] {strides = array<i32>} : memref<80x128xf32, #tpu.memory_space<vmem>>, vector<1x16xf32>,
          %swap3A_1329 = vector.shape_cast %swap3A_1328 : vector<1x16xf32> to vector<16xf32>
          %swap3A_1330 = vector.shape_cast %mul3A_1323 : vector<16xf32> to vector<1x16xf32>
          tpu.vector_store %arg10[%swap3A_1326, %swap3A_1327], %swap3A_1330 {strides = array<i32>} : memref<80x128xf32, #tpu.memory_space<vmem>>, vector<1x16xf32>,
          %add3A_1331 = arith.constant 10 : i32
          %add3A_1332 = arith.addi %mul3A_66, %add3A_1331 : i32
          %get3A_1333 = arith.index_cast %add3A_1332 : i32 to index
          %get3A_1334 = arith.constant 48 : index
          %get3A_1335 = tpu.vector_load %arg10[%get3A_1333, %get3A_1334] {strides = array<i32>} : memref<80x128xf32, #tpu.memory_space<vmem>>, vector<1x16xf32>,
          %get3A_1336 = vector.shape_cast %get3A_1335 : vector<1x16xf32> to vector<16xf32>
          %mul3A_1337 = vector.broadcast %squeeze3A_1285 : f32 to vector<16xf32>
          %mul3A_1338 = arith.mulf %get3A_1336, %mul3A_1337 : vector<16xf32>
          %add3A_1339 = arith.constant 10 : i32
          %add3A_1340 = arith.addi %mul3A_66, %add3A_1339 : i32
          %swap3A_1341 = arith.index_cast %add3A_1340 : i32 to index
          %swap3A_1342 = arith.constant 48 : index
          %swap3A_1343 = tpu.vector_load %arg10[%swap3A_1341, %swap3A_1342] {strides = array<i32>} : memref<80x128xf32, #tpu.memory_space<vmem>>, vector<1x16xf32>,
          %swap3A_1344 = vector.shape_cast %swap3A_1343 : vector<1x16xf32> to vector<16xf32>
          %swap3A_1345 = vector.shape_cast %mul3A_1338 : vector<16xf32> to vector<1x16xf32>
          tpu.vector_store %arg10[%swap3A_1341, %swap3A_1342], %swap3A_1345 {strides = array<i32>} : memref<80x128xf32, #tpu.memory_space<vmem>>, vector<1x16xf32>,
          %add3A_1346 = arith.constant 10 : i32
          %add3A_1347 = arith.addi %mul3A_66, %add3A_1346 : i32
          %get3A_1348 = arith.index_cast %add3A_1347 : i32 to index
          %get3A_1349 = arith.constant 64 : index
          %get3A_1350 = tpu.vector_load %arg10[%get3A_1348, %get3A_1349] {strides = array<i32>} : memref<80x128xf32, #tpu.memory_space<vmem>>, vector<1x16xf32>,
          %get3A_1351 = vector.shape_cast %get3A_1350 : vector<1x16xf32> to vector<16xf32>
          %mul3A_1352 = vector.broadcast %squeeze3A_1285 : f32 to vector<16xf32>
          %mul3A_1353 = arith.mulf %get3A_1351, %mul3A_1352 : vector<16xf32>
          %add3A_1354 = arith.constant 10 : i32
          %add3A_1355 = arith.addi %mul3A_66, %add3A_1354 : i32
          %swap3A_1356 = arith.index_cast %add3A_1355 : i32 to index
          %swap3A_1357 = arith.constant 64 : index
          %swap3A_1358 = tpu.vector_load %arg10[%swap3A_1356, %swap3A_1357] {strides = array<i32>} : memref<80x128xf32, #tpu.memory_space<vmem>>, vector<1x16xf32>,
          %swap3A_1359 = vector.shape_cast %swap3A_1358 : vector<1x16xf32> to vector<16xf32>
          %swap3A_1360 = vector.shape_cast %mul3A_1353 : vector<16xf32> to vector<1x16xf32>
          tpu.vector_store %arg10[%swap3A_1356, %swap3A_1357], %swap3A_1360 {strides = array<i32>} : memref<80x128xf32, #tpu.memory_space<vmem>>, vector<1x16xf32>,
          %add3A_1361 = arith.constant 10 : i32
          %add3A_1362 = arith.addi %mul3A_66, %add3A_1361 : i32
          %get3A_1363 = arith.index_cast %add3A_1362 : i32 to index
          %get3A_1364 = arith.constant 80 : index
          %get3A_1365 = tpu.vector_load %arg10[%get3A_1363, %get3A_1364] {strides = array<i32>} : memref<80x128xf32, #tpu.memory_space<vmem>>, vector<1x16xf32>,
          %get3A_1366 = vector.shape_cast %get3A_1365 : vector<1x16xf32> to vector<16xf32>
          %mul3A_1367 = vector.broadcast %squeeze3A_1285 : f32 to vector<16xf32>
          %mul3A_1368 = arith.mulf %get3A_1366, %mul3A_1367 : vector<16xf32>
          %add3A_1369 = arith.constant 10 : i32
          %add3A_1370 = arith.addi %mul3A_66, %add3A_1369 : i32
          %swap3A_1371 = arith.index_cast %add3A_1370 : i32 to index
          %swap3A_1372 = arith.constant 80 : index
          %swap3A_1373 = tpu.vector_load %arg10[%swap3A_1371, %swap3A_1372] {strides = array<i32>} : memref<80x128xf32, #tpu.memory_space<vmem>>, vector<1x16xf32>,
          %swap3A_1374 = vector.shape_cast %swap3A_1373 : vector<1x16xf32> to vector<16xf32>
          %swap3A_1375 = vector.shape_cast %mul3A_1368 : vector<16xf32> to vector<1x16xf32>
          tpu.vector_store %arg10[%swap3A_1371, %swap3A_1372], %swap3A_1375 {strides = array<i32>} : memref<80x128xf32, #tpu.memory_space<vmem>>, vector<1x16xf32>,
          %add3A_1376 = arith.constant 10 : i32
          %add3A_1377 = arith.addi %mul3A_66, %add3A_1376 : i32
          %get3A_1378 = arith.index_cast %add3A_1377 : i32 to index
          %get3A_1379 = arith.constant 96 : index
          %get3A_1380 = tpu.vector_load %arg10[%get3A_1378, %get3A_1379] {strides = array<i32>} : memref<80x128xf32, #tpu.memory_space<vmem>>, vector<1x16xf32>,
          %get3A_1381 = vector.shape_cast %get3A_1380 : vector<1x16xf32> to vector<16xf32>
          %mul3A_1382 = vector.broadcast %squeeze3A_1285 : f32 to vector<16xf32>
          %mul3A_1383 = arith.mulf %get3A_1381, %mul3A_1382 : vector<16xf32>
          %add3A_1384 = arith.constant 10 : i32
          %add3A_1385 = arith.addi %mul3A_66, %add3A_1384 : i32
          %swap3A_1386 = arith.index_cast %add3A_1385 : i32 to index
          %swap3A_1387 = arith.constant 96 : index
          %swap3A_1388 = tpu.vector_load %arg10[%swap3A_1386, %swap3A_1387] {strides = array<i32>} : memref<80x128xf32, #tpu.memory_space<vmem>>, vector<1x16xf32>,
          %swap3A_1389 = vector.shape_cast %swap3A_1388 : vector<1x16xf32> to vector<16xf32>
          %swap3A_1390 = vector.shape_cast %mul3A_1383 : vector<16xf32> to vector<1x16xf32>
          tpu.vector_store %arg10[%swap3A_1386, %swap3A_1387], %swap3A_1390 {strides = array<i32>} : memref<80x128xf32, #tpu.memory_space<vmem>>, vector<1x16xf32>,
          %add3A_1391 = arith.constant 10 : i32
          %add3A_1392 = arith.addi %mul3A_66, %add3A_1391 : i32
          %get3A_1393 = arith.index_cast %add3A_1392 : i32 to index
          %get3A_1394 = arith.constant 112 : index
          %get3A_1395 = tpu.vector_load %arg10[%get3A_1393, %get3A_1394] {strides = array<i32>} : memref<80x128xf32, #tpu.memory_space<vmem>>, vector<1x16xf32>,
          %get3A_1396 = vector.shape_cast %get3A_1395 : vector<1x16xf32> to vector<16xf32>
          %mul3A_1397 = vector.broadcast %squeeze3A_1285 : f32 to vector<16xf32>
          %mul3A_1398 = arith.mulf %get3A_1396, %mul3A_1397 : vector<16xf32>
          %add3A_1399 = arith.constant 10 : i32
          %add3A_1400 = arith.addi %mul3A_66, %add3A_1399 : i32
          %swap3A_1401 = arith.index_cast %add3A_1400 : i32 to index
          %swap3A_1402 = arith.constant 112 : index
          %swap3A_1403 = tpu.vector_load %arg10[%swap3A_1401, %swap3A_1402] {strides = array<i32>} : memref<80x128xf32, #tpu.memory_space<vmem>>, vector<1x16xf32>,
          %swap3A_1404 = vector.shape_cast %swap3A_1403 : vector<1x16xf32> to vector<16xf32>
          %swap3A_1405 = vector.shape_cast %mul3A_1398 : vector<16xf32> to vector<1x16xf32>
          tpu.vector_store %arg10[%swap3A_1401, %swap3A_1402], %swap3A_1405 {strides = array<i32>} : memref<80x128xf32, #tpu.memory_space<vmem>>, vector<1x16xf32>,
          %slice3A_1406 = vector.extract_strided_slice %get3A_64 {offsets = [11], sizes = [1], strides = [1]} : vector<16xf32> to vector<1xf32>
          %squeeze3A_1407 = vector.extract %slice3A_1406[0] : f32 from vector<1xf32>
          %add3A_1408 = arith.constant 11 : i32
          %add3A_1409 = arith.addi %mul3A_66, %add3A_1408 : i32
          %get3A_1410 = arith.index_cast %add3A_1409 : i32 to index
          %get3A_1411 = arith.constant 0 : index
          %get3A_1412 = tpu.vector_load %arg10[%get3A_1410, %get3A_1411] {strides = array<i32>} : memref<80x128xf32, #tpu.memory_space<vmem>>, vector<1x16xf32>,
          %get3A_1413 = vector.shape_cast %get3A_1412 : vector<1x16xf32> to vector<16xf32>
          %mul3A_1414 = vector.broadcast %squeeze3A_1407 : f32 to vector<16xf32>
          %mul3A_1415 = arith.mulf %get3A_1413, %mul3A_1414 : vector<16xf32>
          %add3A_1416 = arith.constant 11 : i32
          %add3A_1417 = arith.addi %mul3A_66, %add3A_1416 : i32
          %swap3A_1418 = arith.index_cast %add3A_1417 : i32 to index
          %swap3A_1419 = arith.constant 0 : index
          %swap3A_1420 = tpu.vector_load %arg10[%swap3A_1418, %swap3A_1419] {strides = array<i32>} : memref<80x128xf32, #tpu.memory_space<vmem>>, vector<1x16xf32>,
          %swap3A_1421 = vector.shape_cast %swap3A_1420 : vector<1x16xf32> to vector<16xf32>
          %swap3A_1422 = vector.shape_cast %mul3A_1415 : vector<16xf32> to vector<1x16xf32>
          tpu.vector_store %arg10[%swap3A_1418, %swap3A_1419], %swap3A_1422 {strides = array<i32>} : memref<80x128xf32, #tpu.memory_space<vmem>>, vector<1x16xf32>,
          %add3A_1423 = arith.constant 11 : i32
          %add3A_1424 = arith.addi %mul3A_66, %add3A_1423 : i32
          %get3A_1425 = arith.index_cast %add3A_1424 : i32 to index
          %get3A_1426 = arith.constant 16 : index
          %get3A_1427 = tpu.vector_load %arg10[%get3A_1425, %get3A_1426] {strides = array<i32>} : memref<80x128xf32, #tpu.memory_space<vmem>>, vector<1x16xf32>,
          %get3A_1428 = vector.shape_cast %get3A_1427 : vector<1x16xf32> to vector<16xf32>
          %mul3A_1429 = vector.broadcast %squeeze3A_1407 : f32 to vector<16xf32>
          %mul3A_1430 = arith.mulf %get3A_1428, %mul3A_1429 : vector<16xf32>
          %add3A_1431 = arith.constant 11 : i32
          %add3A_1432 = arith.addi %mul3A_66, %add3A_1431 : i32
          %swap3A_1433 = arith.index_cast %add3A_1432 : i32 to index
          %swap3A_1434 = arith.constant 16 : index
          %swap3A_1435 = tpu.vector_load %arg10[%swap3A_1433, %swap3A_1434] {strides = array<i32>} : memref<80x128xf32, #tpu.memory_space<vmem>>, vector<1x16xf32>,
          %swap3A_1436 = vector.shape_cast %swap3A_1435 : vector<1x16xf32> to vector<16xf32>
          %swap3A_1437 = vector.shape_cast %mul3A_1430 : vector<16xf32> to vector<1x16xf32>
          tpu.vector_store %arg10[%swap3A_1433, %swap3A_1434], %swap3A_1437 {strides = array<i32>} : memref<80x128xf32, #tpu.memory_space<vmem>>, vector<1x16xf32>,
          %add3A_1438 = arith.constant 11 : i32
          %add3A_1439 = arith.addi %mul3A_66, %add3A_1438 : i32
          %get3A_1440 = arith.index_cast %add3A_1439 : i32 to index
          %get3A_1441 = arith.constant 32 : index
          %get3A_1442 = tpu.vector_load %arg10[%get3A_1440, %get3A_1441] {strides = array<i32>} : memref<80x128xf32, #tpu.memory_space<vmem>>, vector<1x16xf32>,
          %get3A_1443 = vector.shape_cast %get3A_1442 : vector<1x16xf32> to vector<16xf32>
          %mul3A_1444 = vector.broadcast %squeeze3A_1407 : f32 to vector<16xf32>
          %mul3A_1445 = arith.mulf %get3A_1443, %mul3A_1444 : vector<16xf32>
          %add3A_1446 = arith.constant 11 : i32
          %add3A_1447 = arith.addi %mul3A_66, %add3A_1446 : i32
          %swap3A_1448 = arith.index_cast %add3A_1447 : i32 to index
          %swap3A_1449 = arith.constant 32 : index
          %swap3A_1450 = tpu.vector_load %arg10[%swap3A_1448, %swap3A_1449] {strides = array<i32>} : memref<80x128xf32, #tpu.memory_space<vmem>>, vector<1x16xf32>,
          %swap3A_1451 = vector.shape_cast %swap3A_1450 : vector<1x16xf32> to vector<16xf32>
          %swap3A_1452 = vector.shape_cast %mul3A_1445 : vector<16xf32> to vector<1x16xf32>
          tpu.vector_store %arg10[%swap3A_1448, %swap3A_1449], %swap3A_1452 {strides = array<i32>} : memref<80x128xf32, #tpu.memory_space<vmem>>, vector<1x16xf32>,
          %add3A_1453 = arith.constant 11 : i32
          %add3A_1454 = arith.addi %mul3A_66, %add3A_1453 : i32
          %get3A_1455 = arith.index_cast %add3A_1454 : i32 to index
          %get3A_1456 = arith.constant 48 : index
          %get3A_1457 = tpu.vector_load %arg10[%get3A_1455, %get3A_1456] {strides = array<i32>} : memref<80x128xf32, #tpu.memory_space<vmem>>, vector<1x16xf32>,
          %get3A_1458 = vector.shape_cast %get3A_1457 : vector<1x16xf32> to vector<16xf32>
          %mul3A_1459 = vector.broadcast %squeeze3A_1407 : f32 to vector<16xf32>
          %mul3A_1460 = arith.mulf %get3A_1458, %mul3A_1459 : vector<16xf32>
          %add3A_1461 = arith.constant 11 : i32
          %add3A_1462 = arith.addi %mul3A_66, %add3A_1461 : i32
          %swap3A_1463 = arith.index_cast %add3A_1462 : i32 to index
          %swap3A_1464 = arith.constant 48 : index
          %swap3A_1465 = tpu.vector_load %arg10[%swap3A_1463, %swap3A_1464] {strides = array<i32>} : memref<80x128xf32, #tpu.memory_space<vmem>>, vector<1x16xf32>,
          %swap3A_1466 = vector.shape_cast %swap3A_1465 : vector<1x16xf32> to vector<16xf32>
          %swap3A_1467 = vector.shape_cast %mul3A_1460 : vector<16xf32> to vector<1x16xf32>
          tpu.vector_store %arg10[%swap3A_1463, %swap3A_1464], %swap3A_1467 {strides = array<i32>} : memref<80x128xf32, #tpu.memory_space<vmem>>, vector<1x16xf32>,
          %add3A_1468 = arith.constant 11 : i32
          %add3A_1469 = arith.addi %mul3A_66, %add3A_1468 : i32
          %get3A_1470 = arith.index_cast %add3A_1469 : i32 to index
          %get3A_1471 = arith.constant 64 : index
          %get3A_1472 = tpu.vector_load %arg10[%get3A_1470, %get3A_1471] {strides = array<i32>} : memref<80x128xf32, #tpu.memory_space<vmem>>, vector<1x16xf32>,
          %get3A_1473 = vector.shape_cast %get3A_1472 : vector<1x16xf32> to vector<16xf32>
          %mul3A_1474 = vector.broadcast %squeeze3A_1407 : f32 to vector<16xf32>
          %mul3A_1475 = arith.mulf %get3A_1473, %mul3A_1474 : vector<16xf32>
          %add3A_1476 = arith.constant 11 : i32
          %add3A_1477 = arith.addi %mul3A_66, %add3A_1476 : i32
          %swap3A_1478 = arith.index_cast %add3A_1477 : i32 to index
          %swap3A_1479 = arith.constant 64 : index
          %swap3A_1480 = tpu.vector_load %arg10[%swap3A_1478, %swap3A_1479] {strides = array<i32>} : memref<80x128xf32, #tpu.memory_space<vmem>>, vector<1x16xf32>,
          %swap3A_1481 = vector.shape_cast %swap3A_1480 : vector<1x16xf32> to vector<16xf32>
          %swap3A_1482 = vector.shape_cast %mul3A_1475 : vector<16xf32> to vector<1x16xf32>
          tpu.vector_store %arg10[%swap3A_1478, %swap3A_1479], %swap3A_1482 {strides = array<i32>} : memref<80x128xf32, #tpu.memory_space<vmem>>, vector<1x16xf32>,
          %add3A_1483 = arith.constant 11 : i32
          %add3A_1484 = arith.addi %mul3A_66, %add3A_1483 : i32
          %get3A_1485 = arith.index_cast %add3A_1484 : i32 to index
          %get3A_1486 = arith.constant 80 : index
          %get3A_1487 = tpu.vector_load %arg10[%get3A_1485, %get3A_1486] {strides = array<i32>} : memref<80x128xf32, #tpu.memory_space<vmem>>, vector<1x16xf32>,
          %get3A_1488 = vector.shape_cast %get3A_1487 : vector<1x16xf32> to vector<16xf32>
          %mul3A_1489 = vector.broadcast %squeeze3A_1407 : f32 to vector<16xf32>
          %mul3A_1490 = arith.mulf %get3A_1488, %mul3A_1489 : vector<16xf32>
          %add3A_1491 = arith.constant 11 : i32
          %add3A_1492 = arith.addi %mul3A_66, %add3A_1491 : i32
          %swap3A_1493 = arith.index_cast %add3A_1492 : i32 to index
          %swap3A_1494 = arith.constant 80 : index
          %swap3A_1495 = tpu.vector_load %arg10[%swap3A_1493, %swap3A_1494] {strides = array<i32>} : memref<80x128xf32, #tpu.memory_space<vmem>>, vector<1x16xf32>,
          %swap3A_1496 = vector.shape_cast %swap3A_1495 : vector<1x16xf32> to vector<16xf32>
          %swap3A_1497 = vector.shape_cast %mul3A_1490 : vector<16xf32> to vector<1x16xf32>
          tpu.vector_store %arg10[%swap3A_1493, %swap3A_1494], %swap3A_1497 {strides = array<i32>} : memref<80x128xf32, #tpu.memory_space<vmem>>, vector<1x16xf32>,
          %add3A_1498 = arith.constant 11 : i32
          %add3A_1499 = arith.addi %mul3A_66, %add3A_1498 : i32
          %get3A_1500 = arith.index_cast %add3A_1499 : i32 to index
          %get3A_1501 = arith.constant 96 : index
          %get3A_1502 = tpu.vector_load %arg10[%get3A_1500, %get3A_1501] {strides = array<i32>} : memref<80x128xf32, #tpu.memory_space<vmem>>, vector<1x16xf32>,
          %get3A_1503 = vector.shape_cast %get3A_1502 : vector<1x16xf32> to vector<16xf32>
          %mul3A_1504 = vector.broadcast %squeeze3A_1407 : f32 to vector<16xf32>
          %mul3A_1505 = arith.mulf %get3A_1503, %mul3A_1504 : vector<16xf32>
          %add3A_1506 = arith.constant 11 : i32
          %add3A_1507 = arith.addi %mul3A_66, %add3A_1506 : i32
          %swap3A_1508 = arith.index_cast %add3A_1507 : i32 to index
          %swap3A_1509 = arith.constant 96 : index
          %swap3A_1510 = tpu.vector_load %arg10[%swap3A_1508, %swap3A_1509] {strides = array<i32>} : memref<80x128xf32, #tpu.memory_space<vmem>>, vector<1x16xf32>,
          %swap3A_1511 = vector.shape_cast %swap3A_1510 : vector<1x16xf32> to vector<16xf32>
          %swap3A_1512 = vector.shape_cast %mul3A_1505 : vector<16xf32> to vector<1x16xf32>
          tpu.vector_store %arg10[%swap3A_1508, %swap3A_1509], %swap3A_1512 {strides = array<i32>} : memref<80x128xf32, #tpu.memory_space<vmem>>, vector<1x16xf32>,
          %add3A_1513 = arith.constant 11 : i32
          %add3A_1514 = arith.addi %mul3A_66, %add3A_1513 : i32
          %get3A_1515 = arith.index_cast %add3A_1514 : i32 to index
          %get3A_1516 = arith.constant 112 : index
          %get3A_1517 = tpu.vector_load %arg10[%get3A_1515, %get3A_1516] {strides = array<i32>} : memref<80x128xf32, #tpu.memory_space<vmem>>, vector<1x16xf32>,
          %get3A_1518 = vector.shape_cast %get3A_1517 : vector<1x16xf32> to vector<16xf32>
          %mul3A_1519 = vector.broadcast %squeeze3A_1407 : f32 to vector<16xf32>
          %mul3A_1520 = arith.mulf %get3A_1518, %mul3A_1519 : vector<16xf32>
          %add3A_1521 = arith.constant 11 : i32
          %add3A_1522 = arith.addi %mul3A_66, %add3A_1521 : i32
          %swap3A_1523 = arith.index_cast %add3A_1522 : i32 to index
          %swap3A_1524 = arith.constant 112 : index
          %swap3A_1525 = tpu.vector_load %arg10[%swap3A_1523, %swap3A_1524] {strides = array<i32>} : memref<80x128xf32, #tpu.memory_space<vmem>>, vector<1x16xf32>,
          %swap3A_1526 = vector.shape_cast %swap3A_1525 : vector<1x16xf32> to vector<16xf32>
          %swap3A_1527 = vector.shape_cast %mul3A_1520 : vector<16xf32> to vector<1x16xf32>
          tpu.vector_store %arg10[%swap3A_1523, %swap3A_1524], %swap3A_1527 {strides = array<i32>} : memref<80x128xf32, #tpu.memory_space<vmem>>, vector<1x16xf32>,
          %slice3A_1528 = vector.extract_strided_slice %get3A_64 {offsets = [12], sizes = [1], strides = [1]} : vector<16xf32> to vector<1xf32>
          %squeeze3A_1529 = vector.extract %slice3A_1528[0] : f32 from vector<1xf32>
          %add3A_1530 = arith.constant 12 : i32
          %add3A_1531 = arith.addi %mul3A_66, %add3A_1530 : i32
          %get3A_1532 = arith.index_cast %add3A_1531 : i32 to index
          %get3A_1533 = arith.constant 0 : index
          %get3A_1534 = tpu.vector_load %arg10[%get3A_1532, %get3A_1533] {strides = array<i32>} : memref<80x128xf32, #tpu.memory_space<vmem>>, vector<1x16xf32>,
          %get3A_1535 = vector.shape_cast %get3A_1534 : vector<1x16xf32> to vector<16xf32>
          %mul3A_1536 = vector.broadcast %squeeze3A_1529 : f32 to vector<16xf32>
          %mul3A_1537 = arith.mulf %get3A_1535, %mul3A_1536 : vector<16xf32>
          %add3A_1538 = arith.constant 12 : i32
          %add3A_1539 = arith.addi %mul3A_66, %add3A_1538 : i32
          %swap3A_1540 = arith.index_cast %add3A_1539 : i32 to index
          %swap3A_1541 = arith.constant 0 : index
          %swap3A_1542 = tpu.vector_load %arg10[%swap3A_1540, %swap3A_1541] {strides = array<i32>} : memref<80x128xf32, #tpu.memory_space<vmem>>, vector<1x16xf32>,
          %swap3A_1543 = vector.shape_cast %swap3A_1542 : vector<1x16xf32> to vector<16xf32>
          %swap3A_1544 = vector.shape_cast %mul3A_1537 : vector<16xf32> to vector<1x16xf32>
          tpu.vector_store %arg10[%swap3A_1540, %swap3A_1541], %swap3A_1544 {strides = array<i32>} : memref<80x128xf32, #tpu.memory_space<vmem>>, vector<1x16xf32>,
          %add3A_1545 = arith.constant 12 : i32
          %add3A_1546 = arith.addi %mul3A_66, %add3A_1545 : i32
          %get3A_1547 = arith.index_cast %add3A_1546 : i32 to index
          %get3A_1548 = arith.constant 16 : index
          %get3A_1549 = tpu.vector_load %arg10[%get3A_1547, %get3A_1548] {strides = array<i32>} : memref<80x128xf32, #tpu.memory_space<vmem>>, vector<1x16xf32>,
          %get3A_1550 = vector.shape_cast %get3A_1549 : vector<1x16xf32> to vector<16xf32>
          %mul3A_1551 = vector.broadcast %squeeze3A_1529 : f32 to vector<16xf32>
          %mul3A_1552 = arith.mulf %get3A_1550, %mul3A_1551 : vector<16xf32>
          %add3A_1553 = arith.constant 12 : i32
          %add3A_1554 = arith.addi %mul3A_66, %add3A_1553 : i32
          %swap3A_1555 = arith.index_cast %add3A_1554 : i32 to index
          %swap3A_1556 = arith.constant 16 : index
          %swap3A_1557 = tpu.vector_load %arg10[%swap3A_1555, %swap3A_1556] {strides = array<i32>} : memref<80x128xf32, #tpu.memory_space<vmem>>, vector<1x16xf32>,
          %swap3A_1558 = vector.shape_cast %swap3A_1557 : vector<1x16xf32> to vector<16xf32>
          %swap3A_1559 = vector.shape_cast %mul3A_1552 : vector<16xf32> to vector<1x16xf32>
          tpu.vector_store %arg10[%swap3A_1555, %swap3A_1556], %swap3A_1559 {strides = array<i32>} : memref<80x128xf32, #tpu.memory_space<vmem>>, vector<1x16xf32>,
          %add3A_1560 = arith.constant 12 : i32
          %add3A_1561 = arith.addi %mul3A_66, %add3A_1560 : i32
          %get3A_1562 = arith.index_cast %add3A_1561 : i32 to index
          %get3A_1563 = arith.constant 32 : index
          %get3A_1564 = tpu.vector_load %arg10[%get3A_1562, %get3A_1563] {strides = array<i32>} : memref<80x128xf32, #tpu.memory_space<vmem>>, vector<1x16xf32>,
          %get3A_1565 = vector.shape_cast %get3A_1564 : vector<1x16xf32> to vector<16xf32>
          %mul3A_1566 = vector.broadcast %squeeze3A_1529 : f32 to vector<16xf32>
          %mul3A_1567 = arith.mulf %get3A_1565, %mul3A_1566 : vector<16xf32>
          %add3A_1568 = arith.constant 12 : i32
          %add3A_1569 = arith.addi %mul3A_66, %add3A_1568 : i32
          %swap3A_1570 = arith.index_cast %add3A_1569 : i32 to index
          %swap3A_1571 = arith.constant 32 : index
          %swap3A_1572 = tpu.vector_load %arg10[%swap3A_1570, %swap3A_1571] {strides = array<i32>} : memref<80x128xf32, #tpu.memory_space<vmem>>, vector<1x16xf32>,
          %swap3A_1573 = vector.shape_cast %swap3A_1572 : vector<1x16xf32> to vector<16xf32>
          %swap3A_1574 = vector.shape_cast %mul3A_1567 : vector<16xf32> to vector<1x16xf32>
          tpu.vector_store %arg10[%swap3A_1570, %swap3A_1571], %swap3A_1574 {strides = array<i32>} : memref<80x128xf32, #tpu.memory_space<vmem>>, vector<1x16xf32>,
          %add3A_1575 = arith.constant 12 : i32
          %add3A_1576 = arith.addi %mul3A_66, %add3A_1575 : i32
          %get3A_1577 = arith.index_cast %add3A_1576 : i32 to index
          %get3A_1578 = arith.constant 48 : index
          %get3A_1579 = tpu.vector_load %arg10[%get3A_1577, %get3A_1578] {strides = array<i32>} : memref<80x128xf32, #tpu.memory_space<vmem>>, vector<1x16xf32>,
          %get3A_1580 = vector.shape_cast %get3A_1579 : vector<1x16xf32> to vector<16xf32>
          %mul3A_1581 = vector.broadcast %squeeze3A_1529 : f32 to vector<16xf32>
          %mul3A_1582 = arith.mulf %get3A_1580, %mul3A_1581 : vector<16xf32>
          %add3A_1583 = arith.constant 12 : i32
          %add3A_1584 = arith.addi %mul3A_66, %add3A_1583 : i32
          %swap3A_1585 = arith.index_cast %add3A_1584 : i32 to index
          %swap3A_1586 = arith.constant 48 : index
          %swap3A_1587 = tpu.vector_load %arg10[%swap3A_1585, %swap3A_1586] {strides = array<i32>} : memref<80x128xf32, #tpu.memory_space<vmem>>, vector<1x16xf32>,
          %swap3A_1588 = vector.shape_cast %swap3A_1587 : vector<1x16xf32> to vector<16xf32>
          %swap3A_1589 = vector.shape_cast %mul3A_1582 : vector<16xf32> to vector<1x16xf32>
          tpu.vector_store %arg10[%swap3A_1585, %swap3A_1586], %swap3A_1589 {strides = array<i32>} : memref<80x128xf32, #tpu.memory_space<vmem>>, vector<1x16xf32>,
          %add3A_1590 = arith.constant 12 : i32
          %add3A_1591 = arith.addi %mul3A_66, %add3A_1590 : i32
          %get3A_1592 = arith.index_cast %add3A_1591 : i32 to index
          %get3A_1593 = arith.constant 64 : index
          %get3A_1594 = tpu.vector_load %arg10[%get3A_1592, %get3A_1593] {strides = array<i32>} : memref<80x128xf32, #tpu.memory_space<vmem>>, vector<1x16xf32>,
          %get3A_1595 = vector.shape_cast %get3A_1594 : vector<1x16xf32> to vector<16xf32>
          %mul3A_1596 = vector.broadcast %squeeze3A_1529 : f32 to vector<16xf32>
          %mul3A_1597 = arith.mulf %get3A_1595, %mul3A_1596 : vector<16xf32>
          %add3A_1598 = arith.constant 12 : i32
          %add3A_1599 = arith.addi %mul3A_66, %add3A_1598 : i32
          %swap3A_1600 = arith.index_cast %add3A_1599 : i32 to index
          %swap3A_1601 = arith.constant 64 : index
          %swap3A_1602 = tpu.vector_load %arg10[%swap3A_1600, %swap3A_1601] {strides = array<i32>} : memref<80x128xf32, #tpu.memory_space<vmem>>, vector<1x16xf32>,
          %swap3A_1603 = vector.shape_cast %swap3A_1602 : vector<1x16xf32> to vector<16xf32>
          %swap3A_1604 = vector.shape_cast %mul3A_1597 : vector<16xf32> to vector<1x16xf32>
          tpu.vector_store %arg10[%swap3A_1600, %swap3A_1601], %swap3A_1604 {strides = array<i32>} : memref<80x128xf32, #tpu.memory_space<vmem>>, vector<1x16xf32>,
          %add3A_1605 = arith.constant 12 : i32
          %add3A_1606 = arith.addi %mul3A_66, %add3A_1605 : i32
          %get3A_1607 = arith.index_cast %add3A_1606 : i32 to index
          %get3A_1608 = arith.constant 80 : index
          %get3A_1609 = tpu.vector_load %arg10[%get3A_1607, %get3A_1608] {strides = array<i32>} : memref<80x128xf32, #tpu.memory_space<vmem>>, vector<1x16xf32>,
          %get3A_1610 = vector.shape_cast %get3A_1609 : vector<1x16xf32> to vector<16xf32>
          %mul3A_1611 = vector.broadcast %squeeze3A_1529 : f32 to vector<16xf32>
          %mul3A_1612 = arith.mulf %get3A_1610, %mul3A_1611 : vector<16xf32>
          %add3A_1613 = arith.constant 12 : i32
          %add3A_1614 = arith.addi %mul3A_66, %add3A_1613 : i32
          %swap3A_1615 = arith.index_cast %add3A_1614 : i32 to index
          %swap3A_1616 = arith.constant 80 : index
          %swap3A_1617 = tpu.vector_load %arg10[%swap3A_1615, %swap3A_1616] {strides = array<i32>} : memref<80x128xf32, #tpu.memory_space<vmem>>, vector<1x16xf32>,
          %swap3A_1618 = vector.shape_cast %swap3A_1617 : vector<1x16xf32> to vector<16xf32>
          %swap3A_1619 = vector.shape_cast %mul3A_1612 : vector<16xf32> to vector<1x16xf32>
          tpu.vector_store %arg10[%swap3A_1615, %swap3A_1616], %swap3A_1619 {strides = array<i32>} : memref<80x128xf32, #tpu.memory_space<vmem>>, vector<1x16xf32>,
          %add3A_1620 = arith.constant 12 : i32
          %add3A_1621 = arith.addi %mul3A_66, %add3A_1620 : i32
          %get3A_1622 = arith.index_cast %add3A_1621 : i32 to index
          %get3A_1623 = arith.constant 96 : index
          %get3A_1624 = tpu.vector_load %arg10[%get3A_1622, %get3A_1623] {strides = array<i32>} : memref<80x128xf32, #tpu.memory_space<vmem>>, vector<1x16xf32>,
          %get3A_1625 = vector.shape_cast %get3A_1624 : vector<1x16xf32> to vector<16xf32>
          %mul3A_1626 = vector.broadcast %squeeze3A_1529 : f32 to vector<16xf32>
          %mul3A_1627 = arith.mulf %get3A_1625, %mul3A_1626 : vector<16xf32>
          %add3A_1628 = arith.constant 12 : i32
          %add3A_1629 = arith.addi %mul3A_66, %add3A_1628 : i32
          %swap3A_1630 = arith.index_cast %add3A_1629 : i32 to index
          %swap3A_1631 = arith.constant 96 : index
          %swap3A_1632 = tpu.vector_load %arg10[%swap3A_1630, %swap3A_1631] {strides = array<i32>} : memref<80x128xf32, #tpu.memory_space<vmem>>, vector<1x16xf32>,
          %swap3A_1633 = vector.shape_cast %swap3A_1632 : vector<1x16xf32> to vector<16xf32>
          %swap3A_1634 = vector.shape_cast %mul3A_1627 : vector<16xf32> to vector<1x16xf32>
          tpu.vector_store %arg10[%swap3A_1630, %swap3A_1631], %swap3A_1634 {strides = array<i32>} : memref<80x128xf32, #tpu.memory_space<vmem>>, vector<1x16xf32>,
          %add3A_1635 = arith.constant 12 : i32
          %add3A_1636 = arith.addi %mul3A_66, %add3A_1635 : i32
          %get3A_1637 = arith.index_cast %add3A_1636 : i32 to index
          %get3A_1638 = arith.constant 112 : index
          %get3A_1639 = tpu.vector_load %arg10[%get3A_1637, %get3A_1638] {strides = array<i32>} : memref<80x128xf32, #tpu.memory_space<vmem>>, vector<1x16xf32>,
          %get3A_1640 = vector.shape_cast %get3A_1639 : vector<1x16xf32> to vector<16xf32>
          %mul3A_1641 = vector.broadcast %squeeze3A_1529 : f32 to vector<16xf32>
          %mul3A_1642 = arith.mulf %get3A_1640, %mul3A_1641 : vector<16xf32>
          %add3A_1643 = arith.constant 12 : i32
          %add3A_1644 = arith.addi %mul3A_66, %add3A_1643 : i32
          %swap3A_1645 = arith.index_cast %add3A_1644 : i32 to index
          %swap3A_1646 = arith.constant 112 : index
          %swap3A_1647 = tpu.vector_load %arg10[%swap3A_1645, %swap3A_1646] {strides = array<i32>} : memref<80x128xf32, #tpu.memory_space<vmem>>, vector<1x16xf32>,
          %swap3A_1648 = vector.shape_cast %swap3A_1647 : vector<1x16xf32> to vector<16xf32>
          %swap3A_1649 = vector.shape_cast %mul3A_1642 : vector<16xf32> to vector<1x16xf32>
          tpu.vector_store %arg10[%swap3A_1645, %swap3A_1646], %swap3A_1649 {strides = array<i32>} : memref<80x128xf32, #tpu.memory_space<vmem>>, vector<1x16xf32>,
          %slice3A_1650 = vector.extract_strided_slice %get3A_64 {offsets = [13], sizes = [1], strides = [1]} : vector<16xf32> to vector<1xf32>
          %squeeze3A_1651 = vector.extract %slice3A_1650[0] : f32 from vector<1xf32>
          %add3A_1652 = arith.constant 13 : i32
          %add3A_1653 = arith.addi %mul3A_66, %add3A_1652 : i32
          %get3A_1654 = arith.index_cast %add3A_1653 : i32 to index
          %get3A_1655 = arith.constant 0 : index
          %get3A_1656 = tpu.vector_load %arg10[%get3A_1654, %get3A_1655] {strides = array<i32>} : memref<80x128xf32, #tpu.memory_space<vmem>>, vector<1x16xf32>,
          %get3A_1657 = vector.shape_cast %get3A_1656 : vector<1x16xf32> to vector<16xf32>
          %mul3A_1658 = vector.broadcast %squeeze3A_1651 : f32 to vector<16xf32>
          %mul3A_1659 = arith.mulf %get3A_1657, %mul3A_1658 : vector<16xf32>
          %add3A_1660 = arith.constant 13 : i32
          %add3A_1661 = arith.addi %mul3A_66, %add3A_1660 : i32
          %swap3A_1662 = arith.index_cast %add3A_1661 : i32 to index
          %swap3A_1663 = arith.constant 0 : index
          %swap3A_1664 = tpu.vector_load %arg10[%swap3A_1662, %swap3A_1663] {strides = array<i32>} : memref<80x128xf32, #tpu.memory_space<vmem>>, vector<1x16xf32>,
          %swap3A_1665 = vector.shape_cast %swap3A_1664 : vector<1x16xf32> to vector<16xf32>
          %swap3A_1666 = vector.shape_cast %mul3A_1659 : vector<16xf32> to vector<1x16xf32>
          tpu.vector_store %arg10[%swap3A_1662, %swap3A_1663], %swap3A_1666 {strides = array<i32>} : memref<80x128xf32, #tpu.memory_space<vmem>>, vector<1x16xf32>,
          %add3A_1667 = arith.constant 13 : i32
          %add3A_1668 = arith.addi %mul3A_66, %add3A_1667 : i32
          %get3A_1669 = arith.index_cast %add3A_1668 : i32 to index
          %get3A_1670 = arith.constant 16 : index
          %get3A_1671 = tpu.vector_load %arg10[%get3A_1669, %get3A_1670] {strides = array<i32>} : memref<80x128xf32, #tpu.memory_space<vmem>>, vector<1x16xf32>,
          %get3A_1672 = vector.shape_cast %get3A_1671 : vector<1x16xf32> to vector<16xf32>
          %mul3A_1673 = vector.broadcast %squeeze3A_1651 : f32 to vector<16xf32>
          %mul3A_1674 = arith.mulf %get3A_1672, %mul3A_1673 : vector<16xf32>
          %add3A_1675 = arith.constant 13 : i32
          %add3A_1676 = arith.addi %mul3A_66, %add3A_1675 : i32
          %swap3A_1677 = arith.index_cast %add3A_1676 : i32 to index
          %swap3A_1678 = arith.constant 16 : index
          %swap3A_1679 = tpu.vector_load %arg10[%swap3A_1677, %swap3A_1678] {strides = array<i32>} : memref<80x128xf32, #tpu.memory_space<vmem>>, vector<1x16xf32>,
          %swap3A_1680 = vector.shape_cast %swap3A_1679 : vector<1x16xf32> to vector<16xf32>
          %swap3A_1681 = vector.shape_cast %mul3A_1674 : vector<16xf32> to vector<1x16xf32>
          tpu.vector_store %arg10[%swap3A_1677, %swap3A_1678], %swap3A_1681 {strides = array<i32>} : memref<80x128xf32, #tpu.memory_space<vmem>>, vector<1x16xf32>,
          %add3A_1682 = arith.constant 13 : i32
          %add3A_1683 = arith.addi %mul3A_66, %add3A_1682 : i32
          %get3A_1684 = arith.index_cast %add3A_1683 : i32 to index
          %get3A_1685 = arith.constant 32 : index
          %get3A_1686 = tpu.vector_load %arg10[%get3A_1684, %get3A_1685] {strides = array<i32>} : memref<80x128xf32, #tpu.memory_space<vmem>>, vector<1x16xf32>,
          %get3A_1687 = vector.shape_cast %get3A_1686 : vector<1x16xf32> to vector<16xf32>
          %mul3A_1688 = vector.broadcast %squeeze3A_1651 : f32 to vector<16xf32>
          %mul3A_1689 = arith.mulf %get3A_1687, %mul3A_1688 : vector<16xf32>
          %add3A_1690 = arith.constant 13 : i32
          %add3A_1691 = arith.addi %mul3A_66, %add3A_1690 : i32
          %swap3A_1692 = arith.index_cast %add3A_1691 : i32 to index
          %swap3A_1693 = arith.constant 32 : index
          %swap3A_1694 = tpu.vector_load %arg10[%swap3A_1692, %swap3A_1693] {strides = array<i32>} : memref<80x128xf32, #tpu.memory_space<vmem>>, vector<1x16xf32>,
          %swap3A_1695 = vector.shape_cast %swap3A_1694 : vector<1x16xf32> to vector<16xf32>
          %swap3A_1696 = vector.shape_cast %mul3A_1689 : vector<16xf32> to vector<1x16xf32>
          tpu.vector_store %arg10[%swap3A_1692, %swap3A_1693], %swap3A_1696 {strides = array<i32>} : memref<80x128xf32, #tpu.memory_space<vmem>>, vector<1x16xf32>,
          %add3A_1697 = arith.constant 13 : i32
          %add3A_1698 = arith.addi %mul3A_66, %add3A_1697 : i32
          %get3A_1699 = arith.index_cast %add3A_1698 : i32 to index
          %get3A_1700 = arith.constant 48 : index
          %get3A_1701 = tpu.vector_load %arg10[%get3A_1699, %get3A_1700] {strides = array<i32>} : memref<80x128xf32, #tpu.memory_space<vmem>>, vector<1x16xf32>,
          %get3A_1702 = vector.shape_cast %get3A_1701 : vector<1x16xf32> to vector<16xf32>
          %mul3A_1703 = vector.broadcast %squeeze3A_1651 : f32 to vector<16xf32>
          %mul3A_1704 = arith.mulf %get3A_1702, %mul3A_1703 : vector<16xf32>
          %add3A_1705 = arith.constant 13 : i32
          %add3A_1706 = arith.addi %mul3A_66, %add3A_1705 : i32
          %swap3A_1707 = arith.index_cast %add3A_1706 : i32 to index
          %swap3A_1708 = arith.constant 48 : index
          %swap3A_1709 = tpu.vector_load %arg10[%swap3A_1707, %swap3A_1708] {strides = array<i32>} : memref<80x128xf32, #tpu.memory_space<vmem>>, vector<1x16xf32>,
          %swap3A_1710 = vector.shape_cast %swap3A_1709 : vector<1x16xf32> to vector<16xf32>
          %swap3A_1711 = vector.shape_cast %mul3A_1704 : vector<16xf32> to vector<1x16xf32>
          tpu.vector_store %arg10[%swap3A_1707, %swap3A_1708], %swap3A_1711 {strides = array<i32>} : memref<80x128xf32, #tpu.memory_space<vmem>>, vector<1x16xf32>,
          %add3A_1712 = arith.constant 13 : i32
          %add3A_1713 = arith.addi %mul3A_66, %add3A_1712 : i32
          %get3A_1714 = arith.index_cast %add3A_1713 : i32 to index
          %get3A_1715 = arith.constant 64 : index
          %get3A_1716 = tpu.vector_load %arg10[%get3A_1714, %get3A_1715] {strides = array<i32>} : memref<80x128xf32, #tpu.memory_space<vmem>>, vector<1x16xf32>,
          %get3A_1717 = vector.shape_cast %get3A_1716 : vector<1x16xf32> to vector<16xf32>
          %mul3A_1718 = vector.broadcast %squeeze3A_1651 : f32 to vector<16xf32>
          %mul3A_1719 = arith.mulf %get3A_1717, %mul3A_1718 : vector<16xf32>
          %add3A_1720 = arith.constant 13 : i32
          %add3A_1721 = arith.addi %mul3A_66, %add3A_1720 : i32
          %swap3A_1722 = arith.index_cast %add3A_1721 : i32 to index
          %swap3A_1723 = arith.constant 64 : index
          %swap3A_1724 = tpu.vector_load %arg10[%swap3A_1722, %swap3A_1723] {strides = array<i32>} : memref<80x128xf32, #tpu.memory_space<vmem>>, vector<1x16xf32>,
          %swap3A_1725 = vector.shape_cast %swap3A_1724 : vector<1x16xf32> to vector<16xf32>
          %swap3A_1726 = vector.shape_cast %mul3A_1719 : vector<16xf32> to vector<1x16xf32>
          tpu.vector_store %arg10[%swap3A_1722, %swap3A_1723], %swap3A_1726 {strides = array<i32>} : memref<80x128xf32, #tpu.memory_space<vmem>>, vector<1x16xf32>,
          %add3A_1727 = arith.constant 13 : i32
          %add3A_1728 = arith.addi %mul3A_66, %add3A_1727 : i32
          %get3A_1729 = arith.index_cast %add3A_1728 : i32 to index
          %get3A_1730 = arith.constant 80 : index
          %get3A_1731 = tpu.vector_load %arg10[%get3A_1729, %get3A_1730] {strides = array<i32>} : memref<80x128xf32, #tpu.memory_space<vmem>>, vector<1x16xf32>,
          %get3A_1732 = vector.shape_cast %get3A_1731 : vector<1x16xf32> to vector<16xf32>
          %mul3A_1733 = vector.broadcast %squeeze3A_1651 : f32 to vector<16xf32>
          %mul3A_1734 = arith.mulf %get3A_1732, %mul3A_1733 : vector<16xf32>
          %add3A_1735 = arith.constant 13 : i32
          %add3A_1736 = arith.addi %mul3A_66, %add3A_1735 : i32
          %swap3A_1737 = arith.index_cast %add3A_1736 : i32 to index
          %swap3A_1738 = arith.constant 80 : index
          %swap3A_1739 = tpu.vector_load %arg10[%swap3A_1737, %swap3A_1738] {strides = array<i32>} : memref<80x128xf32, #tpu.memory_space<vmem>>, vector<1x16xf32>,
          %swap3A_1740 = vector.shape_cast %swap3A_1739 : vector<1x16xf32> to vector<16xf32>
          %swap3A_1741 = vector.shape_cast %mul3A_1734 : vector<16xf32> to vector<1x16xf32>
          tpu.vector_store %arg10[%swap3A_1737, %swap3A_1738], %swap3A_1741 {strides = array<i32>} : memref<80x128xf32, #tpu.memory_space<vmem>>, vector<1x16xf32>,
          %add3A_1742 = arith.constant 13 : i32
          %add3A_1743 = arith.addi %mul3A_66, %add3A_1742 : i32
          %get3A_1744 = arith.index_cast %add3A_1743 : i32 to index
          %get3A_1745 = arith.constant 96 : index
          %get3A_1746 = tpu.vector_load %arg10[%get3A_1744, %get3A_1745] {strides = array<i32>} : memref<80x128xf32, #tpu.memory_space<vmem>>, vector<1x16xf32>,
          %get3A_1747 = vector.shape_cast %get3A_1746 : vector<1x16xf32> to vector<16xf32>
          %mul3A_1748 = vector.broadcast %squeeze3A_1651 : f32 to vector<16xf32>
          %mul3A_1749 = arith.mulf %get3A_1747, %mul3A_1748 : vector<16xf32>
          %add3A_1750 = arith.constant 13 : i32
          %add3A_1751 = arith.addi %mul3A_66, %add3A_1750 : i32
          %swap3A_1752 = arith.index_cast %add3A_1751 : i32 to index
          %swap3A_1753 = arith.constant 96 : index
          %swap3A_1754 = tpu.vector_load %arg10[%swap3A_1752, %swap3A_1753] {strides = array<i32>} : memref<80x128xf32, #tpu.memory_space<vmem>>, vector<1x16xf32>,
          %swap3A_1755 = vector.shape_cast %swap3A_1754 : vector<1x16xf32> to vector<16xf32>
          %swap3A_1756 = vector.shape_cast %mul3A_1749 : vector<16xf32> to vector<1x16xf32>
          tpu.vector_store %arg10[%swap3A_1752, %swap3A_1753], %swap3A_1756 {strides = array<i32>} : memref<80x128xf32, #tpu.memory_space<vmem>>, vector<1x16xf32>,
          %add3A_1757 = arith.constant 13 : i32
          %add3A_1758 = arith.addi %mul3A_66, %add3A_1757 : i32
          %get3A_1759 = arith.index_cast %add3A_1758 : i32 to index
          %get3A_1760 = arith.constant 112 : index
          %get3A_1761 = tpu.vector_load %arg10[%get3A_1759, %get3A_1760] {strides = array<i32>} : memref<80x128xf32, #tpu.memory_space<vmem>>, vector<1x16xf32>,
          %get3A_1762 = vector.shape_cast %get3A_1761 : vector<1x16xf32> to vector<16xf32>
          %mul3A_1763 = vector.broadcast %squeeze3A_1651 : f32 to vector<16xf32>
          %mul3A_1764 = arith.mulf %get3A_1762, %mul3A_1763 : vector<16xf32>
          %add3A_1765 = arith.constant 13 : i32
          %add3A_1766 = arith.addi %mul3A_66, %add3A_1765 : i32
          %swap3A_1767 = arith.index_cast %add3A_1766 : i32 to index
          %swap3A_1768 = arith.constant 112 : index
          %swap3A_1769 = tpu.vector_load %arg10[%swap3A_1767, %swap3A_1768] {strides = array<i32>} : memref<80x128xf32, #tpu.memory_space<vmem>>, vector<1x16xf32>,
          %swap3A_1770 = vector.shape_cast %swap3A_1769 : vector<1x16xf32> to vector<16xf32>
          %swap3A_1771 = vector.shape_cast %mul3A_1764 : vector<16xf32> to vector<1x16xf32>
          tpu.vector_store %arg10[%swap3A_1767, %swap3A_1768], %swap3A_1771 {strides = array<i32>} : memref<80x128xf32, #tpu.memory_space<vmem>>, vector<1x16xf32>,
          %slice3A_1772 = vector.extract_strided_slice %get3A_64 {offsets = [14], sizes = [1], strides = [1]} : vector<16xf32> to vector<1xf32>
          %squeeze3A_1773 = vector.extract %slice3A_1772[0] : f32 from vector<1xf32>
          %add3A_1774 = arith.constant 14 : i32
          %add3A_1775 = arith.addi %mul3A_66, %add3A_1774 : i32
          %get3A_1776 = arith.index_cast %add3A_1775 : i32 to index
          %get3A_1777 = arith.constant 0 : index
          %get3A_1778 = tpu.vector_load %arg10[%get3A_1776, %get3A_1777] {strides = array<i32>} : memref<80x128xf32, #tpu.memory_space<vmem>>, vector<1x16xf32>,
          %get3A_1779 = vector.shape_cast %get3A_1778 : vector<1x16xf32> to vector<16xf32>
          %mul3A_1780 = vector.broadcast %squeeze3A_1773 : f32 to vector<16xf32>
          %mul3A_1781 = arith.mulf %get3A_1779, %mul3A_1780 : vector<16xf32>
          %add3A_1782 = arith.constant 14 : i32
          %add3A_1783 = arith.addi %mul3A_66, %add3A_1782 : i32
          %swap3A_1784 = arith.index_cast %add3A_1783 : i32 to index
          %swap3A_1785 = arith.constant 0 : index
          %swap3A_1786 = tpu.vector_load %arg10[%swap3A_1784, %swap3A_1785] {strides = array<i32>} : memref<80x128xf32, #tpu.memory_space<vmem>>, vector<1x16xf32>,
          %swap3A_1787 = vector.shape_cast %swap3A_1786 : vector<1x16xf32> to vector<16xf32>
          %swap3A_1788 = vector.shape_cast %mul3A_1781 : vector<16xf32> to vector<1x16xf32>
          tpu.vector_store %arg10[%swap3A_1784, %swap3A_1785], %swap3A_1788 {strides = array<i32>} : memref<80x128xf32, #tpu.memory_space<vmem>>, vector<1x16xf32>,
          %add3A_1789 = arith.constant 14 : i32
          %add3A_1790 = arith.addi %mul3A_66, %add3A_1789 : i32
          %get3A_1791 = arith.index_cast %add3A_1790 : i32 to index
          %get3A_1792 = arith.constant 16 : index
          %get3A_1793 = tpu.vector_load %arg10[%get3A_1791, %get3A_1792] {strides = array<i32>} : memref<80x128xf32, #tpu.memory_space<vmem>>, vector<1x16xf32>,
          %get3A_1794 = vector.shape_cast %get3A_1793 : vector<1x16xf32> to vector<16xf32>
          %mul3A_1795 = vector.broadcast %squeeze3A_1773 : f32 to vector<16xf32>
          %mul3A_1796 = arith.mulf %get3A_1794, %mul3A_1795 : vector<16xf32>
          %add3A_1797 = arith.constant 14 : i32
          %add3A_1798 = arith.addi %mul3A_66, %add3A_1797 : i32
          %swap3A_1799 = arith.index_cast %add3A_1798 : i32 to index
          %swap3A_1800 = arith.constant 16 : index
          %swap3A_1801 = tpu.vector_load %arg10[%swap3A_1799, %swap3A_1800] {strides = array<i32>} : memref<80x128xf32, #tpu.memory_space<vmem>>, vector<1x16xf32>,
          %swap3A_1802 = vector.shape_cast %swap3A_1801 : vector<1x16xf32> to vector<16xf32>
          %swap3A_1803 = vector.shape_cast %mul3A_1796 : vector<16xf32> to vector<1x16xf32>
          tpu.vector_store %arg10[%swap3A_1799, %swap3A_1800], %swap3A_1803 {strides = array<i32>} : memref<80x128xf32, #tpu.memory_space<vmem>>, vector<1x16xf32>,
          %add3A_1804 = arith.constant 14 : i32
          %add3A_1805 = arith.addi %mul3A_66, %add3A_1804 : i32
          %get3A_1806 = arith.index_cast %add3A_1805 : i32 to index
          %get3A_1807 = arith.constant 32 : index
          %get3A_1808 = tpu.vector_load %arg10[%get3A_1806, %get3A_1807] {strides = array<i32>} : memref<80x128xf32, #tpu.memory_space<vmem>>, vector<1x16xf32>,
          %get3A_1809 = vector.shape_cast %get3A_1808 : vector<1x16xf32> to vector<16xf32>
          %mul3A_1810 = vector.broadcast %squeeze3A_1773 : f32 to vector<16xf32>
          %mul3A_1811 = arith.mulf %get3A_1809, %mul3A_1810 : vector<16xf32>
          %add3A_1812 = arith.constant 14 : i32
          %add3A_1813 = arith.addi %mul3A_66, %add3A_1812 : i32
          %swap3A_1814 = arith.index_cast %add3A_1813 : i32 to index
          %swap3A_1815 = arith.constant 32 : index
          %swap3A_1816 = tpu.vector_load %arg10[%swap3A_1814, %swap3A_1815] {strides = array<i32>} : memref<80x128xf32, #tpu.memory_space<vmem>>, vector<1x16xf32>,
          %swap3A_1817 = vector.shape_cast %swap3A_1816 : vector<1x16xf32> to vector<16xf32>
          %swap3A_1818 = vector.shape_cast %mul3A_1811 : vector<16xf32> to vector<1x16xf32>
          tpu.vector_store %arg10[%swap3A_1814, %swap3A_1815], %swap3A_1818 {strides = array<i32>} : memref<80x128xf32, #tpu.memory_space<vmem>>, vector<1x16xf32>,
          %add3A_1819 = arith.constant 14 : i32
          %add3A_1820 = arith.addi %mul3A_66, %add3A_1819 : i32
          %get3A_1821 = arith.index_cast %add3A_1820 : i32 to index
          %get3A_1822 = arith.constant 48 : index
          %get3A_1823 = tpu.vector_load %arg10[%get3A_1821, %get3A_1822] {strides = array<i32>} : memref<80x128xf32, #tpu.memory_space<vmem>>, vector<1x16xf32>,
          %get3A_1824 = vector.shape_cast %get3A_1823 : vector<1x16xf32> to vector<16xf32>
          %mul3A_1825 = vector.broadcast %squeeze3A_1773 : f32 to vector<16xf32>
          %mul3A_1826 = arith.mulf %get3A_1824, %mul3A_1825 : vector<16xf32>
          %add3A_1827 = arith.constant 14 : i32
          %add3A_1828 = arith.addi %mul3A_66, %add3A_1827 : i32
          %swap3A_1829 = arith.index_cast %add3A_1828 : i32 to index
          %swap3A_1830 = arith.constant 48 : index
          %swap3A_1831 = tpu.vector_load %arg10[%swap3A_1829, %swap3A_1830] {strides = array<i32>} : memref<80x128xf32, #tpu.memory_space<vmem>>, vector<1x16xf32>,
          %swap3A_1832 = vector.shape_cast %swap3A_1831 : vector<1x16xf32> to vector<16xf32>
          %swap3A_1833 = vector.shape_cast %mul3A_1826 : vector<16xf32> to vector<1x16xf32>
          tpu.vector_store %arg10[%swap3A_1829, %swap3A_1830], %swap3A_1833 {strides = array<i32>} : memref<80x128xf32, #tpu.memory_space<vmem>>, vector<1x16xf32>,
          %add3A_1834 = arith.constant 14 : i32
          %add3A_1835 = arith.addi %mul3A_66, %add3A_1834 : i32
          %get3A_1836 = arith.index_cast %add3A_1835 : i32 to index
          %get3A_1837 = arith.constant 64 : index
          %get3A_1838 = tpu.vector_load %arg10[%get3A_1836, %get3A_1837] {strides = array<i32>} : memref<80x128xf32, #tpu.memory_space<vmem>>, vector<1x16xf32>,
          %get3A_1839 = vector.shape_cast %get3A_1838 : vector<1x16xf32> to vector<16xf32>
          %mul3A_1840 = vector.broadcast %squeeze3A_1773 : f32 to vector<16xf32>
          %mul3A_1841 = arith.mulf %get3A_1839, %mul3A_1840 : vector<16xf32>
          %add3A_1842 = arith.constant 14 : i32
          %add3A_1843 = arith.addi %mul3A_66, %add3A_1842 : i32
          %swap3A_1844 = arith.index_cast %add3A_1843 : i32 to index
          %swap3A_1845 = arith.constant 64 : index
          %swap3A_1846 = tpu.vector_load %arg10[%swap3A_1844, %swap3A_1845] {strides = array<i32>} : memref<80x128xf32, #tpu.memory_space<vmem>>, vector<1x16xf32>,
          %swap3A_1847 = vector.shape_cast %swap3A_1846 : vector<1x16xf32> to vector<16xf32>
          %swap3A_1848 = vector.shape_cast %mul3A_1841 : vector<16xf32> to vector<1x16xf32>
          tpu.vector_store %arg10[%swap3A_1844, %swap3A_1845], %swap3A_1848 {strides = array<i32>} : memref<80x128xf32, #tpu.memory_space<vmem>>, vector<1x16xf32>,
          %add3A_1849 = arith.constant 14 : i32
          %add3A_1850 = arith.addi %mul3A_66, %add3A_1849 : i32
          %get3A_1851 = arith.index_cast %add3A_1850 : i32 to index
          %get3A_1852 = arith.constant 80 : index
          %get3A_1853 = tpu.vector_load %arg10[%get3A_1851, %get3A_1852] {strides = array<i32>} : memref<80x128xf32, #tpu.memory_space<vmem>>, vector<1x16xf32>,
          %get3A_1854 = vector.shape_cast %get3A_1853 : vector<1x16xf32> to vector<16xf32>
          %mul3A_1855 = vector.broadcast %squeeze3A_1773 : f32 to vector<16xf32>
          %mul3A_1856 = arith.mulf %get3A_1854, %mul3A_1855 : vector<16xf32>
          %add3A_1857 = arith.constant 14 : i32
          %add3A_1858 = arith.addi %mul3A_66, %add3A_1857 : i32
          %swap3A_1859 = arith.index_cast %add3A_1858 : i32 to index
          %swap3A_1860 = arith.constant 80 : index
          %swap3A_1861 = tpu.vector_load %arg10[%swap3A_1859, %swap3A_1860] {strides = array<i32>} : memref<80x128xf32, #tpu.memory_space<vmem>>, vector<1x16xf32>,
          %swap3A_1862 = vector.shape_cast %swap3A_1861 : vector<1x16xf32> to vector<16xf32>
          %swap3A_1863 = vector.shape_cast %mul3A_1856 : vector<16xf32> to vector<1x16xf32>
          tpu.vector_store %arg10[%swap3A_1859, %swap3A_1860], %swap3A_1863 {strides = array<i32>} : memref<80x128xf32, #tpu.memory_space<vmem>>, vector<1x16xf32>,
          %add3A_1864 = arith.constant 14 : i32
          %add3A_1865 = arith.addi %mul3A_66, %add3A_1864 : i32
          %get3A_1866 = arith.index_cast %add3A_1865 : i32 to index
          %get3A_1867 = arith.constant 96 : index
          %get3A_1868 = tpu.vector_load %arg10[%get3A_1866, %get3A_1867] {strides = array<i32>} : memref<80x128xf32, #tpu.memory_space<vmem>>, vector<1x16xf32>,
          %get3A_1869 = vector.shape_cast %get3A_1868 : vector<1x16xf32> to vector<16xf32>
          %mul3A_1870 = vector.broadcast %squeeze3A_1773 : f32 to vector<16xf32>
          %mul3A_1871 = arith.mulf %get3A_1869, %mul3A_1870 : vector<16xf32>
          %add3A_1872 = arith.constant 14 : i32
          %add3A_1873 = arith.addi %mul3A_66, %add3A_1872 : i32
          %swap3A_1874 = arith.index_cast %add3A_1873 : i32 to index
          %swap3A_1875 = arith.constant 96 : index
          %swap3A_1876 = tpu.vector_load %arg10[%swap3A_1874, %swap3A_1875] {strides = array<i32>} : memref<80x128xf32, #tpu.memory_space<vmem>>, vector<1x16xf32>,
          %swap3A_1877 = vector.shape_cast %swap3A_1876 : vector<1x16xf32> to vector<16xf32>
          %swap3A_1878 = vector.shape_cast %mul3A_1871 : vector<16xf32> to vector<1x16xf32>
          tpu.vector_store %arg10[%swap3A_1874, %swap3A_1875], %swap3A_1878 {strides = array<i32>} : memref<80x128xf32, #tpu.memory_space<vmem>>, vector<1x16xf32>,
          %add3A_1879 = arith.constant 14 : i32
          %add3A_1880 = arith.addi %mul3A_66, %add3A_1879 : i32
          %get3A_1881 = arith.index_cast %add3A_1880 : i32 to index
          %get3A_1882 = arith.constant 112 : index
          %get3A_1883 = tpu.vector_load %arg10[%get3A_1881, %get3A_1882] {strides = array<i32>} : memref<80x128xf32, #tpu.memory_space<vmem>>, vector<1x16xf32>,
          %get3A_1884 = vector.shape_cast %get3A_1883 : vector<1x16xf32> to vector<16xf32>
          %mul3A_1885 = vector.broadcast %squeeze3A_1773 : f32 to vector<16xf32>
          %mul3A_1886 = arith.mulf %get3A_1884, %mul3A_1885 : vector<16xf32>
          %add3A_1887 = arith.constant 14 : i32
          %add3A_1888 = arith.addi %mul3A_66, %add3A_1887 : i32
          %swap3A_1889 = arith.index_cast %add3A_1888 : i32 to index
          %swap3A_1890 = arith.constant 112 : index
          %swap3A_1891 = tpu.vector_load %arg10[%swap3A_1889, %swap3A_1890] {strides = array<i32>} : memref<80x128xf32, #tpu.memory_space<vmem>>, vector<1x16xf32>,
          %swap3A_1892 = vector.shape_cast %swap3A_1891 : vector<1x16xf32> to vector<16xf32>
          %swap3A_1893 = vector.shape_cast %mul3A_1886 : vector<16xf32> to vector<1x16xf32>
          tpu.vector_store %arg10[%swap3A_1889, %swap3A_1890], %swap3A_1893 {strides = array<i32>} : memref<80x128xf32, #tpu.memory_space<vmem>>, vector<1x16xf32>,
          %slice3A_1894 = vector.extract_strided_slice %get3A_64 {offsets = [15], sizes = [1], strides = [1]} : vector<16xf32> to vector<1xf32>
          %squeeze3A_1895 = vector.extract %slice3A_1894[0] : f32 from vector<1xf32>
          %add3A_1896 = arith.constant 15 : i32
          %add3A_1897 = arith.addi %mul3A_66, %add3A_1896 : i32
          %get3A_1898 = arith.index_cast %add3A_1897 : i32 to index
          %get3A_1899 = arith.constant 0 : index
          %get3A_1900 = tpu.vector_load %arg10[%get3A_1898, %get3A_1899] {strides = array<i32>} : memref<80x128xf32, #tpu.memory_space<vmem>>, vector<1x16xf32>,
          %get3A_1901 = vector.shape_cast %get3A_1900 : vector<1x16xf32> to vector<16xf32>
          %mul3A_1902 = vector.broadcast %squeeze3A_1895 : f32 to vector<16xf32>
          %mul3A_1903 = arith.mulf %get3A_1901, %mul3A_1902 : vector<16xf32>
          %add3A_1904 = arith.constant 15 : i32
          %add3A_1905 = arith.addi %mul3A_66, %add3A_1904 : i32
          %swap3A_1906 = arith.index_cast %add3A_1905 : i32 to index
          %swap3A_1907 = arith.constant 0 : index
          %swap3A_1908 = tpu.vector_load %arg10[%swap3A_1906, %swap3A_1907] {strides = array<i32>} : memref<80x128xf32, #tpu.memory_space<vmem>>, vector<1x16xf32>,
          %swap3A_1909 = vector.shape_cast %swap3A_1908 : vector<1x16xf32> to vector<16xf32>
          %swap3A_1910 = vector.shape_cast %mul3A_1903 : vector<16xf32> to vector<1x16xf32>
          tpu.vector_store %arg10[%swap3A_1906, %swap3A_1907], %swap3A_1910 {strides = array<i32>} : memref<80x128xf32, #tpu.memory_space<vmem>>, vector<1x16xf32>,
          %add3A_1911 = arith.constant 15 : i32
          %add3A_1912 = arith.addi %mul3A_66, %add3A_1911 : i32
          %get3A_1913 = arith.index_cast %add3A_1912 : i32 to index
          %get3A_1914 = arith.constant 16 : index
          %get3A_1915 = tpu.vector_load %arg10[%get3A_1913, %get3A_1914] {strides = array<i32>} : memref<80x128xf32, #tpu.memory_space<vmem>>, vector<1x16xf32>,
          %get3A_1916 = vector.shape_cast %get3A_1915 : vector<1x16xf32> to vector<16xf32>
          %mul3A_1917 = vector.broadcast %squeeze3A_1895 : f32 to vector<16xf32>
          %mul3A_1918 = arith.mulf %get3A_1916, %mul3A_1917 : vector<16xf32>
          %add3A_1919 = arith.constant 15 : i32
          %add3A_1920 = arith.addi %mul3A_66, %add3A_1919 : i32
          %swap3A_1921 = arith.index_cast %add3A_1920 : i32 to index
          %swap3A_1922 = arith.constant 16 : index
          %swap3A_1923 = tpu.vector_load %arg10[%swap3A_1921, %swap3A_1922] {strides = array<i32>} : memref<80x128xf32, #tpu.memory_space<vmem>>, vector<1x16xf32>,
          %swap3A_1924 = vector.shape_cast %swap3A_1923 : vector<1x16xf32> to vector<16xf32>
          %swap3A_1925 = vector.shape_cast %mul3A_1918 : vector<16xf32> to vector<1x16xf32>
          tpu.vector_store %arg10[%swap3A_1921, %swap3A_1922], %swap3A_1925 {strides = array<i32>} : memref<80x128xf32, #tpu.memory_space<vmem>>, vector<1x16xf32>,
          %add3A_1926 = arith.constant 15 : i32
          %add3A_1927 = arith.addi %mul3A_66, %add3A_1926 : i32
          %get3A_1928 = arith.index_cast %add3A_1927 : i32 to index
          %get3A_1929 = arith.constant 32 : index
          %get3A_1930 = tpu.vector_load %arg10[%get3A_1928, %get3A_1929] {strides = array<i32>} : memref<80x128xf32, #tpu.memory_space<vmem>>, vector<1x16xf32>,
          %get3A_1931 = vector.shape_cast %get3A_1930 : vector<1x16xf32> to vector<16xf32>
          %mul3A_1932 = vector.broadcast %squeeze3A_1895 : f32 to vector<16xf32>
          %mul3A_1933 = arith.mulf %get3A_1931, %mul3A_1932 : vector<16xf32>
          %add3A_1934 = arith.constant 15 : i32
          %add3A_1935 = arith.addi %mul3A_66, %add3A_1934 : i32
          %swap3A_1936 = arith.index_cast %add3A_1935 : i32 to index
          %swap3A_1937 = arith.constant 32 : index
          %swap3A_1938 = tpu.vector_load %arg10[%swap3A_1936, %swap3A_1937] {strides = array<i32>} : memref<80x128xf32, #tpu.memory_space<vmem>>, vector<1x16xf32>,
          %swap3A_1939 = vector.shape_cast %swap3A_1938 : vector<1x16xf32> to vector<16xf32>
          %swap3A_1940 = vector.shape_cast %mul3A_1933 : vector<16xf32> to vector<1x16xf32>
          tpu.vector_store %arg10[%swap3A_1936, %swap3A_1937], %swap3A_1940 {strides = array<i32>} : memref<80x128xf32, #tpu.memory_space<vmem>>, vector<1x16xf32>,
          %add3A_1941 = arith.constant 15 : i32
          %add3A_1942 = arith.addi %mul3A_66, %add3A_1941 : i32
          %get3A_1943 = arith.index_cast %add3A_1942 : i32 to index
          %get3A_1944 = arith.constant 48 : index
          %get3A_1945 = tpu.vector_load %arg10[%get3A_1943, %get3A_1944] {strides = array<i32>} : memref<80x128xf32, #tpu.memory_space<vmem>>, vector<1x16xf32>,
          %get3A_1946 = vector.shape_cast %get3A_1945 : vector<1x16xf32> to vector<16xf32>
          %mul3A_1947 = vector.broadcast %squeeze3A_1895 : f32 to vector<16xf32>
          %mul3A_1948 = arith.mulf %get3A_1946, %mul3A_1947 : vector<16xf32>
          %add3A_1949 = arith.constant 15 : i32
          %add3A_1950 = arith.addi %mul3A_66, %add3A_1949 : i32
          %swap3A_1951 = arith.index_cast %add3A_1950 : i32 to index
          %swap3A_1952 = arith.constant 48 : index
          %swap3A_1953 = tpu.vector_load %arg10[%swap3A_1951, %swap3A_1952] {strides = array<i32>} : memref<80x128xf32, #tpu.memory_space<vmem>>, vector<1x16xf32>,
          %swap3A_1954 = vector.shape_cast %swap3A_1953 : vector<1x16xf32> to vector<16xf32>
          %swap3A_1955 = vector.shape_cast %mul3A_1948 : vector<16xf32> to vector<1x16xf32>
          tpu.vector_store %arg10[%swap3A_1951, %swap3A_1952], %swap3A_1955 {strides = array<i32>} : memref<80x128xf32, #tpu.memory_space<vmem>>, vector<1x16xf32>,
          %add3A_1956 = arith.constant 15 : i32
          %add3A_1957 = arith.addi %mul3A_66, %add3A_1956 : i32
          %get3A_1958 = arith.index_cast %add3A_1957 : i32 to index
          %get3A_1959 = arith.constant 64 : index
          %get3A_1960 = tpu.vector_load %arg10[%get3A_1958, %get3A_1959] {strides = array<i32>} : memref<80x128xf32, #tpu.memory_space<vmem>>, vector<1x16xf32>,
          %get3A_1961 = vector.shape_cast %get3A_1960 : vector<1x16xf32> to vector<16xf32>
          %mul3A_1962 = vector.broadcast %squeeze3A_1895 : f32 to vector<16xf32>
          %mul3A_1963 = arith.mulf %get3A_1961, %mul3A_1962 : vector<16xf32>
          %add3A_1964 = arith.constant 15 : i32
          %add3A_1965 = arith.addi %mul3A_66, %add3A_1964 : i32
          %swap3A_1966 = arith.index_cast %add3A_1965 : i32 to index
          %swap3A_1967 = arith.constant 64 : index
          %swap3A_1968 = tpu.vector_load %arg10[%swap3A_1966, %swap3A_1967] {strides = array<i32>} : memref<80x128xf32, #tpu.memory_space<vmem>>, vector<1x16xf32>,
          %swap3A_1969 = vector.shape_cast %swap3A_1968 : vector<1x16xf32> to vector<16xf32>
          %swap3A_1970 = vector.shape_cast %mul3A_1963 : vector<16xf32> to vector<1x16xf32>
          tpu.vector_store %arg10[%swap3A_1966, %swap3A_1967], %swap3A_1970 {strides = array<i32>} : memref<80x128xf32, #tpu.memory_space<vmem>>, vector<1x16xf32>,
          %add3A_1971 = arith.constant 15 : i32
          %add3A_1972 = arith.addi %mul3A_66, %add3A_1971 : i32
          %get3A_1973 = arith.index_cast %add3A_1972 : i32 to index
          %get3A_1974 = arith.constant 80 : index
          %get3A_1975 = tpu.vector_load %arg10[%get3A_1973, %get3A_1974] {strides = array<i32>} : memref<80x128xf32, #tpu.memory_space<vmem>>, vector<1x16xf32>,
          %get3A_1976 = vector.shape_cast %get3A_1975 : vector<1x16xf32> to vector<16xf32>
          %mul3A_1977 = vector.broadcast %squeeze3A_1895 : f32 to vector<16xf32>
          %mul3A_1978 = arith.mulf %get3A_1976, %mul3A_1977 : vector<16xf32>
          %add3A_1979 = arith.constant 15 : i32
          %add3A_1980 = arith.addi %mul3A_66, %add3A_1979 : i32
          %swap3A_1981 = arith.index_cast %add3A_1980 : i32 to index
          %swap3A_1982 = arith.constant 80 : index
          %swap3A_1983 = tpu.vector_load %arg10[%swap3A_1981, %swap3A_1982] {strides = array<i32>} : memref<80x128xf32, #tpu.memory_space<vmem>>, vector<1x16xf32>,
          %swap3A_1984 = vector.shape_cast %swap3A_1983 : vector<1x16xf32> to vector<16xf32>
          %swap3A_1985 = vector.shape_cast %mul3A_1978 : vector<16xf32> to vector<1x16xf32>
          tpu.vector_store %arg10[%swap3A_1981, %swap3A_1982], %swap3A_1985 {strides = array<i32>} : memref<80x128xf32, #tpu.memory_space<vmem>>, vector<1x16xf32>,
          %add3A_1986 = arith.constant 15 : i32
          %add3A_1987 = arith.addi %mul3A_66, %add3A_1986 : i32
          %get3A_1988 = arith.index_cast %add3A_1987 : i32 to index
          %get3A_1989 = arith.constant 96 : index
          %get3A_1990 = tpu.vector_load %arg10[%get3A_1988, %get3A_1989] {strides = array<i32>} : memref<80x128xf32, #tpu.memory_space<vmem>>, vector<1x16xf32>,
          %get3A_1991 = vector.shape_cast %get3A_1990 : vector<1x16xf32> to vector<16xf32>
          %mul3A_1992 = vector.broadcast %squeeze3A_1895 : f32 to vector<16xf32>
          %mul3A_1993 = arith.mulf %get3A_1991, %mul3A_1992 : vector<16xf32>
          %add3A_1994 = arith.constant 15 : i32
          %add3A_1995 = arith.addi %mul3A_66, %add3A_1994 : i32
          %swap3A_1996 = arith.index_cast %add3A_1995 : i32 to index
          %swap3A_1997 = arith.constant 96 : index
          %swap3A_1998 = tpu.vector_load %arg10[%swap3A_1996, %swap3A_1997] {strides = array<i32>} : memref<80x128xf32, #tpu.memory_space<vmem>>, vector<1x16xf32>,
          %swap3A_1999 = vector.shape_cast %swap3A_1998 : vector<1x16xf32> to vector<16xf32>
          %swap3A_2000 = vector.shape_cast %mul3A_1993 : vector<16xf32> to vector<1x16xf32>
          tpu.vector_store %arg10[%swap3A_1996, %swap3A_1997], %swap3A_2000 {strides = array<i32>} : memref<80x128xf32, #tpu.memory_space<vmem>>, vector<1x16xf32>,
          %add3A_2001 = arith.constant 15 : i32
          %add3A_2002 = arith.addi %mul3A_66, %add3A_2001 : i32
          %get3A_2003 = arith.index_cast %add3A_2002 : i32 to index
          %get3A_2004 = arith.constant 112 : index
          %get3A_2005 = tpu.vector_load %arg10[%get3A_2003, %get3A_2004] {strides = array<i32>} : memref<80x128xf32, #tpu.memory_space<vmem>>, vector<1x16xf32>,
          %get3A_2006 = vector.shape_cast %get3A_2005 : vector<1x16xf32> to vector<16xf32>
          %mul3A_2007 = vector.broadcast %squeeze3A_1895 : f32 to vector<16xf32>
          %mul3A_2008 = arith.mulf %get3A_2006, %mul3A_2007 : vector<16xf32>
          %add3A_2009 = arith.constant 15 : i32
          %add3A_2010 = arith.addi %mul3A_66, %add3A_2009 : i32
          %swap3A_2011 = arith.index_cast %add3A_2010 : i32 to index
          %swap3A_2012 = arith.constant 112 : index
          %swap3A_2013 = tpu.vector_load %arg10[%swap3A_2011, %swap3A_2012] {strides = array<i32>} : memref<80x128xf32, #tpu.memory_space<vmem>>, vector<1x16xf32>,
          %swap3A_2014 = vector.shape_cast %swap3A_2013 : vector<1x16xf32> to vector<16xf32>
          %swap3A_2015 = vector.shape_cast %mul3A_2008 : vector<16xf32> to vector<1x16xf32>
          tpu.vector_store %arg10[%swap3A_2011, %swap3A_2012], %swap3A_2015 {strides = array<i32>} : memref<80x128xf32, #tpu.memory_space<vmem>>, vector<1x16xf32>,
          %scan3A_2016 = arith.constant 0 : i32
          scf.yield %scan3A_2016 : i32
        }
        %scan3A_56 = arith.constant 5 : i32
        "tpu.region"() ({
          %run_scoped3A = tpu.sem_alloc : memref<!tpu.dma_semaphore, #tpu.memory_space<semaphore_mem>>
          %dma_start3A_58 = arith.constant 0 : i32
          %dma_start3A_59 = tpu.memref_slice %arg8[%scan3A_38, %dma_start3A_58] : memref<25x80xi32, #tpu.memory_space<vmem>> -> memref<1x80xi32, #tpu.memory_space<vmem>>
          %dma_start3A_60 = tpu.memref_squeeze %dma_start3A_59 : memref<1x80xi32, #tpu.memory_space<vmem>> -> memref<80xi32, #tpu.memory_space<vmem>>
          %dma_start3A_61 = arith.constant 0 : i32
          %dma_start3A_62 = arith.constant 0 : i32
          %dma_start3A_63 = tpu.memref_slice %arg12[%dma_start3A_61, %dma_start3A_62] : memref<10240x128xf32, #tpu.memory_space<vmem_shared>> -> memref<10240x128xf32, #tpu.memory_space<vmem_shared>>
          tpu.enqueue_indirect_dma source(%arg10 : memref<80x128xf32, #tpu.memory_space<vmem>>) target(%dma_start3A_63 : memref<10240x128xf32, #tpu.memory_space<vmem_shared>>) offsets(%dma_start3A_60 : memref<80xi32, #tpu.memory_space<vmem>>) semaphore(%run_scoped3A : memref<!tpu.dma_semaphore, #tpu.memory_space<semaphore_mem>>) {add = true}
          %dma_wait3A_64 = arith.constant 0 : i32
          %dma_wait3A_65 = tpu.memref_slice %arg8[%scan3A_38, %dma_wait3A_64] : memref<25x80xi32, #tpu.memory_space<vmem>> -> memref<1x80xi32, #tpu.memory_space<vmem>>
          %dma_wait3A_66 = tpu.memref_squeeze %dma_wait3A_65 : memref<1x80xi32, #tpu.memory_space<vmem>> -> memref<80xi32, #tpu.memory_space<vmem>>
          %dma_wait3A_67 = arith.constant 0 : i32
          %dma_wait3A_68 = arith.constant 0 : i32
          %dma_wait3A_69 = tpu.memref_slice %arg12[%dma_wait3A_67, %dma_wait3A_68] : memref<10240x128xf32, #tpu.memory_space<vmem_shared>> -> memref<10240x128xf32, #tpu.memory_space<vmem_shared>>
          tpu.wait_indirect_dma semaphore(%run_scoped3A : memref<!tpu.dma_semaphore, #tpu.memory_space<semaphore_mem>>) src(%arg10 : memref<80x128xf32, #tpu.memory_space<vmem>>) dst(%dma_wait3A_69 : memref<10240x128xf32, #tpu.memory_space<vmem_shared>>)
          tpu.yield
        }) : () -> ()
        %scan3A_57 = arith.constant 0 : i32
        scf.yield %scan3A_57 : i32
      }
      %scan3A_36 = arith.constant 25 : i32
      %scan3A_37 = arith.constant 0 : i32
      scf.yield %scan3A_37 : i32
    }
    %scan3A_21 = arith.constant 5 : i32
    %barrier3A_22 = arith.constant 0 : index
    tpu.barrier barrier_id(%barrier3A_22)
    %mul3A_23 = arith.constant 640 : i32
    %mul3A_24 = arith.muli %arg1, %mul3A_23 : i32
    "tpu.region"() ({
      %run_scoped3A = tpu.sem_alloc : memref<!tpu.dma_semaphore, #tpu.memory_space<semaphore_mem>>
      %dma_start3A = arith.constant 0 : i32
      %dma_start3A_25 = tpu.memref_slice %arg6[%arg0, %mul3A_24, %dma_start3A] : memref<2x10240x128xf32, #tpu.memory_space<hbm>> -> memref<1x640x128xf32, #tpu.memory_space<hbm>>
      %dma_start3A_26 = tpu.memref_squeeze %dma_start3A_25 : memref<1x640x128xf32, #tpu.memory_space<hbm>> -> memref<640x128xf32, #tpu.memory_space<hbm>>
      %dma_start3A_27 = arith.constant 0 : i32
      %dma_start3A_28 = tpu.memref_slice %arg12[%mul3A_24, %dma_start3A_27] : memref<10240x128xf32, #tpu.memory_space<vmem_shared>> -> memref<640x128xf32, #tpu.memory_space<vmem_shared>>
      tpu.enqueue_dma source(%dma_start3A_28 : memref<640x128xf32, #tpu.memory_space<vmem_shared>>) target(%dma_start3A_26 : memref<640x128xf32, #tpu.memory_space<hbm>>) target_semaphore(%run_scoped3A : memref<!tpu.dma_semaphore, #tpu.memory_space<semaphore_mem>>)
      %dma_wait3A = arith.constant 0 : i32
      %dma_wait3A_29 = tpu.memref_slice %arg6[%arg0, %mul3A_24, %dma_wait3A] : memref<2x10240x128xf32, #tpu.memory_space<hbm>> -> memref<1x640x128xf32, #tpu.memory_space<hbm>>
      %dma_wait3A_30 = tpu.memref_squeeze %dma_wait3A_29 : memref<1x640x128xf32, #tpu.memory_space<hbm>> -> memref<640x128xf32, #tpu.memory_space<hbm>>
      %dma_wait3A_31 = arith.constant 0 : i32
      %dma_wait3A_32 = tpu.memref_slice %arg12[%mul3A_24, %dma_wait3A_31] : memref<10240x128xf32, #tpu.memory_space<vmem_shared>> -> memref<640x128xf32, #tpu.memory_space<vmem_shared>>
      tpu.wait_dma2 semaphore(%run_scoped3A : memref<!tpu.dma_semaphore, #tpu.memory_space<semaphore_mem>>) src(%dma_wait3A_32 : memref<640x128xf32, #tpu.memory_space<vmem_shared>>) dst(%dma_wait3A_30 : memref<640x128xf32, #tpu.memory_space<hbm>>)
      tpu.yield
    }) : () -> ()
    return
  }
}

module attributes {stable_mosaic.version = 14 : i64} {
  func.func @body(%arg0: i32, %arg1: memref<2x400x128xf32, #tpu.memory_space<vmem>>, %arg2: memref<400x1xf32, #tpu.memory_space<vmem>>, %arg3: memref<400x128xf32, #tpu.memory_space<vmem>>) attributes {dimension_semantics = [#tpu.dimension_semantics<arbitrary>], iteration_bounds = array<i64: 25>, scalar_prefetch = 0 : i64, scratch_operands = 0 : i64, tpu.core_type = #tpu.core_type<tc>, window_params = [{transform_indices = @transform_0, window_bounds = array<i64: 2, 400, 128>}, {transform_indices = @transform_1, window_bounds = array<i64: 400, 1>}, {transform_indices = @transform_2, window_bounds = array<i64: 400, 128>}]} {
    %get3A = arith.constant 0 : index
    %get3A_0 = arith.constant 0 : index
    %get3A_1 = arith.constant 0 : index
    %get3A_2 = vector.load %arg1[%get3A, %get3A_0, %get3A_1] : memref<2x400x128xf32, #tpu.memory_space<vmem>>, vector<1x400x128xf32>
    %get3A_3 = vector.shape_cast %get3A_2 : vector<1x400x128xf32> to vector<400x128xf32>
    %get3A_4 = arith.constant 1 : index
    %get3A_5 = arith.constant 0 : index
    %get3A_6 = arith.constant 0 : index
    %get3A_7 = vector.load %arg1[%get3A_4, %get3A_5, %get3A_6] : memref<2x400x128xf32, #tpu.memory_space<vmem>>, vector<1x400x128xf32>
    %get3A_8 = vector.shape_cast %get3A_7 : vector<1x400x128xf32> to vector<400x128xf32>
    %add3A = arith.addf %get3A_3, %get3A_8 : vector<400x128xf32>
    %get3A_9 = arith.constant 0 : index
    %get3A_10 = arith.constant 0 : index
    %get3A_11 = vector.load %arg2[%get3A_9, %get3A_10] : memref<400x1xf32, #tpu.memory_space<vmem>>, vector<400x1xf32>
    %add3A_12 = vector.broadcast %get3A_11 : vector<400x1xf32> to vector<400x128xf32>
    %add3A_13 = arith.addf %add3A, %add3A_12 : vector<400x128xf32>
    %swap3A = arith.constant 0 : index
    %swap3A_14 = arith.constant 0 : index
    %swap3A_15 = vector.load %arg3[%swap3A, %swap3A_14] : memref<400x128xf32, #tpu.memory_space<vmem>>, vector<400x128xf32>
    tpu.vector_store %arg3[%swap3A, %swap3A_14], %add3A_13 {strides = array<i32>} : memref<400x128xf32, #tpu.memory_space<vmem>>, vector<400x128xf32>,
    return
  }
  func.func @transform_0(%arg0: i32) -> (i32, i32, i32) {
    %c0_i32 = arith.constant 0 : i32
    %c0_i32_0 = arith.constant 0 : i32
    %c0_i32_1 = arith.constant 0 : i32
    return %c0_i32, %arg0, %c0_i32_0 : i32, i32, i32
  }
  func.func @transform_1(%arg0: i32) -> (i32, i32) {
    %c0_i32 = arith.constant 0 : i32
    %c0_i32_0 = arith.constant 0 : i32
    return %arg0, %c0_i32 : i32, i32
  }
  func.func @transform_2(%arg0: i32) -> (i32, i32) {
    %c0_i32 = arith.constant 0 : i32
    %c0_i32_0 = arith.constant 0 : i32
    return %arg0, %c0_i32 : i32, i32
  }
}

</mosaic_0001>

<sc_bundles>
// kernel: kernel.4.cloned.1.call-start
scs
__scs_entry_jumppad:
0x0: {  	(pc) =	sbr.rel $0x88, $3  }
0x1: {  	(tag) =	ssettag $0x0;
	lr =	simm.s32 $0x1  }
0x2: {  	[smem:$0x3F9D] =	sst lr;
	_ =	strace $0xD0000000  }
0x3: {  	_ = 	snop  }
0x4: {  	_ = 	snop  }
0x5: {  	_ = 	snop  }
0x6: {  	_ = 	snop  }
0x7: {  	_ = 	snop  }
__scs_overlays_trampoline_lowered:
0x8: {  	[smem:$0x3FAC] =	sst s0  }
0x9: {  	[smem:$0x3FAD] =	sst s1  }
0xa: {  	[smem:$0x3FAE] =	sst s2  }
0xb: {  	[smem:$0x3FAF] =	sst s3  }
0xc: {  	[smem:$0x3FB0] =	sst s4  }
0xd: {  	[smem:$0x3FB1] =	sst s5  }
0xe: {  	[smem:$0x3FB2] =	sst s6  }
0xf: {  	[smem:$0x3FB3] =	sst s7  }
0x10: {  	[smem:$0x3FB4] =	sst s8  }
0x11: {  	[smem:$0x3FB5] =	sst s9;
	s0 =	simm.s32 @!p0 $0x0  }
0x12: {  	s1 =	sld [smem:$0x3F9B];
	s0 =	simm.s32 @p0 $0x1  }
0x13: {  	[smem:$0x3FB6] =	sst s0;
	s0 =	simm.s32 @!p1 $0x0  }
0x14: {  	s2 =	sld [smem:$0x3F9A];
	s0 =	simm.s32 @p1 $0x1  }
0x15: {  	[smem:$0x3FB7] =	sst s0;
	s0 =	simm.s32 @!p2 $0x0  }
0x16: {  	s3 =	sld [smem:$0x3FDB];
	s0 =	simm.s32 @p2 $0x1  }
0x17: {  	s4 =	simm.s32 $0x1BF5;
	[smem:$0x3FB9] =	sst s0  }
0x18: {  	s0 =	sld [smem:$0x3F9C];
	_ =	swait.ge [sflag:s4], $0x0  }
0x19: {  	s7 =	sld [smem:$0x3F9D]  }
0x1a: {  	s8 =	sadd.s32 $0xFFFFE003, lr  }
0x1b: {  	s9 =	sadd.s32 $0xFFFFFEF7, lr;
	s5 =	simm.s32 $0xFFFFFFFF;
	p2 =	slt.u32 s8, $0xFFFFF086  }
0x1c: {  	p1 =	slt.u32 s9, $0xF7A;
	s5 =	simm.s32 @!p2 $0x0  }
0x1d: {  	s5 =	simm.s32 @p1 $0x1;
	p0 =	seq.s32 s7, s2  }
0x1e: {  	s7 =	smul.u32 @!p0 $0xF7A, s2;
	p2 =	seq.s32 @!p0 s5, $0x0  }
0x1f: {  	s9 =	smul.u32 $0xF7A, s1;
	s8 =	simm.s32 @!p0 $0x1BF5;
	p2 =	por !p2, p0  }
0x20: {  	[sflag:s8] =	ssyncset.s32 @!p0 $0xFFFFF086;
	s6 =	sadd.s32 @!p0 s3, s7;
	s7 =	simm.s32 @!p0 $0x108  }
0x21: {  	s3 =	sadd.s32 s3, s9;
	s6 =	sadd.s32 @!p0 $0x88, s6;
	s7 =	simm.s32 @p2 $0x1082  }
0x22: {  	[simem:s7], [sflag:s8] =	dma.local @!p0 [hbm:s6], $0xF7A  }
0x23: {  	s9 =	sor.u32 $0xD0000000, s2;
	s6 =	simm.s32 $0x108;
	_ =	swait.ge @!p0 [sflag:s8], $0x0  }
0x24: {  	s3 =	sadd.s32 $0x88, s3;
	s6 =	simm.s32 @!p1 $0x1082;
	[sflag:s4] =	ssyncset.s32 $0xFFFFF086  }
0x25: {  	[simem:s6], [sflag:s4] =	dma.local [hbm:s3], $0xF7A  }
0x26: {  	[smem:$0x3F9D] =	sst s1;
	(tag) =	ssettag s2;
	_ =	strace s9  }
0x27: {  	s1 =	sld [smem:$0x3FAD]  }
0x28: {  	s2 =	sld [smem:$0x3FAE]  }
0x29: {  	s4 =	sld [smem:$0x3FB0]  }
0x2a: {  	p0 =	seq.s32 s5, $0x0;
	s5 =	sld [smem:$0x3FB1]  }
0x2b: {  	s6 =	sld [smem:$0x3FB2]  }
0x2c: {  	s7 =	sld [smem:$0x3FB3]  }
0x2d: {  	s3 =	simm.s32 $0x108;
	s8 =	sld [smem:$0x3FB4]  }
0x2e: {  	s3 =	simm.s32 @!p0 $0x1082;
	s9 =	sld [smem:$0x3FB5]  }
0x2f: {  	lr =	sadd.s32 s0, s3;
	s0 =	sld [smem:$0x3FAC]  }
0x30: {  	s3 =	sld [smem:$0x3FAF]  }
0x31: {  	[smem:$0x3FB8] =	sst s10  }
0x32: {  	s10 =	sld [smem:$0x3FB6];
	_ =	sdelay $0x3  }
0x33: {  	p0 =	seq.s32 s10, $0x1;
	s10 =	sld [smem:$0x3FB8];
	_ =	sdelay $0x3  }
0x34: {  	[smem:$0x3FB8] =	sst s10  }
0x35: {  	s10 =	sld [smem:$0x3FB7];
	_ =	sdelay $0x3  }
0x36: {  	p1 =	seq.s32 s10, $0x1;
	s10 =	sld [smem:$0x3FB8];
	_ =	sdelay $0x3  }
0x37: {  	[smem:$0x3FB8] =	sst s10  }
0x38: {  	s10 =	sld [smem:$0x3FB9]  }
0x39: {  	_ = 	snop;
	(pc) =	sbr.ind lr, $3  }
0x3a: {  	_ = 	snop  }
0x3b: {  	_ = 	snop  }
0x3c: {  	p2 =	seq.s32 s10, $0x1;
	s10 =	sld [smem:$0x3FB8]  }
0x3d: {  	_ =	shalt  }
0x3e: {  	_ =	shalt  }
0x3f: {  	_ =	shalt  }
0x40: {  	_ =	shalt  }
0x41: {  	_ =	shalt  }
0x42: {  	_ =	shalt  }
0x43: {  	_ =	shalt  }
0x44: {  	_ =	shalt  }
0x45: {  	_ =	shalt  }
0x46: {  	_ =	shalt  }
0x47: {  	_ =	shalt  }
0x48: {  	_ =	shalt  }
0x49: {  	_ =	shalt  }
0x4a: {  	_ =	shalt  }
0x4b: {  	_ =	shalt  }
0x4c: {  	_ =	shalt  }
0x4d: {  	_ =	shalt  }
0x4e: {  	_ =	shalt  }
0x4f: {  	_ =	shalt  }
0x50: {  	_ =	shalt  }
0x51: {  	_ =	shalt  }
0x52: {  	_ =	shalt  }
0x53: {  	_ =	shalt  }
0x54: {  	_ =	shalt  }
0x55: {  	_ =	shalt  }
0x56: {  	_ =	shalt  }
0x57: {  	_ =	shalt  }
0x58: {  	_ =	shalt  }
0x59: {  	_ =	shalt  }
0x5a: {  	_ =	shalt  }
0x5b: {  	_ =	shalt  }
0x5c: {  	_ =	shalt  }
0x5d: {  	_ =	shalt  }
0x5e: {  	_ =	shalt  }
0x5f: {  	_ =	shalt  }
0x60: {  	_ =	shalt  }
0x61: {  	_ =	shalt  }
0x62: {  	_ =	shalt  }
0x63: {  	_ =	shalt  }
0x64: {  	_ =	shalt  }
0x65: {  	_ =	shalt  }
0x66: {  	_ =	shalt  }
0x67: {  	_ =	shalt  }
0x68: {  	_ =	shalt  }
0x69: {  	_ =	shalt  }
0x6a: {  	_ =	shalt  }
0x6b: {  	_ =	shalt  }
0x6c: {  	_ =	shalt  }
0x6d: {  	_ =	shalt  }
0x6e: {  	_ =	shalt  }
0x6f: {  	_ =	shalt  }
0x70: {  	_ =	shalt  }
0x71: {  	_ =	shalt  }
0x72: {  	_ =	shalt  }
0x73: {  	_ =	shalt  }
0x74: {  	_ =	shalt  }
0x75: {  	_ =	shalt  }
0x76: {  	_ =	shalt  }
0x77: {  	_ =	shalt  }
0x78: {  	_ =	shalt  }
0x79: {  	_ =	shalt  }
0x7a: {  	_ =	shalt  }
0x7b: {  	_ =	shalt  }
0x7c: {  	_ =	shalt  }
0x7d: {  	_ =	shalt  }
0x7e: {  	_ =	shalt  }
0x7f: {  	_ =	shalt  }
0x80: {  	_ =	shalt  }
0x81: {  	_ =	shalt  }
0x82: {  	_ =	shalt  }
0x83: {  	_ =	shalt  }
0x84: {  	_ =	shalt  }
0x85: {  	_ =	shalt  }
0x86: {  	_ =	shalt  }
0x87: {  	_ =	shalt  }
.Lfunc_end0:
.L_simem_size_0:
called_computation_lowered:
.L_overlay_start_0:
0x88: {  	s2 =	sld [smem:$0x3FD9]  }
0x89: {  	s3 =	sld [smem:$0x3FFE];
	_ =	sdelay $0x1  }
0x8a: {  	s1 =	srdreg.scid  }
0x8b: {  	s0 =	sand.u32 $0x1, s1  }
0x8c: {  	s17 =	sshll.u32 s0, $0xA;
	s2 =	sadd.s32 s3, s2  }
0x8d: {  	s2 =	sadd.s32 s2, s17  }
0x8e: {  	[smem:$0x3FC4] =	sst s2  }
0x8f: {  	_ = 	snop  }
0x90: {  	s2 =	sld [smem:$0x3FC9]  }
0x91: {  	s18 =	sld [smem:$0x3FC7]  }
0x92: {  	s4 =	sld [smem:$0x3FD0];
	(tm) =	ssettm $0x1  }
0x93: {  	s5 =	sld [smem:$0x3FFB];
	_ =	sdelay $0x3  }
0x94: {  	_ =	strace s5  }
0x95: {  	s5 =	sld [smem:$0x3FFC];
	_ =	sdelay $0x3  }
0x96: {  	_ =	strace s5  }
0x97: {  	s5 =	sld [smem:$0x3FFD];
	_ =	sdelay $0x3  }
0x98: {  	_ =	strace s5  }
0x99: {  	_ =	strace $0x8FFFFFFF  }
0x9a: {  	s19 =	sld [smem:$0x3FDB];
	_ =	sdelay $0x1  }
0x9b: {  	s6 =	simm.s32 $_scs_section_size  }
0x9c: {  	s7 =	simm.s32 $_size__tile_overlayer_lowered;
	s8 =	simm.s32 $_tile_overlayer_lowered  }
0x9d: {  	s22 =	simm.s32 $0x1BFF;
	s21 =	sshll.u32 s8, $0x1;
	s5 =	sadd.s32 s6, s19  }
0x9e: {  	s9 =	simm.s32 $0x0;
	s20 =	sshll.u32 s7, $0x1;
	s7 =	sadd.s32 s21, s5  }
0x9f: {  	[timem:s9], [sflag:s22] =	dma.local [hbm:s7], s20  }
0xa0: {  	_ =	swait.ge [sflag:s22], s20  }
0xa1: {  	s6 =	ssub.s32 $0x0, s20;
	[sflag:s22] =	ssyncset.done $0x0  }
0xa2: {  	[sflag:s22] =	ssyncadd.s32 s6;
	_ =	sdelay $0x1  }
0xa3: {  	s23 =	simm.s32 $0x1B8B  }
0xa4: {  	_ =	swait.ge [sflag:s23], $0x1  }
0xa5: {  	[sflag:s23] =	ssyncset.done $0x0  }
0xa6: {  	s25 =	simm.s32 $0x1B8E;
	s24 =	sld [smem:$0x3FFE];
	[sflag:s23] =	ssyncadd.s32 $0xFFFFFFFF  }
0xa7: {  	s26 =	simm.s32 $execute0_lowered;
	[smem:$0x3FD2] =	sst s25  }
0xa8: {  	s7 =	sshll.u32 s26, $0x1;
	_ =	strace $0x80000046;
	[dreg:$0x1] =	wrdreg $0xFFFFFFFF  }
0xa9: {  	s28 =	simm.s32 $_size_execute0_lowered;
	s5 =	sadd.s32 s5, s7;
	[dreg:$0x0] =	wrdreg $0x0  }
0xaa: {  	s7 =	sshll.u32 s28, $0x1;
	[dreg:$0x2] =	wrdreg s5  }
0xab: {  	[dreg:$0x3] =	wrdreg s7  }
0xac: {  	[dreg:$0x4] =	wrdreg $0xC0  }
0xad: {  	_ =	task [dreg:s9], $0x5FFFF  }
0xae: {  	[dreg:$0x1] =	wrdreg $0xFFFFFFFF  }
0xaf: {  	[dreg:$0x0] =	wrdreg $0x60  }
0xb0: {  	[dreg:$0x2] =	wrdreg s2  }
0xb1: {  	[dreg:$0x3] =	wrdreg s24  }
0xb2: {  	[dreg:$0x4] =	wrdreg s4  }
0xb3: {  	[dreg:$0x5] =	wrdreg s18  }
0xb4: {  	[dreg:$0x6] =	wrdreg $0x47700  }
0xb5: {  	[dreg:$0x7] =	wrdreg $0x9  }
0xb6: {  	_ =	task.clear_ibuf [dreg:s9], $0x8FFFF;
	_ =	strace $0x90000046  }
0xb7: {  	s29 =	simm.s32 $0x9;
	_ =	strace $0x80000048  }
0xb8: {  	_ =	swait.ge [sflag:s29], $0x1  }
0xb9: {  	[sflag:s29] =	ssyncadd.s32 $0xFFFFFFFF  }
0xba: {  	_ =	strace $0x90000048  }
0xbb: {  	_ =	sfence  }
0xbc: {  	s30 =	sld [smem:$0x0];
	_ =	sdelay $0x2  }
0xbd: {  	s31 =	sshll.u32 s1, $0xD;
	s1 =	sshrl.u32 s1, $0x2  }
0xbe: {  	s3 =	sand.u32 $0x4000, s31;
	s1 =	sadd.s32 s1, s30  }
0xbf: {  	s0 =	sor.u32 s3, s0;
	s1 =	sshll.u32 s1, $0x11  }
0xc0: {  	s0 =	sor.u32 s1, s0  }
0xc1: {  	s0 =	sadd.s32 $0x8F2B, s0  }
0xc2: {  	[sflag:s0] =	ssyncadd.remote.s32 $0x1  }
0xc3: {  	_ =	sfence.sel $0xFFFF  }
0xc4: {  	[dreg:$0x0] =	wrdreg $0xFFFFFFFF;
	(pc) =	sbr.abs _section_cstart, $3  }
0xc5: {  	[dreg:$0x1] =	wrdreg $0xFFFFFFFF  }
0xc6: {  	_ =	task.clear_ibuf [dreg:s9], $0x2FFFF;
	_ =	strace $0x9FFFFFFF  }
0xc7: {  	(tm) =	ssettm $0x7FFFFFFF  }
tec
execute0_lowered:
.L_overlay_start_1:
0x0: {  	(tag) =	ssettag $0x1  }
0x1: {  	s0 =	rddreg [dreg:$0x0]  }
0x2: {  	s2 =	rddreg [dreg:$0x1]  }
0x3: {  	s3 =	rddreg [dreg:$0x2]  }
0x4: {  	s5 =	rddreg [dreg:$0x3]  }
0x5: {  	s6 =	rddreg [dreg:$0x4]  }
0x6: {  	s1 =	srdreg.scid;
	s4 =	rddreg [dreg:$0x5]  }
0x7: {  	s7 =	simm.s32 $0x0;
	s15 =	simm.s32 $0xFA0;
	s8 =	sand.u32 $0x1, s1  }
0x8: {  	s16 =	simm.s32 $0x50;
	s1 =	stileid.u32;
	s9 =	smul.u32 $0x140000, s8  }
0x9: {  	s17 =	simm.s32 $0x1770;
	s18 =	simm.s32 $0x1;
	s11 =	smul.u32 $0x14000, s1  }
0xa: {  	[smem:$0x7FF] =	sst s7;
	s10 =	smul.u32 $0x50000, s1;
	s30 =	ssub.s32 $0x2, s8  }
0xb: {  	_ =	strace $0x80000047;
	s14 =	sshll.u32 s1, $0x1;
	s13 =	sshrl.u32 s30, $0x1  }
0xc: {  	s31 =	sor.u32 s8, s14;
	s14 =	simm.s32 $0x7D0;
	s9 =	sadd.s32 s11, s9  }
0xd: {  	s10 =	sshrl.u32 s10, $0x2;
	s13 =	ssub.s32 s30, s13;
	s19 =	sadd.s32 s11, s6  }
0xe: {  	s9 =	sshrl.u32 s9, $0x3;
	s8 =	sadd.s32 s10, s6;
	s11 =	smax.u32 s13, $0x1  }
0xf: {  	s13 =	simm.s32 $0x2;
	s19 =	sshrl.u32 s19, $0x3;
	s12 =	sadd.s32 s9, s2  }
0x10: {  	v0 =	vimm.f32 $0.0e+00;
	s9 =	smul.u32 $0x5, s31;
	s10 =	sadd.s32 $0x9E00, s12;
	s12 =	simm.s32 $0x3F70  }
.LBB2_1:
0x11: {  	s20 =	simm.s32 $0x0;
	s21 =	simm.s32 $0x200  }
.LBB2_2:
0x12: {  	p0 =	sne.s32 s21, $0x1E00;
	[tilespmem:s20+$0x3FE0] =	vst v0  }
0x13: {  	[tilespmem:s20+$0x3F70] =	vst v0  }
0x14: {  	[tilespmem:s20+$0x3F80] =	vst v0  }
.Ltmp0:
0x15: {  	[tilespmem:s20+$0x3F90] =	vst v0;
	(pc) =	sbr.rel @p0 .LBB2_2-.Ltmp0, $4  }
0x16: {  	[tilespmem:s20+$0x3FA0] =	vst v0  }
0x17: {  	[tilespmem:s20+$0x3FB0] =	vst v0  }
0x18: {  	[tilespmem:s20+$0x3FC0] =	vst v0  }
0x19: {  	[tilespmem:s20+$0x3FD0] =	vst v0;
	s20 =	sshra.s32 s21, $0x2;
	s21 =	sadd.s32 $0x200, s21  }
0x1a: {  	[tilespmem:s20+$0x3FE0] =	vst v0  }
0x1b: {  	[tilespmem:s20+$0x3F70] =	vst v0  }
0x1c: {  	[tilespmem:s20+$0x3F80] =	vst v0  }
0x1d: {  	[tilespmem:s20+$0x3F90] =	vst v0  }
0x1e: {  	[tilespmem:s20+$0x3FA0] =	vst v0  }
0x1f: {  	[tilespmem:s20+$0x3FB0] =	vst v0  }
0x20: {  	[tilespmem:s20+$0x3FC0] =	vst v0  }
0x21: {  	[tilespmem:s20+$0x3FD0] =	vst v0;
	s31 =	sadd.s32 $0x0, s8  }
0x22: {  	[spmem:s31] =	stream.linear.scatter [tilespmem:s12], [sflag:$0x2], $0x800, $0x38;
	[tilespmem:$0x18770] =	vst v63  }
0x23: {  	s20 =	simm.s32 $0x2000;
	_ =	swait.ge [sflag:s13], $0x800  }
.LBB2_4:
0x24: {  	s21 =	sshra.s32 s20, $0x2;
	[sflag:s13] =	ssyncset.done $0x0;
	p0 =	sne.s32 s20, $0x4E000  }
.Ltmp1:
0x25: {  	s21 =	sadd.s32 s21, s8;
	[sflag:s13] =	ssyncadd.s32 $0xFFFFF800;
	(pc) =	sbr.rel @p0 .LBB2_4-.Ltmp1, $3  }
0x26: {  	[spmem:s21] =	stream.linear.scatter [tilespmem:s12], [sflag:$0x2], $0x800, $0x38;
	[tilespmem:$0x18770] =	vst v63  }
0x27: {  	s20 =	sadd.s32 $0x2000, s20;
	_ =	sdelay $0x1  }
0x28: {  	_ =	swait.ge [sflag:s13], $0x800  }
0x29: {  	[sflag:s13] =	ssyncset.done $0x0  }
0x2a: {  	[sflag:s13] =	ssyncadd.s32 $0xFFFFF800  }
0x2b: {  	s20 =	simm.s32 $0x0;
	s21 =	simm.s32 $0x0;
	[bflag:$0x0] =	sbarrier.arrive $0xFFFF  }
.LBB2_6:
0x2c: {  	s22 =	sadd.s32 s9, s21  }
0x2d: {  	s22 =	smul.u32 $0xFA, s22;
	_ =	sdelay $0x1  }
0x2e: {  	s23 =	sadd.s32 s2, s22  }
0x2f: {  	[tilespmem:s20], [sflag:$0x2] =	stream.linear.gather [hbm4b:s23+s20], $0x7D0, $0x38;
	[tilespmem:$0x18770] =	vst v63  }
0x30: {  	_ =	swait.ge [sflag:s13], $0x7D0  }
0x31: {  	[sflag:s13] =	ssyncset.done $0x0  }
0x32: {  	s31 =	sadd.s32 s3, s22;
	[sflag:s13] =	ssyncadd.s32 $0xFFFFF830  }
0x33: {  	[tilespmem:s14], [sflag:$0x2] =	stream.linear.gather [hbm4b:s31+s20], $0x7D0, $0x38;
	[tilespmem:$0x18770] =	vst v63  }
0x34: {  	_ =	swait.ge [sflag:s13], $0x7D0  }
0x35: {  	[sflag:s13] =	ssyncset.done $0x0  }
0x36: {  	s22 =	sadd.s32 s5, s22;
	[sflag:s13] =	ssyncadd.s32 $0xFFFFF830  }
0x37: {  	[tilespmem:s15], [sflag:$0x2] =	stream.linear.gather [hbm4b:s22+s20], $0x7D0, $0x38;
	[tilespmem:$0x18770] =	vst v63  }
0x38: {  	_ =	swait.ge [sflag:s13], $0x7D0  }
0x39: {  	[sflag:s13] =	ssyncset.done $0x0  }
0x3a: {  	s22 =	simm.s32 $0x0;
	[sflag:s13] =	ssyncadd.s32 $0xFFFFF830  }
.LBB2_7:
0x3b: {  	s23 =	smul.u32 $0x50, s22;
	_ =	sdelay $0x1  }
0x3c: {  	s24 =	sadd.s32 $0xFA0, s23  }
0x3d: {  	v1 =	vmov s24  }
0x3e: {  	[tilespmem:s17], [sflag:$0x1] =	stream.indirect.gather [hbm4b:s0+s16], $0x80, s23, s16, $0xb8;
	[tilespmem:$0x18770] =	vst v63  }
0x3f: {  	_ =	swait.ge [sflag:s18], $0x2800  }
0x40: {  	s31 =	simm.s32 $0x0;
	[sflag:s18] =	ssyncset.done $0x0  }
0x41: {  	s25 =	simm.s32 $0x0;
	s24 =	sand.u32 $0x3FFFFFF0, s31;
	[sflag:s18] =	ssyncadd.s32 $0xFFFFD800  }
0x42: {  	v2 =	vld.idx.msk [tilespmem:v1+s24+$0x0 ss:$0x1], $0xffff;
	s24 =	sand.u32 $0x3FFFF800, s25  }
0x43: {  	v8 =	vld [tilespmem:s24+$0x1830]  }
0x44: {  	v4 =	vld [tilespmem:s24+$0x1790]  }
0x45: {  	v5 =	vld [tilespmem:s24+$0x17A0]  }
0x46: {  	v11 =	vld [tilespmem:s24+$0x17D0]  }
0x47: {  	v12 =	vld [tilespmem:s24+$0x17E0];
	v3 =	vbroadcast v2, $0x0  }
0x48: {  	v13 =	vld [tilespmem:s24+$0x17F0]  }
0x49: {  	v14 =	vld [tilespmem:s24+$0x1800];
	v4 =	vmul.f32 v4, v3  }
0x4a: {  	v15 =	vld [tilespmem:s24+$0x1810];
	v5 =	vmul.f32 v5, v3  }
0x4b: {  	v10 =	vld [tilespmem:s24+$0x1820];
	v21 =	vbroadcast v2, $0x1;
	v20 =	vmul.f32 v11, v3;
	[tilespmem:s24+$0x1790] =	vst v4  }
0x4c: {  	v9 =	vld [tilespmem:s24+$0x1840];
	v12 =	vmul.f32 v12, v3;
	[tilespmem:s24+$0x17A0] =	vst v5  }
0x4d: {  	v7 =	vld [tilespmem:s24+$0x1CE0];
	v13 =	vmul.f32 v13, v21;
	[tilespmem:s24+$0x17D0] =	vst v20  }
0x4e: {  	v23 =	vld [tilespmem:s24+$0x1860];
	v14 =	vmul.f32 v14, v21;
	[tilespmem:s24+$0x17E0] =	vst v12  }
0x4f: {  	v24 =	vld [tilespmem:s24+$0x1870];
	v15 =	vmul.f32 v15, v21;
	[tilespmem:s24+$0x17F0] =	vst v13  }
0x50: {  	v25 =	vld [tilespmem:s24+$0x1880];
	v10 =	vmul.f32 v10, v21;
	[tilespmem:s24+$0x1800] =	vst v14  }
0x51: {  	v22 =	vld [tilespmem:s24+$0x1850];
	v8 =	vmul.f32 v8, v21;
	[tilespmem:s24+$0x1810] =	vst v15  }
0x52: {  	v26 =	vld [tilespmem:s24+$0x1890];
	v16 =	vbroadcast v2, $0x2;
	v9 =	vmul.f32 v9, v21;
	[tilespmem:s24+$0x1820] =	vst v10  }
0x53: {  	v27 =	vld [tilespmem:s24+$0x18A0];
	v11 =	vmul.f32 v23, v21;
	[tilespmem:s24+$0x1830] =	vst v8  }
0x54: {  	v28 =	vld [tilespmem:s24+$0x18B0];
	v6 =	vbroadcast v2, $0xA;
	v30 =	vmul.f32 v24, v16;
	[tilespmem:s24+$0x1840] =	vst v9  }
0x55: {  	v29 =	vld [tilespmem:s24+$0x18C0];
	v32 =	vmul.f32 v25, v16;
	[tilespmem:s24+$0x1860] =	vst v11  }
0x56: {  	v31 =	vld [tilespmem:s24+$0x18D0];
	v4 =	vmul.f32 v7, v6;
	[tilespmem:s24+$0x1870] =	vst v30  }
0x57: {  	v33 =	vld [tilespmem:s24+$0x18E0];
	v12 =	vmul.f32 v22, v21;
	[tilespmem:s24+$0x1880] =	vst v32  }
0x58: {  	v34 =	vld [tilespmem:s24+$0x18F0];
	v10 =	vmul.f32 v26, v16;
	[tilespmem:s24+$0x1CE0] =	vst v4  }
0x59: {  	v35 =	vld [tilespmem:s24+$0x1900];
	v8 =	vmul.f32 v27, v16;
	[tilespmem:s24+$0x1850] =	vst v12  }
0x5a: {  	v36 =	vld [tilespmem:s24+$0x1910];
	v9 =	vmul.f32 v28, v16;
	[tilespmem:s24+$0x1890] =	vst v10  }
0x5b: {  	v37 =	vld [tilespmem:s24+$0x1920];
	v39 =	vbroadcast v2, $0x3;
	v11 =	vmul.f32 v31, v16;
	[tilespmem:s24+$0x18A0] =	vst v8  }
0x5c: {  	v38 =	vld [tilespmem:s24+$0x1930];
	v13 =	vmul.f32 v33, v16;
	[tilespmem:s24+$0x18B0] =	vst v9  }
0x5d: {  	v40 =	vld [tilespmem:s24+$0x1940];
	v14 =	vmul.f32 v34, v39;
	[tilespmem:s24+$0x18D0] =	vst v11  }
0x5e: {  	v41 =	vld [tilespmem:s24+$0x1950];
	v12 =	vmul.f32 v29, v16;
	[tilespmem:s24+$0x18E0] =	vst v13  }
0x5f: {  	v42 =	vld [tilespmem:s24+$0x1960];
	v10 =	vmul.f32 v35, v39;
	[tilespmem:s24+$0x18F0] =	vst v14  }
0x60: {  	v43 =	vld [tilespmem:s24+$0x1970];
	v8 =	vmul.f32 v36, v39;
	[tilespmem:s24+$0x18C0] =	vst v12  }
0x61: {  	v44 =	vld [tilespmem:s24+$0x1980];
	v9 =	vmul.f32 v37, v39;
	[tilespmem:s24+$0x1900] =	vst v10  }
0x62: {  	v45 =	vld [tilespmem:s24+$0x1990];
	v11 =	vmul.f32 v40, v39;
	[tilespmem:s24+$0x1910] =	vst v8  }
0x63: {  	v46 =	vld [tilespmem:s24+$0x19A0];
	v13 =	vmul.f32 v41, v39;
	[tilespmem:s24+$0x1920] =	vst v9  }
0x64: {  	v47 =	vld [tilespmem:s24+$0x19B0];
	v48 =	vbroadcast v2, $0x4;
	v14 =	vmul.f32 v42, v39;
	[tilespmem:s24+$0x1940] =	vst v11  }
0x65: {  	v49 =	vld [tilespmem:s24+$0x19C0];
	v12 =	vmul.f32 v38, v39;
	[tilespmem:s24+$0x1950] =	vst v13  }
0x66: {  	v50 =	vld [tilespmem:s24+$0x19D0];
	v10 =	vmul.f32 v43, v48;
	[tilespmem:s24+$0x1960] =	vst v14  }
0x67: {  	v51 =	vld [tilespmem:s24+$0x19E0];
	v8 =	vmul.f32 v44, v48;
	[tilespmem:s24+$0x1930] =	vst v12  }
0x68: {  	v52 =	vld [tilespmem:s24+$0x19F0];
	v9 =	vmul.f32 v45, v48;
	[tilespmem:s24+$0x1970] =	vst v10  }
0x69: {  	v53 =	vld [tilespmem:s24+$0x1A00];
	v11 =	vmul.f32 v47, v48;
	[tilespmem:s24+$0x1980] =	vst v8  }
0x6a: {  	v54 =	vld [tilespmem:s24+$0x1A10];
	v13 =	vmul.f32 v49, v48;
	[tilespmem:s24+$0x1990] =	vst v9  }
0x6b: {  	v55 =	vld [tilespmem:s24+$0x1A20];
	v14 =	vmul.f32 v50, v48;
	[tilespmem:s24+$0x19B0] =	vst v11  }
0x6c: {  	v56 =	vld [tilespmem:s24+$0x1A30];
	v57 =	vbroadcast v2, $0x5;
	v12 =	vmul.f32 v46, v48;
	[tilespmem:s24+$0x19C0] =	vst v13  }
0x6d: {  	v58 =	vld [tilespmem:s24+$0x1A40];
	v10 =	vmul.f32 v51, v48;
	[tilespmem:s24+$0x19D0] =	vst v14  }
0x6e: {  	v59 =	vld [tilespmem:s24+$0x1A50];
	v8 =	vmul.f32 v52, v57;
	[tilespmem:s24+$0x19A0] =	vst v12  }
0x6f: {  	v60 =	vld [tilespmem:s24+$0x1A60];
	v9 =	vmul.f32 v53, v57;
	[tilespmem:s24+$0x19E0] =	vst v10  }
0x70: {  	v61 =	vld [tilespmem:s24+$0x1A70];
	v11 =	vmul.f32 v55, v57;
	[tilespmem:s24+$0x19F0] =	vst v8  }
0x71: {  	v62 =	vld [tilespmem:s24+$0x1A80];
	v13 =	vmul.f32 v56, v57;
	[tilespmem:s24+$0x1A00] =	vst v9  }
0x72: {  	v63 =	vld [tilespmem:s24+$0x1A90];
	v14 =	vmul.f32 v58, v57;
	[tilespmem:s24+$0x1A20] =	vst v11  }
0x73: {  	v20 =	vld [tilespmem:s24+$0x1AA0];
	v12 =	vmul.f32 v54, v57;
	[tilespmem:s24+$0x1A30] =	vst v13  }
0x74: {  	v21 =	vld [tilespmem:s24+$0x1AB0];
	v22 =	vbroadcast v2, $0x6;
	v10 =	vmul.f32 v59, v57;
	[tilespmem:s24+$0x1A40] =	vst v14  }
0x75: {  	v23 =	vld [tilespmem:s24+$0x1AC0];
	v8 =	vmul.f32 v60, v57;
	[tilespmem:s24+$0x1A10] =	vst v12  }
0x76: {  	v24 =	vld [tilespmem:s24+$0x1AD0];
	v9 =	vmul.f32 v61, v22;
	[tilespmem:s24+$0x1A50] =	vst v10  }
0x77: {  	v25 =	vld [tilespmem:s24+$0x1AE0];
	v11 =	vmul.f32 v63, v22;
	[tilespmem:s24+$0x1A60] =	vst v8  }
0x78: {  	v5 =	vld [tilespmem:s24+$0x1CF0];
	v13 =	vmul.f32 v20, v22;
	[tilespmem:s24+$0x1A70] =	vst v9  }
0x79: {  	v27 =	vld [tilespmem:s24+$0x1B00];
	v14 =	vmul.f32 v21, v22;
	[tilespmem:s24+$0x1A90] =	vst v11  }
0x7a: {  	v28 =	vld [tilespmem:s24+$0x1B10];
	v12 =	vmul.f32 v62, v22;
	[tilespmem:s24+$0x1AA0] =	vst v13  }
0x7b: {  	v29 =	vld [tilespmem:s24+$0x1B20];
	v10 =	vmul.f32 v23, v22;
	[tilespmem:s24+$0x1AB0] =	vst v14  }
0x7c: {  	v31 =	vbroadcast v2, $0x7;
	v53 =	vld [tilespmem:s24+$0x1C70];
	v8 =	vmul.f32 v24, v22;
	[tilespmem:s24+$0x1A80] =	vst v12  }
0x7d: {  	v58 =	vld [tilespmem:s24+$0x1CC0];
	v9 =	vmul.f32 v25, v22;
	[tilespmem:s24+$0x1AC0] =	vst v10  }
0x7e: {  	v26 =	vld [tilespmem:s24+$0x1AF0];
	v11 =	vmul.f32 v27, v31;
	[tilespmem:s24+$0x1AD0] =	vst v8  }
0x7f: {  	v30 =	vld [tilespmem:s24+$0x1B30];
	v13 =	vmul.f32 v28, v31;
	[tilespmem:s24+$0x1AE0] =	vst v9  }
0x80: {  	v32 =	vld [tilespmem:s24+$0x1B40];
	v14 =	vmul.f32 v29, v31;
	[tilespmem:s24+$0x1B00] =	vst v11  }
0x81: {  	v33 =	vld [tilespmem:s24+$0x1B50];
	v59 =	vmul.f32 v53, v6;
	[tilespmem:s24+$0x1B10] =	vst v13  }
0x82: {  	v35 =	vld [tilespmem:s24+$0x1B70];
	v21 =	vmul.f32 v58, v6;
	[tilespmem:s24+$0x1B20] =	vst v14  }
0x83: {  	v36 =	vld [tilespmem:s24+$0x1B80];
	v12 =	vmul.f32 v26, v31;
	[tilespmem:s24+$0x1C70] =	vst v59  }
0x84: {  	v37 =	vld [tilespmem:s24+$0x1B90];
	v10 =	vmul.f32 v30, v31;
	[tilespmem:s24+$0x1CC0] =	vst v21  }
0x85: {  	v7 =	vld [tilespmem:s24+$0x1D00];
	v40 =	vbroadcast v2, $0x8;
	v8 =	vmul.f32 v32, v31;
	[tilespmem:s24+$0x1AF0] =	vst v12  }
0x86: {  	v34 =	vld [tilespmem:s24+$0x1B60];
	v9 =	vmul.f32 v33, v31;
	[tilespmem:s24+$0x1B30] =	vst v10  }
0x87: {  	v57 =	vld [tilespmem:s24+$0x1CB0];
	v11 =	vmul.f32 v35, v40;
	[tilespmem:s24+$0x1B40] =	vst v8  }
0x88: {  	v61 =	vld [tilespmem:s24+$0x1770];
	v24 =	vbroadcast v2, $0xB;
	v13 =	vmul.f32 v36, v40;
	[tilespmem:s24+$0x1B50] =	vst v9  }
0x89: {  	v4 =	vld [tilespmem:s24+$0x1F40];
	v14 =	vmul.f32 v37, v40;
	[tilespmem:s24+$0x1B70] =	vst v11  }
0x8a: {  	v38 =	vld [tilespmem:s24+$0x1BA0];
	v5 =	vmul.f32 v5, v24;
	[tilespmem:s24+$0x1B80] =	vst v13  }
0x8b: {  	v39 =	vld [tilespmem:s24+$0x1BB0];
	v7 =	vmul.f32 v7, v24;
	[tilespmem:s24+$0x1B90] =	vst v14  }
0x8c: {  	v41 =	vld [tilespmem:s24+$0x1BC0];
	v19 =	vmul.f32 v57, v6;
	[tilespmem:s24+$0x1CF0] =	vst v5  }
0x8d: {  	v43 =	vld [tilespmem:s24+$0x1BE0];
	v25 =	vmul.f32 v3, v61;
	[tilespmem:s24+$0x1D00] =	vst v7  }
0x8e: {  	v44 =	vld [tilespmem:s24+$0x1BF0];
	v12 =	vmul.f32 v34, v31;
	[tilespmem:s24+$0x1CB0] =	vst v19  }
0x8f: {  	v45 =	vld [tilespmem:s24+$0x1C00];
	v10 =	vmul.f32 v38, v40;
	[tilespmem:s24+$0x1770] =	vst v25  }
0x90: {  	v27 =	vld [tilespmem:s24+$0x1D40];
	v8 =	vmul.f32 v39, v40;
	[tilespmem:s24+$0x1B60] =	vst v12  }
0x91: {  	v49 =	vbroadcast v2, $0x9;
	v29 =	vld [tilespmem:s24+$0x1D60];
	v9 =	vmul.f32 v41, v40;
	[tilespmem:s24+$0x1BA0] =	vst v10  }
0x92: {  	v42 =	vld [tilespmem:s24+$0x1BD0];
	v11 =	vmul.f32 v43, v40;
	[tilespmem:s24+$0x1BB0] =	vst v8  }
0x93: {  	v46 =	vld [tilespmem:s24+$0x1C10];
	v13 =	vmul.f32 v44, v49;
	[tilespmem:s24+$0x1BC0] =	vst v9  }
0x94: {  	v47 =	vld [tilespmem:s24+$0x1C20];
	v14 =	vmul.f32 v45, v49;
	[tilespmem:s24+$0x1BE0] =	vst v11  }
0x95: {  	v48 =	vld [tilespmem:s24+$0x1C30];
	v32 =	vmul.f32 v27, v24;
	[tilespmem:s24+$0x1BF0] =	vst v13  }
0x96: {  	v51 =	vld [tilespmem:s24+$0x1C50];
	v7 =	vmul.f32 v29, v24;
	[tilespmem:s24+$0x1C00] =	vst v14  }
0x97: {  	v52 =	vld [tilespmem:s24+$0x1C60];
	v12 =	vmul.f32 v42, v40;
	[tilespmem:s24+$0x1D40] =	vst v32  }
0x98: {  	v10 =	vmul.f32 v46, v49;
	[tilespmem:s24+$0x1D60] =	vst v7  }
0x99: {  	v28 =	vld [tilespmem:s24+$0x1D50];
	v8 =	vmul.f32 v47, v49;
	[tilespmem:s24+$0x1BD0] =	vst v12  }
0x9a: {  	v30 =	vld [tilespmem:s24+$0x1D70];
	v9 =	vmul.f32 v48, v49;
	[tilespmem:s24+$0x1C10] =	vst v10  }
0x9b: {  	v50 =	vld [tilespmem:s24+$0x1C40];
	v5 =	vbroadcast v2, $0xF;
	v11 =	vmul.f32 v51, v49;
	[tilespmem:s24+$0x1C20] =	vst v8  }
0x9c: {  	v54 =	vld [tilespmem:s24+$0x1C80];
	v13 =	vmul.f32 v52, v49;
	[tilespmem:s24+$0x1C30] =	vst v9  }
0x9d: {  	v55 =	vld [tilespmem:s24+$0x1C90];
	v35 =	vbroadcast v2, $0xC;
	v4 =	vmul.f32 v4, v5;
	[tilespmem:s24+$0x1C50] =	vst v11  }
0x9e: {  	v56 =	vld [tilespmem:s24+$0x1CA0];
	v40 =	vmul.f32 v28, v24;
	[tilespmem:s24+$0x1C60] =	vst v13  }
0x9f: {  	v60 =	vld [tilespmem:s24+$0x1CD0];
	v16 =	vmul.f32 v30, v35;
	[tilespmem:s24+$0x1F40] =	vst v4  }
0xa0: {  	v62 =	vld [tilespmem:s24+$0x1780];
	v12 =	vmul.f32 v50, v49;
	[tilespmem:s24+$0x1D50] =	vst v40  }
0xa1: {  	v63 =	vld [tilespmem:s24+$0x17B0];
	v10 =	vmul.f32 v54, v6;
	[tilespmem:s24+$0x1D70] =	vst v16  }
0xa2: {  	v20 =	vld [tilespmem:s24+$0x17C0];
	v8 =	vmul.f32 v55, v6;
	[tilespmem:s24+$0x1C40] =	vst v12  }
0xa3: {  	v33 =	vld [tilespmem:s24+$0x1DA0];
	v9 =	vmul.f32 v56, v6;
	[tilespmem:s24+$0x1C80] =	vst v10  }
0xa4: {  	v61 =	vld [tilespmem:s24+$0x1F60];
	v6 =	vmul.f32 v60, v6;
	[tilespmem:s24+$0x1C90] =	vst v8  }
0xa5: {  	v38 =	vld [tilespmem:s24+$0x1DE0];
	v13 =	vmul.f32 v62, v3;
	[tilespmem:s24+$0x1CA0] =	vst v9  }
0xa6: {  	v22 =	vld [tilespmem:s24+$0x1D10];
	v4 =	vmul.f32 v63, v3;
	[tilespmem:s24+$0x1CD0] =	vst v6  }
0xa7: {  	v23 =	vld [tilespmem:s24+$0x1D20];
	v3 =	vmul.f32 v20, v3;
	[tilespmem:s24+$0x1780] =	vst v13  }
0xa8: {  	v26 =	vld [tilespmem:s24+$0x1D30];
	v62 =	vmul.f32 v33, v35;
	[tilespmem:s24+$0x17B0] =	vst v4  }
0xa9: {  	v31 =	vld [tilespmem:s24+$0x1D80];
	v63 =	vmul.f32 v61, v5;
	[tilespmem:s24+$0x17C0] =	vst v3  }
0xaa: {  	v34 =	vld [tilespmem:s24+$0x1DB0];
	v16 =	vmul.f32 v38, v35;
	[tilespmem:s24+$0x1DA0] =	vst v62  }
0xab: {  	v41 =	vld [tilespmem:s24+$0x1E10];
	v8 =	vmul.f32 v22, v24;
	[tilespmem:s24+$0x1F60] =	vst v63  }
0xac: {  	v46 =	vld [tilespmem:s24+$0x1E50];
	v9 =	vmul.f32 v23, v24;
	[tilespmem:s24+$0x1DE0] =	vst v16  }
0xad: {  	v6 =	vmul.f32 v26, v24;
	v3 =	vld [tilespmem:s24+$0x1E00];
	[tilespmem:s24+$0x1D10] =	vst v8  }
0xae: {  	v36 =	vld [tilespmem:s24+$0x1DC0];
	v44 =	vbroadcast v2, $0xD;
	v10 =	vmul.f32 v31, v35;
	[tilespmem:s24+$0x1D20] =	vst v9  }
0xaf: {  	v37 =	vld [tilespmem:s24+$0x1DD0];
	v13 =	vmul.f32 v34, v35;
	[tilespmem:s24+$0x1D30] =	vst v6  }
0xb0: {  	v39 =	vld [tilespmem:s24+$0x1DF0];
	v12 =	vmul.f32 v41, v44;
	[tilespmem:s24+$0x1D80] =	vst v10  }
0xb1: {  	v42 =	vld [tilespmem:s24+$0x1E20];
	v51 =	vmul.f32 v46, v44;
	[tilespmem:s24+$0x1DB0] =	vst v13  }
0xb2: {  	v48 =	vld [tilespmem:s24+$0x1E80];
	[tilespmem:s24+$0x1E10] =	vst v12;
	v3 =	vmul.f32 v3, v44  }
0xb3: {  	v49 =	vld [tilespmem:s24+$0x1E90];
	v9 =	vmul.f32 v36, v35;
	[tilespmem:s24+$0x1E50] =	vst v51  }
0xb4: {  	v6 =	vmul.f32 v37, v35;
	[tilespmem:s24+$0x1E00] =	vst v3;
	v3 =	vld [tilespmem:s24+$0x1E70]  }
0xb5: {  	v2 =	vbroadcast v2, $0xE;
	v50 =	vld [tilespmem:s24+$0x1EA0];
	v10 =	vmul.f32 v39, v44;
	[tilespmem:s24+$0x1DC0] =	vst v9  }
0xb6: {  	v45 =	vld [tilespmem:s24+$0x1E40];
	v13 =	vmul.f32 v42, v44;
	[tilespmem:s24+$0x1DD0] =	vst v6  }
0xb7: {  	v47 =	vld [tilespmem:s24+$0x1E60];
	v12 =	vmul.f32 v48, v2;
	[tilespmem:s24+$0x1DF0] =	vst v10  }
0xb8: {  	v43 =	vld [tilespmem:s24+$0x1E30];
	v11 =	vmul.f32 v49, v2;
	[tilespmem:s24+$0x1E20] =	vst v13  }
0xb9: {  	v55 =	vld [tilespmem:s24+$0x1EF0];
	[tilespmem:s24+$0x1E80] =	vst v12;
	v3 =	vmul.f32 v3, v2  }
0xba: {  	v57 =	vld [tilespmem:s24+$0x1F10];
	v7 =	vmul.f32 v50, v2;
	[tilespmem:s24+$0x1E90] =	vst v11  }
0xbb: {  	v6 =	vmul.f32 v45, v44;
	[tilespmem:s24+$0x1E70] =	vst v3;
	v3 =	vld [tilespmem:s24+$0x1EE0]  }
0xbc: {  	v52 =	vld [tilespmem:s24+$0x1EB0];
	v10 =	vmul.f32 v47, v44;
	[tilespmem:s24+$0x1EA0] =	vst v7  }
0xbd: {  	v56 =	vld [tilespmem:s24+$0x1F00];
	v9 =	vmul.f32 v43, v44;
	[tilespmem:s24+$0x1E40] =	vst v6  }
0xbe: {  	v54 =	vld [tilespmem:s24+$0x1ED0];
	v12 =	vmul.f32 v55, v5;
	[tilespmem:s24+$0x1E60] =	vst v10  }
0xbf: {  	v58 =	vld [tilespmem:s24+$0x1F20];
	v7 =	vmul.f32 v57, v5;
	[tilespmem:s24+$0x1E30] =	vst v9  }
0xc0: {  	v53 =	vld [tilespmem:s24+$0x1EC0];
	[tilespmem:s24+$0x1EF0] =	vst v12;
	v3 =	vmul.f32 v3, v2  }
0xc1: {  	v59 =	vld [tilespmem:s24+$0x1F30];
	v6 =	vmul.f32 v52, v2;
	[tilespmem:s24+$0x1F10] =	vst v7  }
0xc2: {  	v60 =	vld [tilespmem:s24+$0x1F50];
	[tilespmem:s24+$0x1EE0] =	vst v3;
	v3 =	vmul.f32 v56, v5  }
0xc3: {  	v10 =	vmul.f32 v54, v2;
	[tilespmem:s24+$0x1EB0] =	vst v6  }
0xc4: {  	v4 =	vld [tilespmem:s24+$0x1D90];
	[tilespmem:s24+$0x1F00] =	vst v3;
	v3 =	vmul.f32 v58, v5  }
0xc5: {  	[tilespmem:s24+$0x1ED0] =	vst v10;
	v2 =	vmul.f32 v53, v2  }
0xc6: {  	[tilespmem:s24+$0x1F20] =	vst v3;
	v3 =	vmul.f32 v59, v5  }
0xc7: {  	[tilespmem:s24+$0x1EC0] =	vst v2;
	v5 =	vmul.f32 v60, v5  }
0xc8: {  	[tilespmem:s24+$0x1F30] =	vst v3  }
0xc9: {  	s25 =	simm.s32 $0x1;
	v3 =	vmul.f32 v4, v35;
	[tilespmem:s24+$0x1F50] =	vst v5  }
.LBB2_8:
0xca: {  	s26 =	sshll.u32 s25, $0x4  }
0xcb: {  	p0 =	sne.s32 s25, $0x4;
	[tilespmem:s24+$0x1D90] =	vst v3;
	s24 =	smov.u32 s25;
	s25 =	sadd.s32 $0x1, s25  }
0xcc: {  	s26 =	sand.u32 $0x3FFFFFF0, s26  }
0xcd: {  	v2 =	vld.idx.msk [tilespmem:v1+s26+$0x0 ss:$0x1], $0xffff  }
0xce: {  	s24 =	sshll.u32 s24, $0xB  }
0xcf: {  	s24 =	sand.u32 $0x3FFFF800, s24  }
0xd0: {  	v9 =	vld [tilespmem:s24+$0x1830]  }
0xd1: {  	v10 =	vld [tilespmem:s24+$0x1840]  }
0xd2: {  	v11 =	vld [tilespmem:s24+$0x1820]  }
0xd3: {  	v3 =	vbroadcast v2, $0x0;
	v8 =	vbroadcast v2, $0x4;
	v4 =	vld [tilespmem:s24+$0x1790]  }
0xd4: {  	v6 =	vld [tilespmem:s24+$0x17A0]  }
0xd5: {  	v7 =	vld [tilespmem:s24+$0x1CE0]  }
0xd6: {  	v12 =	vld [tilespmem:s24+$0x17D0]  }
0xd7: {  	v13 =	vld [tilespmem:s24+$0x17E0]  }
0xd8: {  	v5 =	vbroadcast v2, $0xA;
	v4 =	vmul.f32 v4, v3;
	v14 =	vld [tilespmem:s24+$0x17F0]  }
0xd9: {  	v6 =	vmul.f32 v6, v3;
	v15 =	vld [tilespmem:s24+$0x1800]  }
0xda: {  	[tilespmem:s24+$0x1790] =	vst v4;
	v16 =	vld [tilespmem:s24+$0x1810];
	v4 =	vmul.f32 v7, v5  }
0xdb: {  	[tilespmem:s24+$0x17A0] =	vst v6;
	v7 =	vmul.f32 v12, v3;
	v12 =	vbroadcast v2, $0x1;
	v6 =	vld [tilespmem:s24+$0x1CF0]  }
0xdc: {  	v13 =	vmul.f32 v13, v3;
	[tilespmem:s24+$0x1CE0] =	vst v4;
	v4 =	vld [tilespmem:s24+$0x1F40]  }
0xdd: {  	[tilespmem:s24+$0x17D0] =	vst v7;
	v14 =	vmul.f32 v14, v12;
	v7 =	vld [tilespmem:s24+$0x1D00]  }
0xde: {  	[tilespmem:s24+$0x17E0] =	vst v13;
	v13 =	vmul.f32 v15, v12;
	v15 =	vld [tilespmem:s24+$0x1850]  }
0xdf: {  	[tilespmem:s24+$0x17F0] =	vst v14;
	v14 =	vmul.f32 v16, v12;
	v16 =	vld [tilespmem:s24+$0x1860]  }
0xe0: {  	v11 =	vmul.f32 v11, v12;
	[tilespmem:s24+$0x1800] =	vst v13;
	v13 =	vld [tilespmem:s24+$0x1870]  }
0xe1: {  	v9 =	vmul.f32 v9, v12;
	[tilespmem:s24+$0x1810] =	vst v14;
	v14 =	vld [tilespmem:s24+$0x1880]  }
0xe2: {  	v10 =	vmul.f32 v10, v12;
	[tilespmem:s24+$0x1820] =	vst v11;
	v11 =	vld [tilespmem:s24+$0x1890]  }
0xe3: {  	[tilespmem:s24+$0x1830] =	vst v9;
	v9 =	vmul.f32 v15, v12;
	v15 =	vbroadcast v2, $0x2;
	v17 =	vld [tilespmem:s24+$0x18A0]  }
0xe4: {  	[tilespmem:s24+$0x1840] =	vst v10;
	v10 =	vmul.f32 v16, v12;
	v12 =	vld [tilespmem:s24+$0x18B0]  }
0xe5: {  	[tilespmem:s24+$0x1850] =	vst v9;
	v9 =	vmul.f32 v13, v15;
	v13 =	vld [tilespmem:s24+$0x18C0]  }
0xe6: {  	[tilespmem:s24+$0x1860] =	vst v10;
	v10 =	vmul.f32 v14, v15;
	v14 =	vld [tilespmem:s24+$0x18D0]  }
0xe7: {  	[tilespmem:s24+$0x1870] =	vst v9;
	v9 =	vmul.f32 v11, v15;
	v11 =	vld [tilespmem:s24+$0x18E0]  }
0xe8: {  	[tilespmem:s24+$0x1880] =	vst v10;
	v10 =	vmul.f32 v17, v15;
	v16 =	vld [tilespmem:s24+$0x18F0]  }
0xe9: {  	[tilespmem:s24+$0x1890] =	vst v9;
	v9 =	vmul.f32 v12, v15;
	v12 =	vld [tilespmem:s24+$0x1900]  }
0xea: {  	[tilespmem:s24+$0x18A0] =	vst v10;
	v10 =	vmul.f32 v13, v15;
	v13 =	vld [tilespmem:s24+$0x1910]  }
0xeb: {  	[tilespmem:s24+$0x18B0] =	vst v9;
	v9 =	vmul.f32 v14, v15;
	v14 =	vbroadcast v2, $0x3;
	v17 =	vld [tilespmem:s24+$0x1920]  }
0xec: {  	[tilespmem:s24+$0x18C0] =	vst v10;
	v10 =	vmul.f32 v11, v15;
	v11 =	vld [tilespmem:s24+$0x1930]  }
0xed: {  	[tilespmem:s24+$0x18D0] =	vst v9;
	v9 =	vmul.f32 v16, v14;
	v15 =	vld [tilespmem:s24+$0x1940]  }
0xee: {  	[tilespmem:s24+$0x18E0] =	vst v10;
	v10 =	vmul.f32 v12, v14;
	v12 =	vld [tilespmem:s24+$0x1950]  }
0xef: {  	[tilespmem:s24+$0x18F0] =	vst v9;
	v9 =	vmul.f32 v13, v14;
	v13 =	vld [tilespmem:s24+$0x1960]  }
0xf0: {  	[tilespmem:s24+$0x1900] =	vst v10;
	v10 =	vmul.f32 v17, v14;
	v16 =	vld [tilespmem:s24+$0x1970]  }
0xf1: {  	[tilespmem:s24+$0x1910] =	vst v9;
	v9 =	vmul.f32 v11, v14;
	v11 =	vld [tilespmem:s24+$0x1980]  }
0xf2: {  	[tilespmem:s24+$0x1920] =	vst v10;
	v10 =	vmul.f32 v15, v14;
	v15 =	vld [tilespmem:s24+$0x1990]  }
0xf3: {  	[tilespmem:s24+$0x1930] =	vst v9;
	v9 =	vmul.f32 v12, v14;
	v12 =	vld [tilespmem:s24+$0x19A0]  }
0xf4: {  	[tilespmem:s24+$0x1940] =	vst v10;
	v10 =	vmul.f32 v13, v14;
	v13 =	vld [tilespmem:s24+$0x19B0]  }
0xf5: {  	[tilespmem:s24+$0x1950] =	vst v9;
	v9 =	vmul.f32 v16, v8;
	v14 =	vld [tilespmem:s24+$0x19C0]  }
0xf6: {  	[tilespmem:s24+$0x1960] =	vst v10;
	v10 =	vmul.f32 v11, v8;
	v11 =	vld [tilespmem:s24+$0x19D0]  }
0xf7: {  	[tilespmem:s24+$0x1970] =	vst v9;
	v9 =	vmul.f32 v15, v8;
	v15 =	vld [tilespmem:s24+$0x19E0]  }
0xf8: {  	[tilespmem:s24+$0x1980] =	vst v10;
	v10 =	vmul.f32 v12, v8;
	v12 =	vld [tilespmem:s24+$0x19F0]  }
0xf9: {  	[tilespmem:s24+$0x1990] =	vst v9;
	v9 =	vmul.f32 v13, v8;
	v13 =	vld [tilespmem:s24+$0x1A00]  }
0xfa: {  	[tilespmem:s24+$0x19A0] =	vst v10;
	v10 =	vmul.f32 v14, v8;
	v14 =	vld [tilespmem:s24+$0x1A10]  }
0xfb: {  	[tilespmem:s24+$0x19B0] =	vst v9;
	v9 =	vmul.f32 v11, v8;
	v11 =	vbroadcast v2, $0x5;
	v16 =	vld [tilespmem:s24+$0x1A20]  }
0xfc: {  	[tilespmem:s24+$0x19C0] =	vst v10;
	v8 =	vmul.f32 v15, v8;
	v10 =	vld [tilespmem:s24+$0x1A30]  }
0xfd: {  	[tilespmem:s24+$0x19D0] =	vst v9;
	v9 =	vmul.f32 v12, v11;
	v12 =	vld [tilespmem:s24+$0x1A40]  }
0xfe: {  	[tilespmem:s24+$0x19E0] =	vst v8;
	v8 =	vmul.f32 v13, v11;
	v13 =	vld [tilespmem:s24+$0x1A50]  }
0xff: {  	[tilespmem:s24+$0x19F0] =	vst v9;
	v9 =	vmul.f32 v14, v11;
	v14 =	vld [tilespmem:s24+$0x1A60]  }
0x100: {  	[tilespmem:s24+$0x1A00] =	vst v8;
	v8 =	vmul.f32 v16, v11;
	v15 =	vld [tilespmem:s24+$0x1A70]  }
0x101: {  	[tilespmem:s24+$0x1A10] =	vst v9;
	v9 =	vmul.f32 v10, v11;
	v10 =	vld [tilespmem:s24+$0x1A80]  }
0x102: {  	[tilespmem:s24+$0x1A20] =	vst v8;
	v8 =	vmul.f32 v12, v11;
	v12 =	vld [tilespmem:s24+$0x1A90]  }
0x103: {  	[tilespmem:s24+$0x1A30] =	vst v9;
	v9 =	vmul.f32 v13, v11;
	v13 =	vbroadcast v2, $0x6;
	v16 =	vld [tilespmem:s24+$0x1AA0]  }
0x104: {  	[tilespmem:s24+$0x1A40] =	vst v8;
	v8 =	vmul.f32 v14, v11;
	v11 =	vld [tilespmem:s24+$0x1AB0]  }
0x105: {  	[tilespmem:s24+$0x1A50] =	vst v9;
	v9 =	vmul.f32 v15, v13;
	v14 =	vld [tilespmem:s24+$0x1AC0]  }
0x106: {  	[tilespmem:s24+$0x1A60] =	vst v8;
	v8 =	vmul.f32 v10, v13;
	v10 =	vld [tilespmem:s24+$0x1AD0]  }
0x107: {  	[tilespmem:s24+$0x1A70] =	vst v9;
	v9 =	vmul.f32 v12, v13;
	v12 =	vld [tilespmem:s24+$0x1AE0]  }
0x108: {  	[tilespmem:s24+$0x1A80] =	vst v8;
	v8 =	vmul.f32 v16, v13;
	v15 =	vld [tilespmem:s24+$0x1AF0]  }
0x109: {  	[tilespmem:s24+$0x1A90] =	vst v9;
	v9 =	vmul.f32 v11, v13;
	v11 =	vld [tilespmem:s24+$0x1B00]  }
0x10a: {  	[tilespmem:s24+$0x1AA0] =	vst v8;
	v8 =	vmul.f32 v14, v13;
	v14 =	vld [tilespmem:s24+$0x1B10]  }
0x10b: {  	[tilespmem:s24+$0x1AB0] =	vst v9;
	v9 =	vmul.f32 v10, v13;
	v10 =	vbroadcast v2, $0x7;
	v16 =	vld [tilespmem:s24+$0x1B20]  }
0x10c: {  	[tilespmem:s24+$0x1AC0] =	vst v8;
	v8 =	vmul.f32 v12, v13;
	v12 =	vld [tilespmem:s24+$0x1B30]  }
0x10d: {  	[tilespmem:s24+$0x1AD0] =	vst v9;
	v9 =	vmul.f32 v15, v10;
	v13 =	vld [tilespmem:s24+$0x1B40]  }
0x10e: {  	[tilespmem:s24+$0x1AE0] =	vst v8;
	v8 =	vmul.f32 v11, v10;
	v11 =	vld [tilespmem:s24+$0x1B50]  }
0x10f: {  	[tilespmem:s24+$0x1AF0] =	vst v9;
	v9 =	vmul.f32 v14, v10;
	v14 =	vld [tilespmem:s24+$0x1B60]  }
0x110: {  	[tilespmem:s24+$0x1B00] =	vst v8;
	v8 =	vmul.f32 v16, v10;
	v15 =	vld [tilespmem:s24+$0x1B70]  }
0x111: {  	[tilespmem:s24+$0x1B10] =	vst v9;
	v9 =	vmul.f32 v12, v10;
	v12 =	vld [tilespmem:s24+$0x1B80]  }
0x112: {  	[tilespmem:s24+$0x1B20] =	vst v8;
	v8 =	vmul.f32 v13, v10;
	v13 =	vld [tilespmem:s24+$0x1B90]  }
0x113: {  	[tilespmem:s24+$0x1B30] =	vst v9;
	v9 =	vmul.f32 v11, v10;
	v11 =	vbroadcast v2, $0x8;
	v16 =	vld [tilespmem:s24+$0x1BA0]  }
0x114: {  	[tilespmem:s24+$0x1B40] =	vst v8;
	v8 =	vmul.f32 v14, v10;
	v10 =	vld [tilespmem:s24+$0x1BB0]  }
0x115: {  	[tilespmem:s24+$0x1B50] =	vst v9;
	v9 =	vmul.f32 v15, v11;
	v14 =	vld [tilespmem:s24+$0x1BC0]  }
0x116: {  	[tilespmem:s24+$0x1B60] =	vst v8;
	v8 =	vmul.f32 v12, v11;
	v12 =	vld [tilespmem:s24+$0x1BD0]  }
0x117: {  	[tilespmem:s24+$0x1B70] =	vst v9;
	v9 =	vmul.f32 v13, v11;
	v13 =	vld [tilespmem:s24+$0x1BE0]  }
0x118: {  	[tilespmem:s24+$0x1B80] =	vst v8;
	v8 =	vmul.f32 v16, v11;
	v15 =	vld [tilespmem:s24+$0x1BF0]  }
0x119: {  	[tilespmem:s24+$0x1B90] =	vst v9;
	v9 =	vmul.f32 v10, v11;
	v10 =	vld [tilespmem:s24+$0x1C00]  }
0x11a: {  	[tilespmem:s24+$0x1BA0] =	vst v8;
	v8 =	vmul.f32 v14, v11;
	v14 =	vld [tilespmem:s24+$0x1C10]  }
0x11b: {  	[tilespmem:s24+$0x1BB0] =	vst v9;
	v9 =	vmul.f32 v12, v11;
	v12 =	vbroadcast v2, $0x9;
	v16 =	vld [tilespmem:s24+$0x1C20]  }
0x11c: {  	[tilespmem:s24+$0x1BC0] =	vst v8;
	v8 =	vmul.f32 v13, v11;
	v11 =	vld [tilespmem:s24+$0x1C30]  }
0x11d: {  	[tilespmem:s24+$0x1BD0] =	vst v9;
	v9 =	vmul.f32 v15, v12;
	v13 =	vld [tilespmem:s24+$0x1C40]  }
0x11e: {  	[tilespmem:s24+$0x1BE0] =	vst v8;
	v8 =	vmul.f32 v10, v12;
	v10 =	vld [tilespmem:s24+$0x1C50]  }
0x11f: {  	[tilespmem:s24+$0x1BF0] =	vst v9;
	v9 =	vmul.f32 v14, v12;
	v14 =	vld [tilespmem:s24+$0x1C60]  }
0x120: {  	[tilespmem:s24+$0x1C00] =	vst v8;
	v8 =	vmul.f32 v16, v12;
	v15 =	vld [tilespmem:s24+$0x1C70]  }
0x121: {  	[tilespmem:s24+$0x1C10] =	vst v9;
	v9 =	vmul.f32 v11, v12;
	v11 =	vld [tilespmem:s24+$0x1C80]  }
0x122: {  	[tilespmem:s24+$0x1C20] =	vst v8;
	v8 =	vmul.f32 v13, v12;
	v13 =	vld [tilespmem:s24+$0x1C90]  }
0x123: {  	[tilespmem:s24+$0x1C30] =	vst v9;
	v9 =	vmul.f32 v10, v12;
	v10 =	vld [tilespmem:s24+$0x1CA0]  }
0x124: {  	[tilespmem:s24+$0x1C40] =	vst v8;
	v8 =	vmul.f32 v14, v12;
	v12 =	vld [tilespmem:s24+$0x1CB0]  }
0x125: {  	[tilespmem:s24+$0x1C50] =	vst v9;
	v9 =	vmul.f32 v15, v5;
	v14 =	vld [tilespmem:s24+$0x1CC0]  }
0x126: {  	[tilespmem:s24+$0x1C60] =	vst v8;
	v8 =	vmul.f32 v11, v5;
	v11 =	vld [tilespmem:s24+$0x1CD0]  }
0x127: {  	v15 =	vld [tilespmem:s24+$0x1770];
	[tilespmem:s24+$0x1C70] =	vst v9;
	v9 =	vmul.f32 v13, v5  }
0x128: {  	v13 =	vld [tilespmem:s24+$0x1780];
	[tilespmem:s24+$0x1C80] =	vst v8;
	v8 =	vmul.f32 v10, v5  }
0x129: {  	v10 =	vld [tilespmem:s24+$0x17B0];
	[tilespmem:s24+$0x1C90] =	vst v9;
	v9 =	vmul.f32 v12, v5  }
0x12a: {  	v12 =	vld [tilespmem:s24+$0x17C0];
	[tilespmem:s24+$0x1CA0] =	vst v8;
	v8 =	vmul.f32 v14, v5  }
0x12b: {  	[tilespmem:s24+$0x1CB0] =	vst v9;
	v9 =	vmul.f32 v11, v5;
	v11 =	vbroadcast v2, $0xB;
	v14 =	vld [tilespmem:s24+$0x1D10]  }
0x12c: {  	v5 =	vbroadcast v2, $0xF;
	v15 =	vmul.f32 v3, v15;
	[tilespmem:s24+$0x1CC0] =	vst v8;
	v8 =	vld [tilespmem:s24+$0x1D20]  }
0x12d: {  	v13 =	vmul.f32 v13, v3;
	[tilespmem:s24+$0x1CD0] =	vst v9;
	v6 =	vmul.f32 v6, v11;
	v9 =	vld [tilespmem:s24+$0x1D30]  }
0x12e: {  	v7 =	vmul.f32 v7, v11;
	[tilespmem:s24+$0x1770] =	vst v15;
	v10 =	vmul.f32 v10, v3;
	v15 =	vld [tilespmem:s24+$0x1D40]  }
0x12f: {  	v4 =	vmul.f32 v4, v5;
	v12 =	vmul.f32 v12, v3;
	[tilespmem:s24+$0x1CF0] =	vst v6;
	v3 =	vld [tilespmem:s24+$0x1D50]  }
0x130: {  	[tilespmem:s24+$0x1D00] =	vst v7;
	v6 =	vmul.f32 v14, v11;
	v7 =	vld [tilespmem:s24+$0x1D60]  }
0x131: {  	v8 =	vmul.f32 v8, v11;
	v14 =	vld [tilespmem:s24+$0x1D70];
	[tilespmem:s24+$0x1F40] =	vst v4  }
0x132: {  	[tilespmem:s24+$0x1780] =	vst v13;
	v4 =	vmul.f32 v9, v11;
	v9 =	vld [tilespmem:s24+$0x1D80]  }
0x133: {  	[tilespmem:s24+$0x17B0] =	vst v10;
	v10 =	vmul.f32 v15, v11;
	v13 =	vld [tilespmem:s24+$0x1D90]  }
0x134: {  	v15 =	vbroadcast v2, $0xC;
	[tilespmem:s24+$0x1D10] =	vst v6;
	v6 =	vmul.f32 v3, v11;
	v16 =	vld [tilespmem:s24+$0x1DA0]  }
0x135: {  	[tilespmem:s24+$0x1D40] =	vst v10;
	v7 =	vmul.f32 v7, v11;
	v10 =	vld [tilespmem:s24+$0x1DB0]  }
0x136: {  	[tilespmem:s24+$0x1D20] =	vst v8;
	v3 =	vmul.f32 v14, v15;
	v8 =	vld [tilespmem:s24+$0x1DC0]  }
0x137: {  	[tilespmem:s24+$0x1D30] =	vst v4;
	v4 =	vmul.f32 v9, v15;
	v9 =	vld [tilespmem:s24+$0x1DD0]  }
0x138: {  	[tilespmem:s24+$0x1D70] =	vst v3;
	v3 =	vmul.f32 v13, v15;
	v11 =	vld [tilespmem:s24+$0x1DE0]  }
0x139: {  	[tilespmem:s24+$0x1D80] =	vst v4;
	v4 =	vld [tilespmem:s24+$0x1DF0]  }
0x13a: {  	[tilespmem:s24+$0x17C0] =	vst v12;
	v10 =	vmul.f32 v10, v15;
	v12 =	vld [tilespmem:s24+$0x1E00]  }
0x13b: {  	[tilespmem:s24+$0x1D50] =	vst v6;
	v6 =	vmul.f32 v8, v15;
	v8 =	vld [tilespmem:s24+$0x1E10]  }
0x13c: {  	[tilespmem:s24+$0x1DB0] =	vst v10;
	v9 =	vmul.f32 v9, v15;
	v10 =	vbroadcast v2, $0xD;
	v13 =	vld [tilespmem:s24+$0x1E20]  }
0x13d: {  	[tilespmem:s24+$0x1DC0] =	vst v6;
	v6 =	vmul.f32 v11, v15;
	v11 =	vld [tilespmem:s24+$0x1E30]  }
0x13e: {  	[tilespmem:s24+$0x1DD0] =	vst v9;
	v4 =	vmul.f32 v4, v10;
	v9 =	vld [tilespmem:s24+$0x1E40]  }
0x13f: {  	[tilespmem:s24+$0x1DE0] =	vst v6;
	v6 =	vmul.f32 v12, v10;
	v12 =	vld [tilespmem:s24+$0x1E50]  }
0x140: {  	[tilespmem:s24+$0x1DF0] =	vst v4;
	v4 =	vmul.f32 v8, v10;
	v8 =	vld [tilespmem:s24+$0x1E60]  }
0x141: {  	[tilespmem:s24+$0x1E00] =	vst v6;
	v6 =	vmul.f32 v13, v10;
	v13 =	vld [tilespmem:s24+$0x1E70]  }
0x142: {  	[tilespmem:s24+$0x1E10] =	vst v4;
	v4 =	vmul.f32 v11, v10;
	v11 =	vld [tilespmem:s24+$0x1E80]  }
0x143: {  	[tilespmem:s24+$0x1E20] =	vst v6;
	v6 =	vmul.f32 v9, v10;
	v9 =	vld [tilespmem:s24+$0x1E90]  }
0x144: {  	v2 =	vbroadcast v2, $0xE;
	[tilespmem:s24+$0x1D60] =	vst v7;
	v7 =	vmul.f32 v12, v10;
	v12 =	vld [tilespmem:s24+$0x1EA0]  }
0x145: {  	[tilespmem:s24+$0x1E40] =	vst v6;
	v6 =	vmul.f32 v8, v10;
	v8 =	vld [tilespmem:s24+$0x1EB0]  }
0x146: {  	[tilespmem:s24+$0x1E50] =	vst v7;
	v7 =	vmul.f32 v13, v2;
	v10 =	vld [tilespmem:s24+$0x1EC0]  }
0x147: {  	[tilespmem:s24+$0x1E60] =	vst v6;
	v6 =	vmul.f32 v11, v2;
	v11 =	vld [tilespmem:s24+$0x1ED0]  }
0x148: {  	[tilespmem:s24+$0x1E70] =	vst v7;
	v7 =	vmul.f32 v9, v2;
	v9 =	vld [tilespmem:s24+$0x1EE0]  }
0x149: {  	[tilespmem:s24+$0x1E80] =	vst v6;
	v6 =	vmul.f32 v12, v2;
	v12 =	vld [tilespmem:s24+$0x1EF0]  }
0x14a: {  	[tilespmem:s24+$0x1E90] =	vst v7;
	v7 =	vmul.f32 v8, v2;
	v8 =	vld [tilespmem:s24+$0x1F00]  }
0x14b: {  	[tilespmem:s24+$0x1EA0] =	vst v6;
	v6 =	vmul.f32 v10, v2;
	v10 =	vld [tilespmem:s24+$0x1F10]  }
0x14c: {  	[tilespmem:s24+$0x1EB0] =	vst v7;
	v7 =	vmul.f32 v11, v2;
	v11 =	vld [tilespmem:s24+$0x1F20]  }
0x14d: {  	[tilespmem:s24+$0x1E30] =	vst v4;
	v2 =	vmul.f32 v9, v2;
	v4 =	vld [tilespmem:s24+$0x1F30]  }
0x14e: {  	[tilespmem:s24+$0x1ED0] =	vst v7;
	v7 =	vmul.f32 v12, v5;
	v9 =	vld [tilespmem:s24+$0x1F50]  }
0x14f: {  	[tilespmem:s24+$0x1EE0] =	vst v2;
	v2 =	vmul.f32 v8, v5;
	v8 =	vld [tilespmem:s24+$0x1F60]  }
0x150: {  	[tilespmem:s24+$0x1EF0] =	vst v7;
	v7 =	vmul.f32 v10, v5  }
0x151: {  	[tilespmem:s24+$0x1F00] =	vst v2;
	v2 =	vmul.f32 v11, v5  }
0x152: {  	v10 =	vmul.f32 v16, v15;
	[tilespmem:s24+$0x1F10] =	vst v7  }
0x153: {  	[tilespmem:s24+$0x1F20] =	vst v2;
	v2 =	vmul.f32 v4, v5  }
.Ltmp2:
0x154: {  	[tilespmem:s24+$0x1DA0] =	vst v10;
	v4 =	vmul.f32 v8, v5;
	(pc) =	sbr.rel @p0 .LBB2_8-.Ltmp2, $4  }
0x155: {  	[tilespmem:s24+$0x1F30] =	vst v2  }
0x156: {  	v2 =	vmul.f32 v9, v5;
	[tilespmem:s24+$0x1F60] =	vst v4  }
0x157: {  	[tilespmem:s24+$0x1EC0] =	vst v6  }
0x158: {  	[tilespmem:s24+$0x1F50] =	vst v2  }
0x159: {  	s22 =	sadd.s32 $0x1, s22  }
0x15a: {  	p0 =	sne.s32 s22, $0x19  }
.Ltmp3:
0x15b: {  	[tilespmem:s24+$0x1D90] =	vst v3;
	s23 =	sadd.s32 $0x7D0, s23;
	(pc) =	sbr.rel @p0 .LBB2_7-.Ltmp3, $4  }
0x15c: {  	[spmem:s6] =	stream.indirect.scatter.add.f32 [tilespmem:s17], [sflag:$0x2], $0x80, s23, s16, $0xb8;
	[tilespmem:$0x18770] =	vst v63  }
0x15d: {  	_ =	swait.ge [sflag:s13], $0x2800  }
0x15e: {  	[sflag:s13] =	ssyncset.done $0x0  }
0x15f: {  	[sflag:s13] =	ssyncadd.s32 $0xFFFFD800  }
0x160: {  	s21 =	sadd.s32 $0x1, s21  }
0x161: {  	p0 =	sne.s32 s21, $0x5  }
.Ltmp4:
0x162: {  	_ = 	snop;
	(pc) =	sbr.rel @p0 .LBB2_6-.Ltmp4, $1  }
0x163: {  	_ =	sdelay $0x3  }
0x164: {  	s7 =	sadd.s32 $0x1, s7  }
0x165: {  	s20 =	sshll.u32 s1, $0x6;
	p0 =	sne.s32 s7, s11  }
.Ltmp5:
0x166: {  	[bflag:$0x0] =	sbarrier.arrive $0xFFFF;
	s20 =	sor.u32 $0x1C02, s20;
	(pc) =	sbr.rel @p0 .LBB2_1-.Ltmp5, $4  }
0x167: {  	[hbm:s10], [sflag:s20] =	dma.local [spmem:s19], $0x2800  }
0x168: {  	_ =	swait.ge [sflag:s13], $0x2800  }
0x169: {  	[sflag:s13] =	ssyncset.done $0x0  }
0x16a: {  	[sflag:s13] =	ssyncadd.s32 $0xFFFFD800  }
0x16b: {  	_ =	sfence.sel $0x180000  }
0x16c: {  	[bflag:$0x0] =	sbarrier.arrive $0xFFFF  }
0x16d: {  	p0 =	sne.s32 s1, $0x0;
	_ =	strace $0x90000047  }
0x16e: {  	s0 =	sadd.s32 @!p0 $0x100000, s4;
	[bflag:$0x2] =	sbarrier.arrive $0xFFFF  }
0x16f: {  	[sflag:s0] =	ssyncadd.tile.s32 @!p0 $0x1;
	_ =	shalt  }
.Lfunc_end2:
_tile_overlayer_lowered:
.L_overlay_start_2:
0x170: {  	(tag) =	ssettag $0x2  }
0x171: {  	s0 =	rddreg [dreg:$0x0];
	s2 =	stileid.u32  }
0x172: {  	s1 =	rddreg [dreg:$0x1];
	p0 =	sne.s32 s2, $0x0  }
0x173: {  	s3 =	rddreg [dreg:$0x2];
	[bflag:$0x3] =	sbarrier.arrive $0xFFFF;
	s2 =	simm.s32 @!p0 $0x1C02  }
0x174: {  	[timem:s3], [sflag:s2] =	dma.local @!p0 [hbm:s0], s1  }
0x175: {  	s0 =	simm.s32 @!p0 $0x2  }
0x176: {  	_ =	swait.ge @!p0 [sflag:s0], s1  }
0x177: {  	s1 =	ssub.s32 @!p0 $0x0, s1;
	[sflag:s0] =	ssyncset.done @!p0 $0x0  }
0x178: {  	[sflag:s0] =	ssyncadd.s32 @!p0 s1  }
0x179: {  	[bflag:$0x3] =	sbarrier.arrive $0xFFFF  }
0x17a: {  	_ =	shalt  }

</sc_bundles>
